<compile_context>
chip_gen: v7x
topology: tpu7x:2x2x1
jax: 0.10.2.dev20260603
libtpu: 0.0.44.dev20260713+nightly
codegen_flags: <defaults>
</compile_context>

<pallas_src>
import functools

import jax
import jax.numpy as jnp
from jax import lax
from jax.experimental import pallas as pl
from jax.experimental.pallas import tpu as pltpu
from jax.experimental.pallas import tpu_sc as plsc

N = 10000
E = 320000
D = 128
G = 64

NC = 2
NS = 16
CHUNK = 128
ROWS = 2560
EPAD = ROWS * CHUNK
ROWS_PER_CORE = ROWS // NC
ROWS_PER_SUB = ROWS_PER_CORE // NS
GRP = 8
ACC_ROWS = N + 16
INIT_ROWS = 624
TAIL0 = NS * INIT_ROWS
TAIL_ROWS = N - TAIL0

_PREC = lax.Precision.HIGHEST


def _sc_aggregate(h, edges3):
    mesh = plsc.VectorSubcoreMesh(core_axis_name="c", subcore_axis_name="s")

    @functools.partial(
        pl.kernel,
        out_type=jax.ShapeDtypeStruct((NC, N, D), jnp.float32),
        mesh=mesh,
        scratch_types=[
            pltpu.VMEM((GRP, CHUNK), jnp.int32),
            pltpu.VMEM((GRP, CHUNK), jnp.int32),
            pltpu.VMEM((CHUNK, D), jnp.float32),
            pltpu.VMEM((CHUNK, D), jnp.float32),
            pltpu.VMEM_SHARED((ACC_ROWS, D), jnp.float32),
            pltpu.SemaphoreType.DMA,
            pltpu.SemaphoreType.DMA,
        ],
    )
    def agg_kernel(h_hbm, e_hbm, out_hbm, src_v, dst_v, rows_a, rows_b,
                   acc_sh, sem_a, sem_b):
        c = lax.axis_index("c")
        s = lax.axis_index("s")
        r0 = s * INIT_ROWS
        pltpu.sync_copy(
            h_hbm.at[pl.ds(r0, INIT_ROWS), :],
            acc_sh.at[pl.ds(r0, INIT_ROWS), :],
        )

        @pl.when(s == 0)
        def _():
            pltpu.sync_copy(
                h_hbm.at[pl.ds(TAIL0, TAIL_ROWS), :],
                acc_sh.at[pl.ds(TAIL0, TAIL_ROWS), :],
            )
        row0 = c * ROWS_PER_CORE + s * ROWS_PER_SUB
        plsc.subcore_barrier()

        @pl.loop(0, ROWS_PER_SUB // GRP)
        def _(g):
            g0 = row0 + g * GRP
            pltpu.sync_copy(e_hbm.at[0, pl.ds(g0, GRP), :], src_v)
            pltpu.sync_copy(e_hbm.at[1, pl.ds(g0, GRP), :], dst_v)
            pltpu.async_copy(h_hbm.at[src_v.at[0]], rows_a, sem_a)

            @pl.loop(0, GRP // 2)
            def _(i):
                j0 = 2 * i
                pltpu.make_async_copy(h_hbm.at[src_v.at[j0]], rows_a,
                                      sem_a).wait()
                pltpu.async_copy(h_hbm.at[src_v.at[j0 + 1]], rows_b, sem_b)
                pltpu.sync_copy(rows_a, acc_sh.at[dst_v.at[j0]], add=True)
                pltpu.make_async_copy(h_hbm.at[src_v.at[j0 + 1]], rows_b,
                                      sem_b).wait()

                @pl.when(j0 + 2 < GRP)
                def _():
                    pltpu.async_copy(h_hbm.at[src_v.at[j0 + 2]], rows_a,
                                     sem_a)

                pltpu.sync_copy(rows_b, acc_sh.at[dst_v.at[j0 + 1]],
                                add=True)

        plsc.subcore_barrier()
        pltpu.sync_copy(
            acc_sh.at[pl.ds(r0, INIT_ROWS), :],
            out_hbm.at[c, pl.ds(r0, INIT_ROWS), :],
        )

        @pl.when(s == 0)
        def _():
            pltpu.sync_copy(
                acc_sh.at[pl.ds(TAIL0, TAIL_ROWS), :],
                out_hbm.at[c, pl.ds(TAIL0, TAIL_ROWS), :],
            )

    return agg_kernel(h, edges3)


_NB = 10
_BN = N // _NB


def _mlp_body(relu_out, acc_ref, x_ref, wa_ref, ba_ref, wb_ref, bb_ref, o_ref):
    p = acc_ref[0] + acc_ref[1] - x_ref[...]
    t = jnp.dot(p, wa_ref[...], preferred_element_type=jnp.float32,
                precision=_PREC) + ba_ref[...]
    t = jnp.maximum(t, 0.0)
    o = jnp.dot(t, wb_ref[...], preferred_element_type=jnp.float32,
                precision=_PREC) + bb_ref[...]
    if relu_out:
        o = jnp.maximum(o, 0.0)
    o_ref[...] = o


def _mlp(acc, x, Wa, ba, Wb, bb, relu_out):
    return pl.pallas_call(
        functools.partial(_mlp_body, relu_out),
        grid=(_NB,),
        in_specs=[
            pl.BlockSpec((NC, _BN, D), lambda i: (0, i, 0)),
            pl.BlockSpec((_BN, D), lambda i: (i, 0)),
            pl.BlockSpec((D, D), lambda i: (0, 0)),
            pl.BlockSpec((1, D), lambda i: (0, 0)),
            pl.BlockSpec((D, D), lambda i: (0, 0)),
            pl.BlockSpec((1, D), lambda i: (0, 0)),
        ],
        out_specs=pl.BlockSpec((_BN, D), lambda i: (i, 0)),
        out_shape=jax.ShapeDtypeStruct((N, D), jnp.float32),
    )(acc, x, Wa, ba.reshape(1, D), Wb, bb.reshape(1, D))


def _pool_head_body(h_ref, b_ref, w_ref, lb_ref, hg_ref, lp_ref, acc_ref):
    i = pl.program_id(0)

    @pl.when(i == 0)
    def _():
        acc_ref[...] = jnp.zeros_like(acc_ref)

    seg = b_ref[0]
    onehot = (seg == lax.broadcasted_iota(jnp.int32, (G, _BN), 0)
              ).astype(jnp.float32)
    acc_ref[...] += jnp.dot(onehot, h_ref[...],
                            preferred_element_type=jnp.float32,
                            precision=_PREC)

    @pl.when(i == _NB - 1)
    def _():
        hg = acc_ref[...]
        hg_ref[...] = hg
        logits = jnp.dot(hg, w_ref[...], preferred_element_type=jnp.float32,
                         precision=_PREC) + lb_ref[...]
        m = jnp.max(logits, axis=1, keepdims=True)
        lse = jnp.log(jnp.sum(jnp.exp(logits - m), axis=1, keepdims=True)) + m
        lp_ref[...] = logits - lse


def _pool_head(h, batch3, lin_W, lin_b):
    return pl.pallas_call(
        _pool_head_body,
        grid=(_NB,),
        in_specs=[
            pl.BlockSpec((_BN, D), lambda i: (i, 0)),
            pl.BlockSpec((1, 1, _BN), lambda i: (i, 0, 0)),
            pl.BlockSpec((D, D), lambda i: (0, 0)),
            pl.BlockSpec((1, D), lambda i: (0, 0)),
        ],
        out_specs=[
            pl.BlockSpec((G, D), lambda i: (0, 0)),
            pl.BlockSpec((G, D), lambda i: (0, 0)),
        ],
        out_shape=[
            jax.ShapeDtypeStruct((G, D), jnp.float32),
            jax.ShapeDtypeStruct((G, D), jnp.float32),
        ],
        scratch_shapes=[pltpu.VMEM((G, D), jnp.float32)],
    )(h, batch3, lin_W, lin_b.reshape(1, D))


def kernel(x, edge_index, batch, W1a, b1a, W1b, b1b, W2a, b2a, W2b, b2b,
           W3a, b3a, W3b, b3b, W4a, b4a, W4b, b4b, lin_W, lin_b):
    pad = EPAD - E
    srcp = jnp.concatenate([edge_index[0], jnp.zeros((pad,), jnp.int32)])
    dstp = jnp.concatenate([edge_index[1], jnp.full((pad,), N, jnp.int32)])
    edges3 = jnp.stack([srcp, dstp]).reshape(2, ROWS, CHUNK)
    batch3 = batch.reshape(_NB, 1, _BN)

    h = x
    for (Wa, ba, Wb, bb, relu_out) in (
        (W1a, b1a, W1b, b1b, True),
        (W2a, b2a, W2b, b2b, True),
        (W3a, b3a, W3b, b3b, True),
        (W4a, b4a, W4b, b4b, False),
    ):
        acc = _sc_aggregate(h, edges3)
        h = _mlp(acc, h, Wa, ba, Wb, bb, relu_out)

    hg, logp = _pool_head(h, batch3, lin_W, lin_b)
    return (hg, logp)

# --- scband reference (transcript-rebuilt; emitter-appended) ---
"""Pipeline reference for scband-gin-41540923686985 (READ-ONLY COPY).

The authoritative reference and input builder live on the scoring server;
editing this copy changes nothing except your own understanding.
"""

import jax, jax.numpy as jnp
import numpy as np

N = 10000
E = 320000
D = 128
H = 128
OUT = 128
G = 64


def _lin_init(k, fan_in, fan_out):
    kw, kb = jax.random.split(k)
    scale = 1.0 / np.sqrt(fan_in)
    W = jax.random.uniform(kw, (fan_in, fan_out), minval=-scale, maxval=scale, dtype=jnp.float32)
    b = jax.random.uniform(kb, (fan_out,), minval=-scale, maxval=scale, dtype=jnp.float32)
    return W, b


def setup_inputs(seed: int = 0) -> dict:
    key = jax.random.key(seed)
    ks = jax.random.split(key, 16)
    inp = {}
    inp["x"] = jax.random.normal(ks[0], (N, D), dtype=jnp.float32)
    inp["edge_index"] = jax.random.randint(ks[1], (2, E), 0, N, dtype=jnp.int32)
    inp["batch"] = jnp.sort(jax.random.randint(ks[2], (N,), 0, G, dtype=jnp.int32))
    dims = [(D, H), (H, H), (H, H), (H, H)]
    for i, (din, dh) in enumerate(dims, start=1):
        Wa, ba = _lin_init(ks[2 + 2 * i], din, dh)
        Wb, bb = _lin_init(ks[3 + 2 * i], dh, dh)
        inp[f"W{i}a"] = Wa
        inp[f"b{i}a"] = ba
        inp[f"W{i}b"] = Wb
        inp[f"b{i}b"] = bb
    lin_W, lin_b = _lin_init(ks[15], H, OUT)
    inp["lin_W"] = lin_W
    inp["lin_b"] = lin_b
    return inp


def _gin_conv(x, src, dst, Wa, ba, Wb, bb):
    # GIN aggregation (eps=0): x + sum over incoming neighbor messages, then 2-layer MLP
    agg = jax.ops.segment_sum(x[src], dst, num_segments=N)
    h = x + agg
    h = jnp.maximum(h @ Wa + ba, 0.0)
    return h @ Wb + bb


def reference(x, edge_index, batch, W1a, b1a, W1b, b1b, W2a, b2a, W2b, b2b, W3a, b3a, W3b, b3b, W4a, b4a, W4b, b4b, lin_W, lin_b):
    src = edge_index[0]
    dst = edge_index[1]
    h = jnp.maximum(_gin_conv(x, src, dst, W1a, b1a, W1b, b1b), 0.0)
    h = jnp.maximum(_gin_conv(h, src, dst, W2a, b2a, W2b, b2b), 0.0)
    h = jnp.maximum(_gin_conv(h, src, dst, W3a, b3a, W3b, b3b), 0.0)
    h = _gin_conv(h, src, dst, W4a, b4a, W4b, b4b)
    hG = jax.ops.segment_sum(h, batch, num_segments=G)
    # dropout p=0.5 is identity in eval mode
    logits = hG @ lin_W + lin_b
    return (hG, jax.nn.log_softmax(logits, axis=1))

if __name__ == "__main__":
    import jax
    _d = setup_inputs()
    print(jax.jit(kernel)(*tuple(_d.values())))

</pallas_src>

<mosaic_0001>
#map = affine_map<(d0, d1) -> (0, 0)>
#map1 = affine_map<(d0, d1) -> (0, 0, 0)>
module attributes {stable_mosaic.version = 14 : i64} {
  func.func @agg_kernel(%arg0: i32, %arg1: i32, %arg2: memref<10000x128xf32, #tpu.memory_space<hbm>>, %arg3: memref<2x2560x128xi32, #tpu.memory_space<hbm>>, %arg4: memref<2x10000x128xf32, #tpu.memory_space<hbm>>, %arg5: memref<8x128xi32, #tpu.memory_space<vmem>>, %arg6: memref<8x128xi32, #tpu.memory_space<vmem>>, %arg7: memref<128x128xf32, #tpu.memory_space<vmem>>, %arg8: memref<128x128xf32, #tpu.memory_space<vmem>>, %arg9: memref<10016x128xf32, #tpu.memory_space<vmem_shared>>, %arg10: memref<!tpu.dma_semaphore, #tpu.memory_space<semaphore_mem>>, %arg11: memref<!tpu.dma_semaphore, #tpu.memory_space<semaphore_mem>>) attributes {dimension_semantics = [#tpu.dimension_semantics<core_parallel>, #tpu.dimension_semantics<subcore_parallel>], iteration_bounds = array<i64: 2, 16>, scalar_prefetch = 0 : i64, scratch_operands = 7 : i64, tpu.core_type = #tpu.core_type<sc_vector_subcore>, window_params = [{transform_indices = #map}, {transform_indices = #map1}, {transform_indices = #map1}]} {
    %mul3A = arith.constant 624 : i32
    %mul3A_0 = arith.muli %arg1, %mul3A : i32
    "tpu.region"() ({
      %run_scoped3A = tpu.sem_alloc : memref<!tpu.dma_semaphore, #tpu.memory_space<semaphore_mem>>
      %dma_start3A = arith.constant 0 : i32
      %dma_start3A_17 = tpu.memref_slice %arg9[%mul3A_0, %dma_start3A] : memref<10016x128xf32, #tpu.memory_space<vmem_shared>> -> memref<624x128xf32, #tpu.memory_space<vmem_shared>>
      %dma_start3A_18 = arith.constant 0 : i32
      %dma_start3A_19 = tpu.memref_slice %arg2[%mul3A_0, %dma_start3A_18] : memref<10000x128xf32, #tpu.memory_space<hbm>> -> memref<624x128xf32, #tpu.memory_space<hbm>>
      tpu.enqueue_dma source(%dma_start3A_19 : memref<624x128xf32, #tpu.memory_space<hbm>>) target(%dma_start3A_17 : memref<624x128xf32, #tpu.memory_space<vmem_shared>>) target_semaphore(%run_scoped3A : memref<!tpu.dma_semaphore, #tpu.memory_space<semaphore_mem>>)
      %dma_wait3A = arith.constant 0 : i32
      %dma_wait3A_20 = tpu.memref_slice %arg9[%mul3A_0, %dma_wait3A] : memref<10016x128xf32, #tpu.memory_space<vmem_shared>> -> memref<624x128xf32, #tpu.memory_space<vmem_shared>>
      %dma_wait3A_21 = arith.constant 0 : i32
      %dma_wait3A_22 = tpu.memref_slice %arg2[%mul3A_0, %dma_wait3A_21] : memref<10000x128xf32, #tpu.memory_space<hbm>> -> memref<624x128xf32, #tpu.memory_space<hbm>>
      tpu.wait_dma2 semaphore(%run_scoped3A : memref<!tpu.dma_semaphore, #tpu.memory_space<semaphore_mem>>) src(%dma_wait3A_22 : memref<624x128xf32, #tpu.memory_space<hbm>>) dst(%dma_wait3A_20 : memref<624x128xf32, #tpu.memory_space<vmem_shared>>)
      tpu.yield
    }) : () -> ()
    %eq3A = arith.constant 0 : i32
    %eq3A_1 = arith.cmpi eq, %arg1, %eq3A : i32
    %convert_element_type3A = arith.extui %eq3A_1 : i1 to i32
    %cond3A = arith.constant 0 : i32
    %cond3A_2 = arith.cmpi ne, %convert_element_type3A, %cond3A : i32
    scf.if %cond3A_2 {
      "tpu.region"() ({
        %run_scoped3A = tpu.sem_alloc : memref<!tpu.dma_semaphore, #tpu.memory_space<semaphore_mem>>
        %dma_start3A = arith.constant 9984 : i32
        %dma_start3A_17 = arith.constant 0 : i32
        %dma_start3A_18 = tpu.memref_slice %arg9[%dma_start3A, %dma_start3A_17] : memref<10016x128xf32, #tpu.memory_space<vmem_shared>> -> memref<16x128xf32, #tpu.memory_space<vmem_shared>>
        %dma_start3A_19 = arith.constant 9984 : i32
        %dma_start3A_20 = arith.constant 0 : i32
        %dma_start3A_21 = tpu.memref_slice %arg2[%dma_start3A_19, %dma_start3A_20] : memref<10000x128xf32, #tpu.memory_space<hbm>> -> memref<16x128xf32, #tpu.memory_space<hbm>>
        tpu.enqueue_dma source(%dma_start3A_21 : memref<16x128xf32, #tpu.memory_space<hbm>>) target(%dma_start3A_18 : memref<16x128xf32, #tpu.memory_space<vmem_shared>>) target_semaphore(%run_scoped3A : memref<!tpu.dma_semaphore, #tpu.memory_space<semaphore_mem>>)
        %dma_wait3A = arith.constant 9984 : i32
        %dma_wait3A_22 = arith.constant 0 : i32
        %dma_wait3A_23 = tpu.memref_slice %arg9[%dma_wait3A, %dma_wait3A_22] : memref<10016x128xf32, #tpu.memory_space<vmem_shared>> -> memref<16x128xf32, #tpu.memory_space<vmem_shared>>
        %dma_wait3A_24 = arith.constant 9984 : i32
        %dma_wait3A_25 = arith.constant 0 : i32
        %dma_wait3A_26 = tpu.memref_slice %arg2[%dma_wait3A_24, %dma_wait3A_25] : memref<10000x128xf32, #tpu.memory_space<hbm>> -> memref<16x128xf32, #tpu.memory_space<hbm>>
        tpu.wait_dma2 semaphore(%run_scoped3A : memref<!tpu.dma_semaphore, #tpu.memory_space<semaphore_mem>>) src(%dma_wait3A_26 : memref<16x128xf32, #tpu.memory_space<hbm>>) dst(%dma_wait3A_23 : memref<16x128xf32, #tpu.memory_space<vmem_shared>>)
        tpu.yield
      }) : () -> ()
    } else {
    }
    %mul3A_3 = arith.constant 1280 : i32
    %mul3A_4 = arith.muli %arg0, %mul3A_3 : i32
    %mul3A_5 = arith.constant 80 : i32
    %mul3A_6 = arith.muli %arg1, %mul3A_5 : i32
    %add3A = arith.addi %mul3A_4, %mul3A_6 : i32
    %barrier3A = arith.constant 0 : index
    tpu.barrier barrier_id(%barrier3A)
    %scan3A = arith.constant 0 : i32
    %scan3A_7 = arith.constant 10 : i32
    %scan3A_8 = arith.addi %scan3A, %scan3A_7 : i32
    %scan3A_9 = arith.constant 1 : i32
    scf.for %scan3A_17 = %scan3A to %scan3A_8 step %scan3A_9  : i32 {
      %mul3A_18 = arith.constant 1 : i32
      %mul3A_19 = arith.muli %scan3A_17, %mul3A_18 : i32
      %add3A_20 = arith.constant 0 : i32
      %add3A_21 = arith.addi %add3A_20, %mul3A_19 : i32
      %mul3A_22 = arith.constant 8 : i32
      %mul3A_23 = arith.muli %add3A_21, %mul3A_22 : i32
      %add3A_24 = arith.addi %add3A, %mul3A_23 : i32
      %run_scoped3A = arith.constant 0 : i32
      "tpu.region"() ({
        %run_scoped3A_37 = tpu.sem_alloc : memref<!tpu.dma_semaphore, #tpu.memory_space<semaphore_mem>>
        %dma_start3A_38 = arith.constant 0 : i32
        %dma_start3A_39 = tpu.memref_slice %arg3[%run_scoped3A, %add3A_24, %dma_start3A_38] : memref<2x2560x128xi32, #tpu.memory_space<hbm>> -> memref<1x8x128xi32, #tpu.memory_space<hbm>>
        %dma_start3A_40 = tpu.memref_squeeze %dma_start3A_39 : memref<1x8x128xi32, #tpu.memory_space<hbm>> -> memref<8x128xi32, #tpu.memory_space<hbm>>
        %dma_start3A_41 = arith.constant 0 : i32
        %dma_start3A_42 = tpu.memref_slice %arg3[%run_scoped3A, %add3A_24, %dma_start3A_41] : memref<2x2560x128xi32, #tpu.memory_space<hbm>> -> memref<1x8x128xi32, #tpu.memory_space<hbm>>
        %dma_start3A_43 = tpu.memref_squeeze %dma_start3A_42 : memref<1x8x128xi32, #tpu.memory_space<hbm>> -> memref<8x128xi32, #tpu.memory_space<hbm>>
        tpu.enqueue_dma source(%dma_start3A_43 : memref<8x128xi32, #tpu.memory_space<hbm>>) target(%arg5 : memref<8x128xi32, #tpu.memory_space<vmem>>) target_semaphore(%run_scoped3A_37 : memref<!tpu.dma_semaphore, #tpu.memory_space<semaphore_mem>>)
        %dma_wait3A = arith.constant 0 : i32
        %dma_wait3A_44 = tpu.memref_slice %arg3[%run_scoped3A, %add3A_24, %dma_wait3A] : memref<2x2560x128xi32, #tpu.memory_space<hbm>> -> memref<1x8x128xi32, #tpu.memory_space<hbm>>
        %dma_wait3A_45 = tpu.memref_squeeze %dma_wait3A_44 : memref<1x8x128xi32, #tpu.memory_space<hbm>> -> memref<8x128xi32, #tpu.memory_space<hbm>>
        %dma_wait3A_46 = arith.constant 0 : i32
        %dma_wait3A_47 = tpu.memref_slice %arg3[%run_scoped3A, %add3A_24, %dma_wait3A_46] : memref<2x2560x128xi32, #tpu.memory_space<hbm>> -> memref<1x8x128xi32, #tpu.memory_space<hbm>>
        %dma_wait3A_48 = tpu.memref_squeeze %dma_wait3A_47 : memref<1x8x128xi32, #tpu.memory_space<hbm>> -> memref<8x128xi32, #tpu.memory_space<hbm>>
        tpu.wait_dma2 semaphore(%run_scoped3A_37 : memref<!tpu.dma_semaphore, #tpu.memory_space<semaphore_mem>>) src(%dma_wait3A_48 : memref<8x128xi32, #tpu.memory_space<hbm>>) dst(%arg5 : memref<8x128xi32, #tpu.memory_space<vmem>>)
        tpu.yield
      }) : () -> ()
      %run_scoped3A_25 = arith.constant 1 : i32
      "tpu.region"() ({
        %run_scoped3A_37 = tpu.sem_alloc : memref<!tpu.dma_semaphore, #tpu.memory_space<semaphore_mem>>
        %dma_start3A_38 = arith.constant 0 : i32
        %dma_start3A_39 = tpu.memref_slice %arg3[%run_scoped3A_25, %add3A_24, %dma_start3A_38] : memref<2x2560x128xi32, #tpu.memory_space<hbm>> -> memref<1x8x128xi32, #tpu.memory_space<hbm>>
        %dma_start3A_40 = tpu.memref_squeeze %dma_start3A_39 : memref<1x8x128xi32, #tpu.memory_space<hbm>> -> memref<8x128xi32, #tpu.memory_space<hbm>>
        %dma_start3A_41 = arith.constant 0 : i32
        %dma_start3A_42 = tpu.memref_slice %arg3[%run_scoped3A_25, %add3A_24, %dma_start3A_41] : memref<2x2560x128xi32, #tpu.memory_space<hbm>> -> memref<1x8x128xi32, #tpu.memory_space<hbm>>
        %dma_start3A_43 = tpu.memref_squeeze %dma_start3A_42 : memref<1x8x128xi32, #tpu.memory_space<hbm>> -> memref<8x128xi32, #tpu.memory_space<hbm>>
        tpu.enqueue_dma source(%dma_start3A_43 : memref<8x128xi32, #tpu.memory_space<hbm>>) target(%arg6 : memref<8x128xi32, #tpu.memory_space<vmem>>) target_semaphore(%run_scoped3A_37 : memref<!tpu.dma_semaphore, #tpu.memory_space<semaphore_mem>>)
        %dma_wait3A = arith.constant 0 : i32
        %dma_wait3A_44 = tpu.memref_slice %arg3[%run_scoped3A_25, %add3A_24, %dma_wait3A] : memref<2x2560x128xi32, #tpu.memory_space<hbm>> -> memref<1x8x128xi32, #tpu.memory_space<hbm>>
        %dma_wait3A_45 = tpu.memref_squeeze %dma_wait3A_44 : memref<1x8x128xi32, #tpu.memory_space<hbm>> -> memref<8x128xi32, #tpu.memory_space<hbm>>
        %dma_wait3A_46 = arith.constant 0 : i32
        %dma_wait3A_47 = tpu.memref_slice %arg3[%run_scoped3A_25, %add3A_24, %dma_wait3A_46] : memref<2x2560x128xi32, #tpu.memory_space<hbm>> -> memref<1x8x128xi32, #tpu.memory_space<hbm>>
        %dma_wait3A_48 = tpu.memref_squeeze %dma_wait3A_47 : memref<1x8x128xi32, #tpu.memory_space<hbm>> -> memref<8x128xi32, #tpu.memory_space<hbm>>
        tpu.wait_dma2 semaphore(%run_scoped3A_37 : memref<!tpu.dma_semaphore, #tpu.memory_space<semaphore_mem>>) src(%dma_wait3A_48 : memref<8x128xi32, #tpu.memory_space<hbm>>) dst(%arg6 : memref<8x128xi32, #tpu.memory_space<vmem>>)
        tpu.yield
      }) : () -> ()
      %dma_start3A = arith.constant 0 : i32
      %dma_start3A_26 = arith.constant 0 : i32
      %dma_start3A_27 = tpu.memref_slice %arg5[%dma_start3A, %dma_start3A_26] : memref<8x128xi32, #tpu.memory_space<vmem>> -> memref<1x128xi32, #tpu.memory_space<vmem>>
      %dma_start3A_28 = tpu.memref_squeeze %dma_start3A_27 : memref<1x128xi32, #tpu.memory_space<vmem>> -> memref<128xi32, #tpu.memory_space<vmem>>
      %dma_start3A_29 = arith.constant 0 : i32
      %dma_start3A_30 = arith.constant 0 : i32
      %dma_start3A_31 = tpu.memref_slice %arg2[%dma_start3A_29, %dma_start3A_30] : memref<10000x128xf32, #tpu.memory_space<hbm>> -> memref<10000x128xf32, #tpu.memory_space<hbm>>
      tpu.enqueue_indirect_dma source(%dma_start3A_31 : memref<10000x128xf32, #tpu.memory_space<hbm>>) target(%arg7 : memref<128x128xf32, #tpu.memory_space<vmem>>) offsets(%dma_start3A_28 : memref<128xi32, #tpu.memory_space<vmem>>) semaphore(%arg10 : memref<!tpu.dma_semaphore, #tpu.memory_space<semaphore_mem>>)
      %scan3A_32 = arith.constant 0 : i32
      %scan3A_33 = arith.constant 4 : i32
      %scan3A_34 = arith.addi %scan3A_32, %scan3A_33 : i32
      %scan3A_35 = arith.constant 1 : i32
      scf.for %scan3A_37 = %scan3A_32 to %scan3A_34 step %scan3A_35  : i32 {
        %mul3A_38 = arith.constant 1 : i32
        %mul3A_39 = arith.muli %scan3A_37, %mul3A_38 : i32
        %add3A_40 = arith.constant 0 : i32
        %add3A_41 = arith.addi %add3A_40, %mul3A_39 : i32
        %mul3A_42 = arith.constant 2 : i32
        %mul3A_43 = arith.muli %mul3A_42, %add3A_41 : i32
        %dma_wait3A = arith.constant 0 : i32
        %dma_wait3A_44 = tpu.memref_slice %arg5[%mul3A_43, %dma_wait3A] : memref<8x128xi32, #tpu.memory_space<vmem>> -> memref<1x128xi32, #tpu.memory_space<vmem>>
        %dma_wait3A_45 = tpu.memref_squeeze %dma_wait3A_44 : memref<1x128xi32, #tpu.memory_space<vmem>> -> memref<128xi32, #tpu.memory_space<vmem>>
        %dma_wait3A_46 = arith.constant 0 : i32
        %dma_wait3A_47 = arith.constant 0 : i32
        %dma_wait3A_48 = tpu.memref_slice %arg2[%dma_wait3A_46, %dma_wait3A_47] : memref<10000x128xf32, #tpu.memory_space<hbm>> -> memref<10000x128xf32, #tpu.memory_space<hbm>>
        tpu.wait_indirect_dma semaphore(%arg10 : memref<!tpu.dma_semaphore, #tpu.memory_space<semaphore_mem>>) src(%dma_wait3A_48 : memref<10000x128xf32, #tpu.memory_space<hbm>>) dst(%arg7 : memref<128x128xf32, #tpu.memory_space<vmem>>)
        %add3A_49 = arith.constant 1 : i32
        %add3A_50 = arith.addi %mul3A_43, %add3A_49 : i32
        %dma_start3A_51 = arith.constant 0 : i32
        %dma_start3A_52 = tpu.memref_slice %arg5[%add3A_50, %dma_start3A_51] : memref<8x128xi32, #tpu.memory_space<vmem>> -> memref<1x128xi32, #tpu.memory_space<vmem>>
        %dma_start3A_53 = tpu.memref_squeeze %dma_start3A_52 : memref<1x128xi32, #tpu.memory_space<vmem>> -> memref<128xi32, #tpu.memory_space<vmem>>
        %dma_start3A_54 = arith.constant 0 : i32
        %dma_start3A_55 = arith.constant 0 : i32
        %dma_start3A_56 = tpu.memref_slice %arg2[%dma_start3A_54, %dma_start3A_55] : memref<10000x128xf32, #tpu.memory_space<hbm>> -> memref<10000x128xf32, #tpu.memory_space<hbm>>
        tpu.enqueue_indirect_dma source(%dma_start3A_56 : memref<10000x128xf32, #tpu.memory_space<hbm>>) target(%arg8 : memref<128x128xf32, #tpu.memory_space<vmem>>) offsets(%dma_start3A_53 : memref<128xi32, #tpu.memory_space<vmem>>) semaphore(%arg11 : memref<!tpu.dma_semaphore, #tpu.memory_space<semaphore_mem>>)
        "tpu.region"() ({
          %run_scoped3A_73 = tpu.sem_alloc : memref<!tpu.dma_semaphore, #tpu.memory_space<semaphore_mem>>
          %dma_start3A_74 = arith.constant 0 : i32
          %dma_start3A_75 = tpu.memref_slice %arg6[%mul3A_43, %dma_start3A_74] : memref<8x128xi32, #tpu.memory_space<vmem>> -> memref<1x128xi32, #tpu.memory_space<vmem>>
          %dma_start3A_76 = tpu.memref_squeeze %dma_start3A_75 : memref<1x128xi32, #tpu.memory_space<vmem>> -> memref<128xi32, #tpu.memory_space<vmem>>
          %dma_start3A_77 = arith.constant 0 : i32
          %dma_start3A_78 = arith.constant 0 : i32
          %dma_start3A_79 = tpu.memref_slice %arg9[%dma_start3A_77, %dma_start3A_78] : memref<10016x128xf32, #tpu.memory_space<vmem_shared>> -> memref<10016x128xf32, #tpu.memory_space<vmem_shared>>
          tpu.enqueue_indirect_dma source(%arg7 : memref<128x128xf32, #tpu.memory_space<vmem>>) target(%dma_start3A_79 : memref<10016x128xf32, #tpu.memory_space<vmem_shared>>) offsets(%dma_start3A_76 : memref<128xi32, #tpu.memory_space<vmem>>) semaphore(%run_scoped3A_73 : memref<!tpu.dma_semaphore, #tpu.memory_space<semaphore_mem>>) {add = true}
          %dma_wait3A_80 = arith.constant 0 : i32
          %dma_wait3A_81 = tpu.memref_slice %arg6[%mul3A_43, %dma_wait3A_80] : memref<8x128xi32, #tpu.memory_space<vmem>> -> memref<1x128xi32, #tpu.memory_space<vmem>>
          %dma_wait3A_82 = tpu.memref_squeeze %dma_wait3A_81 : memref<1x128xi32, #tpu.memory_space<vmem>> -> memref<128xi32, #tpu.memory_space<vmem>>
          %dma_wait3A_83 = arith.constant 0 : i32
          %dma_wait3A_84 = arith.constant 0 : i32
          %dma_wait3A_85 = tpu.memref_slice %arg9[%dma_wait3A_83, %dma_wait3A_84] : memref<10016x128xf32, #tpu.memory_space<vmem_shared>> -> memref<10016x128xf32, #tpu.memory_space<vmem_shared>>
          tpu.wait_indirect_dma semaphore(%run_scoped3A_73 : memref<!tpu.dma_semaphore, #tpu.memory_space<semaphore_mem>>) src(%arg7 : memref<128x128xf32, #tpu.memory_space<vmem>>) dst(%dma_wait3A_85 : memref<10016x128xf32, #tpu.memory_space<vmem_shared>>)
          tpu.yield
        }) : () -> ()
        %add3A_57 = arith.constant 1 : i32
        %add3A_58 = arith.addi %mul3A_43, %add3A_57 : i32
        %dma_wait3A_59 = arith.constant 0 : i32
        %dma_wait3A_60 = tpu.memref_slice %arg5[%add3A_58, %dma_wait3A_59] : memref<8x128xi32, #tpu.memory_space<vmem>> -> memref<1x128xi32, #tpu.memory_space<vmem>>
        %dma_wait3A_61 = tpu.memref_squeeze %dma_wait3A_60 : memref<1x128xi32, #tpu.memory_space<vmem>> -> memref<128xi32, #tpu.memory_space<vmem>>
        %dma_wait3A_62 = arith.constant 0 : i32
        %dma_wait3A_63 = arith.constant 0 : i32
        %dma_wait3A_64 = tpu.memref_slice %arg2[%dma_wait3A_62, %dma_wait3A_63] : memref<10000x128xf32, #tpu.memory_space<hbm>> -> memref<10000x128xf32, #tpu.memory_space<hbm>>
        tpu.wait_indirect_dma semaphore(%arg11 : memref<!tpu.dma_semaphore, #tpu.memory_space<semaphore_mem>>) src(%dma_wait3A_64 : memref<10000x128xf32, #tpu.memory_space<hbm>>) dst(%arg8 : memref<128x128xf32, #tpu.memory_space<vmem>>)
        %add3A_65 = arith.constant 2 : i32
        %add3A_66 = arith.addi %mul3A_43, %add3A_65 : i32
        %lt3A = arith.constant 8 : i32
        %lt3A_67 = arith.cmpi slt, %add3A_66, %lt3A : i32
        %convert_element_type3A_68 = arith.extui %lt3A_67 : i1 to i32
        %cond3A_69 = arith.constant 0 : i32
        %cond3A_70 = arith.cmpi ne, %convert_element_type3A_68, %cond3A_69 : i32
        scf.if %cond3A_70 {
          %add3A_73 = arith.constant 2 : i32
          %add3A_74 = arith.addi %mul3A_43, %add3A_73 : i32
          %dma_start3A_75 = arith.constant 0 : i32
          %dma_start3A_76 = tpu.memref_slice %arg5[%add3A_74, %dma_start3A_75] : memref<8x128xi32, #tpu.memory_space<vmem>> -> memref<1x128xi32, #tpu.memory_space<vmem>>
          %dma_start3A_77 = tpu.memref_squeeze %dma_start3A_76 : memref<1x128xi32, #tpu.memory_space<vmem>> -> memref<128xi32, #tpu.memory_space<vmem>>
          %dma_start3A_78 = arith.constant 0 : i32
          %dma_start3A_79 = arith.constant 0 : i32
          %dma_start3A_80 = tpu.memref_slice %arg2[%dma_start3A_78, %dma_start3A_79] : memref<10000x128xf32, #tpu.memory_space<hbm>> -> memref<10000x128xf32, #tpu.memory_space<hbm>>
          tpu.enqueue_indirect_dma source(%dma_start3A_80 : memref<10000x128xf32, #tpu.memory_space<hbm>>) target(%arg7 : memref<128x128xf32, #tpu.memory_space<vmem>>) offsets(%dma_start3A_77 : memref<128xi32, #tpu.memory_space<vmem>>) semaphore(%arg10 : memref<!tpu.dma_semaphore, #tpu.memory_space<semaphore_mem>>)
        } else {
        }
        %add3A_71 = arith.constant 1 : i32
        %add3A_72 = arith.addi %mul3A_43, %add3A_71 : i32
        "tpu.region"() ({
          %run_scoped3A_73 = tpu.sem_alloc : memref<!tpu.dma_semaphore, #tpu.memory_space<semaphore_mem>>
          %dma_start3A_74 = arith.constant 0 : i32
          %dma_start3A_75 = tpu.memref_slice %arg6[%add3A_72, %dma_start3A_74] : memref<8x128xi32, #tpu.memory_space<vmem>> -> memref<1x128xi32, #tpu.memory_space<vmem>>
          %dma_start3A_76 = tpu.memref_squeeze %dma_start3A_75 : memref<1x128xi32, #tpu.memory_space<vmem>> -> memref<128xi32, #tpu.memory_space<vmem>>
          %dma_start3A_77 = arith.constant 0 : i32
          %dma_start3A_78 = arith.constant 0 : i32
          %dma_start3A_79 = tpu.memref_slice %arg9[%dma_start3A_77, %dma_start3A_78] : memref<10016x128xf32, #tpu.memory_space<vmem_shared>> -> memref<10016x128xf32, #tpu.memory_space<vmem_shared>>
          tpu.enqueue_indirect_dma source(%arg8 : memref<128x128xf32, #tpu.memory_space<vmem>>) target(%dma_start3A_79 : memref<10016x128xf32, #tpu.memory_space<vmem_shared>>) offsets(%dma_start3A_76 : memref<128xi32, #tpu.memory_space<vmem>>) semaphore(%run_scoped3A_73 : memref<!tpu.dma_semaphore, #tpu.memory_space<semaphore_mem>>) {add = true}
          %dma_wait3A_80 = arith.constant 0 : i32
          %dma_wait3A_81 = tpu.memref_slice %arg6[%add3A_72, %dma_wait3A_80] : memref<8x128xi32, #tpu.memory_space<vmem>> -> memref<1x128xi32, #tpu.memory_space<vmem>>
          %dma_wait3A_82 = tpu.memref_squeeze %dma_wait3A_81 : memref<1x128xi32, #tpu.memory_space<vmem>> -> memref<128xi32, #tpu.memory_space<vmem>>
          %dma_wait3A_83 = arith.constant 0 : i32
          %dma_wait3A_84 = arith.constant 0 : i32
          %dma_wait3A_85 = tpu.memref_slice %arg9[%dma_wait3A_83, %dma_wait3A_84] : memref<10016x128xf32, #tpu.memory_space<vmem_shared>> -> memref<10016x128xf32, #tpu.memory_space<vmem_shared>>
          tpu.wait_indirect_dma semaphore(%run_scoped3A_73 : memref<!tpu.dma_semaphore, #tpu.memory_space<semaphore_mem>>) src(%arg8 : memref<128x128xf32, #tpu.memory_space<vmem>>) dst(%dma_wait3A_85 : memref<10016x128xf32, #tpu.memory_space<vmem_shared>>)
          tpu.yield
        }) : () -> ()
      }
      %scan3A_36 = arith.constant 4 : i32
    }
    %scan3A_10 = arith.constant 10 : i32
    %barrier3A_11 = arith.constant 0 : index
    tpu.barrier barrier_id(%barrier3A_11)
    "tpu.region"() ({
      %run_scoped3A = tpu.sem_alloc : memref<!tpu.dma_semaphore, #tpu.memory_space<semaphore_mem>>
      %dma_start3A = arith.constant 0 : i32
      %dma_start3A_17 = tpu.memref_slice %arg4[%arg0, %mul3A_0, %dma_start3A] : memref<2x10000x128xf32, #tpu.memory_space<hbm>> -> memref<1x624x128xf32, #tpu.memory_space<hbm>>
      %dma_start3A_18 = tpu.memref_squeeze %dma_start3A_17 : memref<1x624x128xf32, #tpu.memory_space<hbm>> -> memref<624x128xf32, #tpu.memory_space<hbm>>
      %dma_start3A_19 = arith.constant 0 : i32
      %dma_start3A_20 = tpu.memref_slice %arg9[%mul3A_0, %dma_start3A_19] : memref<10016x128xf32, #tpu.memory_space<vmem_shared>> -> memref<624x128xf32, #tpu.memory_space<vmem_shared>>
      tpu.enqueue_dma source(%dma_start3A_20 : memref<624x128xf32, #tpu.memory_space<vmem_shared>>) target(%dma_start3A_18 : memref<624x128xf32, #tpu.memory_space<hbm>>) target_semaphore(%run_scoped3A : memref<!tpu.dma_semaphore, #tpu.memory_space<semaphore_mem>>)
      %dma_wait3A = arith.constant 0 : i32
      %dma_wait3A_21 = tpu.memref_slice %arg4[%arg0, %mul3A_0, %dma_wait3A] : memref<2x10000x128xf32, #tpu.memory_space<hbm>> -> memref<1x624x128xf32, #tpu.memory_space<hbm>>
      %dma_wait3A_22 = tpu.memref_squeeze %dma_wait3A_21 : memref<1x624x128xf32, #tpu.memory_space<hbm>> -> memref<624x128xf32, #tpu.memory_space<hbm>>
      %dma_wait3A_23 = arith.constant 0 : i32
      %dma_wait3A_24 = tpu.memref_slice %arg9[%mul3A_0, %dma_wait3A_23] : memref<10016x128xf32, #tpu.memory_space<vmem_shared>> -> memref<624x128xf32, #tpu.memory_space<vmem_shared>>
      tpu.wait_dma2 semaphore(%run_scoped3A : memref<!tpu.dma_semaphore, #tpu.memory_space<semaphore_mem>>) src(%dma_wait3A_24 : memref<624x128xf32, #tpu.memory_space<vmem_shared>>) dst(%dma_wait3A_22 : memref<624x128xf32, #tpu.memory_space<hbm>>)
      tpu.yield
    }) : () -> ()
    %eq3A_12 = arith.constant 0 : i32
    %eq3A_13 = arith.cmpi eq, %arg1, %eq3A_12 : i32
    %convert_element_type3A_14 = arith.extui %eq3A_13 : i1 to i32
    %cond3A_15 = arith.constant 0 : i32
    %cond3A_16 = arith.cmpi ne, %convert_element_type3A_14, %cond3A_15 : i32
    scf.if %cond3A_16 {
      "tpu.region"() ({
        %run_scoped3A = tpu.sem_alloc : memref<!tpu.dma_semaphore, #tpu.memory_space<semaphore_mem>>
        %dma_start3A = arith.constant 9984 : i32
        %dma_start3A_17 = arith.constant 0 : i32
        %dma_start3A_18 = tpu.memref_slice %arg4[%arg0, %dma_start3A, %dma_start3A_17] : memref<2x10000x128xf32, #tpu.memory_space<hbm>> -> memref<1x16x128xf32, #tpu.memory_space<hbm>>
        %dma_start3A_19 = tpu.memref_squeeze %dma_start3A_18 : memref<1x16x128xf32, #tpu.memory_space<hbm>> -> memref<16x128xf32, #tpu.memory_space<hbm>>
        %dma_start3A_20 = arith.constant 9984 : i32
        %dma_start3A_21 = arith.constant 0 : i32
        %dma_start3A_22 = tpu.memref_slice %arg9[%dma_start3A_20, %dma_start3A_21] : memref<10016x128xf32, #tpu.memory_space<vmem_shared>> -> memref<16x128xf32, #tpu.memory_space<vmem_shared>>
        tpu.enqueue_dma source(%dma_start3A_22 : memref<16x128xf32, #tpu.memory_space<vmem_shared>>) target(%dma_start3A_19 : memref<16x128xf32, #tpu.memory_space<hbm>>) target_semaphore(%run_scoped3A : memref<!tpu.dma_semaphore, #tpu.memory_space<semaphore_mem>>)
        %dma_wait3A = arith.constant 9984 : i32
        %dma_wait3A_23 = arith.constant 0 : i32
        %dma_wait3A_24 = tpu.memref_slice %arg4[%arg0, %dma_wait3A, %dma_wait3A_23] : memref<2x10000x128xf32, #tpu.memory_space<hbm>> -> memref<1x16x128xf32, #tpu.memory_space<hbm>>
        %dma_wait3A_25 = tpu.memref_squeeze %dma_wait3A_24 : memref<1x16x128xf32, #tpu.memory_space<hbm>> -> memref<16x128xf32, #tpu.memory_space<hbm>>
        %dma_wait3A_26 = arith.constant 9984 : i32
        %dma_wait3A_27 = arith.constant 0 : i32
        %dma_wait3A_28 = tpu.memref_slice %arg9[%dma_wait3A_26, %dma_wait3A_27] : memref<10016x128xf32, #tpu.memory_space<vmem_shared>> -> memref<16x128xf32, #tpu.memory_space<vmem_shared>>
        tpu.wait_dma2 semaphore(%run_scoped3A : memref<!tpu.dma_semaphore, #tpu.memory_space<semaphore_mem>>) src(%dma_wait3A_28 : memref<16x128xf32, #tpu.memory_space<vmem_shared>>) dst(%dma_wait3A_25 : memref<16x128xf32, #tpu.memory_space<hbm>>)
        tpu.yield
      }) : () -> ()
    } else {
    }
    return
  }
}

#map = affine_map<(d0, d1) -> (0, 0)>
#map1 = affine_map<(d0, d1) -> (0, 0, 0)>
module attributes {stable_mosaic.version = 14 : i64} {
  func.func @agg_kernel(%arg0: i32, %arg1: i32, %arg2: memref<10000x128xf32, #tpu.memory_space<hbm>>, %arg3: memref<2x2560x128xi32, #tpu.memory_space<hbm>>, %arg4: memref<2x10000x128xf32, #tpu.memory_space<hbm>>, %arg5: memref<8x128xi32, #tpu.memory_space<vmem>>, %arg6: memref<8x128xi32, #tpu.memory_space<vmem>>, %arg7: memref<128x128xf32, #tpu.memory_space<vmem>>, %arg8: memref<128x128xf32, #tpu.memory_space<vmem>>, %arg9: memref<10016x128xf32, #tpu.memory_space<vmem_shared>>, %arg10: memref<!tpu.dma_semaphore, #tpu.memory_space<semaphore_mem>>, %arg11: memref<!tpu.dma_semaphore, #tpu.memory_space<semaphore_mem>>) attributes {dimension_semantics = [#tpu.dimension_semantics<core_parallel>, #tpu.dimension_semantics<subcore_parallel>], iteration_bounds = array<i64: 2, 16>, scalar_prefetch = 0 : i64, scratch_operands = 7 : i64, tpu.core_type = #tpu.core_type<sc_vector_subcore>, window_params = [{transform_indices = #map}, {transform_indices = #map1}, {transform_indices = #map1}]} {
    %mul3A = arith.constant 624 : i32
    %mul3A_0 = arith.muli %arg1, %mul3A : i32
    "tpu.region"() ({
      %run_scoped3A = tpu.sem_alloc : memref<!tpu.dma_semaphore, #tpu.memory_space<semaphore_mem>>
      %dma_start3A = arith.constant 0 : i32
      %dma_start3A_17 = tpu.memref_slice %arg9[%mul3A_0, %dma_start3A] : memref<10016x128xf32, #tpu.memory_space<vmem_shared>> -> memref<624x128xf32, #tpu.memory_space<vmem_shared>>
      %dma_start3A_18 = arith.constant 0 : i32
      %dma_start3A_19 = tpu.memref_slice %arg2[%mul3A_0, %dma_start3A_18] : memref<10000x128xf32, #tpu.memory_space<hbm>> -> memref<624x128xf32, #tpu.memory_space<hbm>>
      tpu.enqueue_dma source(%dma_start3A_19 : memref<624x128xf32, #tpu.memory_space<hbm>>) target(%dma_start3A_17 : memref<624x128xf32, #tpu.memory_space<vmem_shared>>) target_semaphore(%run_scoped3A : memref<!tpu.dma_semaphore, #tpu.memory_space<semaphore_mem>>)
      %dma_wait3A = arith.constant 0 : i32
      %dma_wait3A_20 = tpu.memref_slice %arg9[%mul3A_0, %dma_wait3A] : memref<10016x128xf32, #tpu.memory_space<vmem_shared>> -> memref<624x128xf32, #tpu.memory_space<vmem_shared>>
      %dma_wait3A_21 = arith.constant 0 : i32
      %dma_wait3A_22 = tpu.memref_slice %arg2[%mul3A_0, %dma_wait3A_21] : memref<10000x128xf32, #tpu.memory_space<hbm>> -> memref<624x128xf32, #tpu.memory_space<hbm>>
      tpu.wait_dma2 semaphore(%run_scoped3A : memref<!tpu.dma_semaphore, #tpu.memory_space<semaphore_mem>>) src(%dma_wait3A_22 : memref<624x128xf32, #tpu.memory_space<hbm>>) dst(%dma_wait3A_20 : memref<624x128xf32, #tpu.memory_space<vmem_shared>>)
      tpu.yield
    }) : () -> ()
    %eq3A = arith.constant 0 : i32
    %eq3A_1 = arith.cmpi eq, %arg1, %eq3A : i32
    %convert_element_type3A = arith.extui %eq3A_1 : i1 to i32
    %cond3A = arith.constant 0 : i32
    %cond3A_2 = arith.cmpi ne, %convert_element_type3A, %cond3A : i32
    scf.if %cond3A_2 {
      "tpu.region"() ({
        %run_scoped3A = tpu.sem_alloc : memref<!tpu.dma_semaphore, #tpu.memory_space<semaphore_mem>>
        %dma_start3A = arith.constant 9984 : i32
        %dma_start3A_17 = arith.constant 0 : i32
        %dma_start3A_18 = tpu.memref_slice %arg9[%dma_start3A, %dma_start3A_17] : memref<10016x128xf32, #tpu.memory_space<vmem_shared>> -> memref<16x128xf32, #tpu.memory_space<vmem_shared>>
        %dma_start3A_19 = arith.constant 9984 : i32
        %dma_start3A_20 = arith.constant 0 : i32
        %dma_start3A_21 = tpu.memref_slice %arg2[%dma_start3A_19, %dma_start3A_20] : memref<10000x128xf32, #tpu.memory_space<hbm>> -> memref<16x128xf32, #tpu.memory_space<hbm>>
        tpu.enqueue_dma source(%dma_start3A_21 : memref<16x128xf32, #tpu.memory_space<hbm>>) target(%dma_start3A_18 : memref<16x128xf32, #tpu.memory_space<vmem_shared>>) target_semaphore(%run_scoped3A : memref<!tpu.dma_semaphore, #tpu.memory_space<semaphore_mem>>)
        %dma_wait3A = arith.constant 9984 : i32
        %dma_wait3A_22 = arith.constant 0 : i32
        %dma_wait3A_23 = tpu.memref_slice %arg9[%dma_wait3A, %dma_wait3A_22] : memref<10016x128xf32, #tpu.memory_space<vmem_shared>> -> memref<16x128xf32, #tpu.memory_space<vmem_shared>>
        %dma_wait3A_24 = arith.constant 9984 : i32
        %dma_wait3A_25 = arith.constant 0 : i32
        %dma_wait3A_26 = tpu.memref_slice %arg2[%dma_wait3A_24, %dma_wait3A_25] : memref<10000x128xf32, #tpu.memory_space<hbm>> -> memref<16x128xf32, #tpu.memory_space<hbm>>
        tpu.wait_dma2 semaphore(%run_scoped3A : memref<!tpu.dma_semaphore, #tpu.memory_space<semaphore_mem>>) src(%dma_wait3A_26 : memref<16x128xf32, #tpu.memory_space<hbm>>) dst(%dma_wait3A_23 : memref<16x128xf32, #tpu.memory_space<vmem_shared>>)
        tpu.yield
      }) : () -> ()
    } else {
    }
    %mul3A_3 = arith.constant 1280 : i32
    %mul3A_4 = arith.muli %arg0, %mul3A_3 : i32
    %mul3A_5 = arith.constant 80 : i32
    %mul3A_6 = arith.muli %arg1, %mul3A_5 : i32
    %add3A = arith.addi %mul3A_4, %mul3A_6 : i32
    %barrier3A = arith.constant 0 : index
    tpu.barrier barrier_id(%barrier3A)
    %scan3A = arith.constant 0 : i32
    %scan3A_7 = arith.constant 10 : i32
    %scan3A_8 = arith.addi %scan3A, %scan3A_7 : i32
    %scan3A_9 = arith.constant 1 : i32
    scf.for %scan3A_17 = %scan3A to %scan3A_8 step %scan3A_9  : i32 {
      %mul3A_18 = arith.constant 1 : i32
      %mul3A_19 = arith.muli %scan3A_17, %mul3A_18 : i32
      %add3A_20 = arith.constant 0 : i32
      %add3A_21 = arith.addi %add3A_20, %mul3A_19 : i32
      %mul3A_22 = arith.constant 8 : i32
      %mul3A_23 = arith.muli %add3A_21, %mul3A_22 : i32
      %add3A_24 = arith.addi %add3A, %mul3A_23 : i32
      %run_scoped3A = arith.constant 0 : i32
      "tpu.region"() ({
        %run_scoped3A_37 = tpu.sem_alloc : memref<!tpu.dma_semaphore, #tpu.memory_space<semaphore_mem>>
        %dma_start3A_38 = arith.constant 0 : i32
        %dma_start3A_39 = tpu.memref_slice %arg3[%run_scoped3A, %add3A_24, %dma_start3A_38] : memref<2x2560x128xi32, #tpu.memory_space<hbm>> -> memref<1x8x128xi32, #tpu.memory_space<hbm>>
        %dma_start3A_40 = tpu.memref_squeeze %dma_start3A_39 : memref<1x8x128xi32, #tpu.memory_space<hbm>> -> memref<8x128xi32, #tpu.memory_space<hbm>>
        %dma_start3A_41 = arith.constant 0 : i32
        %dma_start3A_42 = tpu.memref_slice %arg3[%run_scoped3A, %add3A_24, %dma_start3A_41] : memref<2x2560x128xi32, #tpu.memory_space<hbm>> -> memref<1x8x128xi32, #tpu.memory_space<hbm>>
        %dma_start3A_43 = tpu.memref_squeeze %dma_start3A_42 : memref<1x8x128xi32, #tpu.memory_space<hbm>> -> memref<8x128xi32, #tpu.memory_space<hbm>>
        tpu.enqueue_dma source(%dma_start3A_43 : memref<8x128xi32, #tpu.memory_space<hbm>>) target(%arg5 : memref<8x128xi32, #tpu.memory_space<vmem>>) target_semaphore(%run_scoped3A_37 : memref<!tpu.dma_semaphore, #tpu.memory_space<semaphore_mem>>)
        %dma_wait3A = arith.constant 0 : i32
        %dma_wait3A_44 = tpu.memref_slice %arg3[%run_scoped3A, %add3A_24, %dma_wait3A] : memref<2x2560x128xi32, #tpu.memory_space<hbm>> -> memref<1x8x128xi32, #tpu.memory_space<hbm>>
        %dma_wait3A_45 = tpu.memref_squeeze %dma_wait3A_44 : memref<1x8x128xi32, #tpu.memory_space<hbm>> -> memref<8x128xi32, #tpu.memory_space<hbm>>
        %dma_wait3A_46 = arith.constant 0 : i32
        %dma_wait3A_47 = tpu.memref_slice %arg3[%run_scoped3A, %add3A_24, %dma_wait3A_46] : memref<2x2560x128xi32, #tpu.memory_space<hbm>> -> memref<1x8x128xi32, #tpu.memory_space<hbm>>
        %dma_wait3A_48 = tpu.memref_squeeze %dma_wait3A_47 : memref<1x8x128xi32, #tpu.memory_space<hbm>> -> memref<8x128xi32, #tpu.memory_space<hbm>>
        tpu.wait_dma2 semaphore(%run_scoped3A_37 : memref<!tpu.dma_semaphore, #tpu.memory_space<semaphore_mem>>) src(%dma_wait3A_48 : memref<8x128xi32, #tpu.memory_space<hbm>>) dst(%arg5 : memref<8x128xi32, #tpu.memory_space<vmem>>)
        tpu.yield
      }) : () -> ()
      %run_scoped3A_25 = arith.constant 1 : i32
      "tpu.region"() ({
        %run_scoped3A_37 = tpu.sem_alloc : memref<!tpu.dma_semaphore, #tpu.memory_space<semaphore_mem>>
        %dma_start3A_38 = arith.constant 0 : i32
        %dma_start3A_39 = tpu.memref_slice %arg3[%run_scoped3A_25, %add3A_24, %dma_start3A_38] : memref<2x2560x128xi32, #tpu.memory_space<hbm>> -> memref<1x8x128xi32, #tpu.memory_space<hbm>>
        %dma_start3A_40 = tpu.memref_squeeze %dma_start3A_39 : memref<1x8x128xi32, #tpu.memory_space<hbm>> -> memref<8x128xi32, #tpu.memory_space<hbm>>
        %dma_start3A_41 = arith.constant 0 : i32
        %dma_start3A_42 = tpu.memref_slice %arg3[%run_scoped3A_25, %add3A_24, %dma_start3A_41] : memref<2x2560x128xi32, #tpu.memory_space<hbm>> -> memref<1x8x128xi32, #tpu.memory_space<hbm>>
        %dma_start3A_43 = tpu.memref_squeeze %dma_start3A_42 : memref<1x8x128xi32, #tpu.memory_space<hbm>> -> memref<8x128xi32, #tpu.memory_space<hbm>>
        tpu.enqueue_dma source(%dma_start3A_43 : memref<8x128xi32, #tpu.memory_space<hbm>>) target(%arg6 : memref<8x128xi32, #tpu.memory_space<vmem>>) target_semaphore(%run_scoped3A_37 : memref<!tpu.dma_semaphore, #tpu.memory_space<semaphore_mem>>)
        %dma_wait3A = arith.constant 0 : i32
        %dma_wait3A_44 = tpu.memref_slice %arg3[%run_scoped3A_25, %add3A_24, %dma_wait3A] : memref<2x2560x128xi32, #tpu.memory_space<hbm>> -> memref<1x8x128xi32, #tpu.memory_space<hbm>>
        %dma_wait3A_45 = tpu.memref_squeeze %dma_wait3A_44 : memref<1x8x128xi32, #tpu.memory_space<hbm>> -> memref<8x128xi32, #tpu.memory_space<hbm>>
        %dma_wait3A_46 = arith.constant 0 : i32
        %dma_wait3A_47 = tpu.memref_slice %arg3[%run_scoped3A_25, %add3A_24, %dma_wait3A_46] : memref<2x2560x128xi32, #tpu.memory_space<hbm>> -> memref<1x8x128xi32, #tpu.memory_space<hbm>>
        %dma_wait3A_48 = tpu.memref_squeeze %dma_wait3A_47 : memref<1x8x128xi32, #tpu.memory_space<hbm>> -> memref<8x128xi32, #tpu.memory_space<hbm>>
        tpu.wait_dma2 semaphore(%run_scoped3A_37 : memref<!tpu.dma_semaphore, #tpu.memory_space<semaphore_mem>>) src(%dma_wait3A_48 : memref<8x128xi32, #tpu.memory_space<hbm>>) dst(%arg6 : memref<8x128xi32, #tpu.memory_space<vmem>>)
        tpu.yield
      }) : () -> ()
      %dma_start3A = arith.constant 0 : i32
      %dma_start3A_26 = arith.constant 0 : i32
      %dma_start3A_27 = tpu.memref_slice %arg5[%dma_start3A, %dma_start3A_26] : memref<8x128xi32, #tpu.memory_space<vmem>> -> memref<1x128xi32, #tpu.memory_space<vmem>>
      %dma_start3A_28 = tpu.memref_squeeze %dma_start3A_27 : memref<1x128xi32, #tpu.memory_space<vmem>> -> memref<128xi32, #tpu.memory_space<vmem>>
      %dma_start3A_29 = arith.constant 0 : i32
      %dma_start3A_30 = arith.constant 0 : i32
      %dma_start3A_31 = tpu.memref_slice %arg2[%dma_start3A_29, %dma_start3A_30] : memref<10000x128xf32, #tpu.memory_space<hbm>> -> memref<10000x128xf32, #tpu.memory_space<hbm>>
      tpu.enqueue_indirect_dma source(%dma_start3A_31 : memref<10000x128xf32, #tpu.memory_space<hbm>>) target(%arg7 : memref<128x128xf32, #tpu.memory_space<vmem>>) offsets(%dma_start3A_28 : memref<128xi32, #tpu.memory_space<vmem>>) semaphore(%arg10 : memref<!tpu.dma_semaphore, #tpu.memory_space<semaphore_mem>>)
      %scan3A_32 = arith.constant 0 : i32
      %scan3A_33 = arith.constant 4 : i32
      %scan3A_34 = arith.addi %scan3A_32, %scan3A_33 : i32
      %scan3A_35 = arith.constant 1 : i32
      scf.for %scan3A_37 = %scan3A_32 to %scan3A_34 step %scan3A_35  : i32 {
        %mul3A_38 = arith.constant 1 : i32
        %mul3A_39 = arith.muli %scan3A_37, %mul3A_38 : i32
        %add3A_40 = arith.constant 0 : i32
        %add3A_41 = arith.addi %add3A_40, %mul3A_39 : i32
        %mul3A_42 = arith.constant 2 : i32
        %mul3A_43 = arith.muli %mul3A_42, %add3A_41 : i32
        %dma_wait3A = arith.constant 0 : i32
        %dma_wait3A_44 = tpu.memref_slice %arg5[%mul3A_43, %dma_wait3A] : memref<8x128xi32, #tpu.memory_space<vmem>> -> memref<1x128xi32, #tpu.memory_space<vmem>>
        %dma_wait3A_45 = tpu.memref_squeeze %dma_wait3A_44 : memref<1x128xi32, #tpu.memory_space<vmem>> -> memref<128xi32, #tpu.memory_space<vmem>>
        %dma_wait3A_46 = arith.constant 0 : i32
        %dma_wait3A_47 = arith.constant 0 : i32
        %dma_wait3A_48 = tpu.memref_slice %arg2[%dma_wait3A_46, %dma_wait3A_47] : memref<10000x128xf32, #tpu.memory_space<hbm>> -> memref<10000x128xf32, #tpu.memory_space<hbm>>
        tpu.wait_indirect_dma semaphore(%arg10 : memref<!tpu.dma_semaphore, #tpu.memory_space<semaphore_mem>>) src(%dma_wait3A_48 : memref<10000x128xf32, #tpu.memory_space<hbm>>) dst(%arg7 : memref<128x128xf32, #tpu.memory_space<vmem>>)
        %add3A_49 = arith.constant 1 : i32
        %add3A_50 = arith.addi %mul3A_43, %add3A_49 : i32
        %dma_start3A_51 = arith.constant 0 : i32
        %dma_start3A_52 = tpu.memref_slice %arg5[%add3A_50, %dma_start3A_51] : memref<8x128xi32, #tpu.memory_space<vmem>> -> memref<1x128xi32, #tpu.memory_space<vmem>>
        %dma_start3A_53 = tpu.memref_squeeze %dma_start3A_52 : memref<1x128xi32, #tpu.memory_space<vmem>> -> memref<128xi32, #tpu.memory_space<vmem>>
        %dma_start3A_54 = arith.constant 0 : i32
        %dma_start3A_55 = arith.constant 0 : i32
        %dma_start3A_56 = tpu.memref_slice %arg2[%dma_start3A_54, %dma_start3A_55] : memref<10000x128xf32, #tpu.memory_space<hbm>> -> memref<10000x128xf32, #tpu.memory_space<hbm>>
        tpu.enqueue_indirect_dma source(%dma_start3A_56 : memref<10000x128xf32, #tpu.memory_space<hbm>>) target(%arg8 : memref<128x128xf32, #tpu.memory_space<vmem>>) offsets(%dma_start3A_53 : memref<128xi32, #tpu.memory_space<vmem>>) semaphore(%arg11 : memref<!tpu.dma_semaphore, #tpu.memory_space<semaphore_mem>>)
        "tpu.region"() ({
          %run_scoped3A_73 = tpu.sem_alloc : memref<!tpu.dma_semaphore, #tpu.memory_space<semaphore_mem>>
          %dma_start3A_74 = arith.constant 0 : i32
          %dma_start3A_75 = tpu.memref_slice %arg6[%mul3A_43, %dma_start3A_74] : memref<8x128xi32, #tpu.memory_space<vmem>> -> memref<1x128xi32, #tpu.memory_space<vmem>>
          %dma_start3A_76 = tpu.memref_squeeze %dma_start3A_75 : memref<1x128xi32, #tpu.memory_space<vmem>> -> memref<128xi32, #tpu.memory_space<vmem>>
          %dma_start3A_77 = arith.constant 0 : i32
          %dma_start3A_78 = arith.constant 0 : i32
          %dma_start3A_79 = tpu.memref_slice %arg9[%dma_start3A_77, %dma_start3A_78] : memref<10016x128xf32, #tpu.memory_space<vmem_shared>> -> memref<10016x128xf32, #tpu.memory_space<vmem_shared>>
          tpu.enqueue_indirect_dma source(%arg7 : memref<128x128xf32, #tpu.memory_space<vmem>>) target(%dma_start3A_79 : memref<10016x128xf32, #tpu.memory_space<vmem_shared>>) offsets(%dma_start3A_76 : memref<128xi32, #tpu.memory_space<vmem>>) semaphore(%run_scoped3A_73 : memref<!tpu.dma_semaphore, #tpu.memory_space<semaphore_mem>>) {add = true}
          %dma_wait3A_80 = arith.constant 0 : i32
          %dma_wait3A_81 = tpu.memref_slice %arg6[%mul3A_43, %dma_wait3A_80] : memref<8x128xi32, #tpu.memory_space<vmem>> -> memref<1x128xi32, #tpu.memory_space<vmem>>
          %dma_wait3A_82 = tpu.memref_squeeze %dma_wait3A_81 : memref<1x128xi32, #tpu.memory_space<vmem>> -> memref<128xi32, #tpu.memory_space<vmem>>
          %dma_wait3A_83 = arith.constant 0 : i32
          %dma_wait3A_84 = arith.constant 0 : i32
          %dma_wait3A_85 = tpu.memref_slice %arg9[%dma_wait3A_83, %dma_wait3A_84] : memref<10016x128xf32, #tpu.memory_space<vmem_shared>> -> memref<10016x128xf32, #tpu.memory_space<vmem_shared>>
          tpu.wait_indirect_dma semaphore(%run_scoped3A_73 : memref<!tpu.dma_semaphore, #tpu.memory_space<semaphore_mem>>) src(%arg7 : memref<128x128xf32, #tpu.memory_space<vmem>>) dst(%dma_wait3A_85 : memref<10016x128xf32, #tpu.memory_space<vmem_shared>>)
          tpu.yield
        }) : () -> ()
        %add3A_57 = arith.constant 1 : i32
        %add3A_58 = arith.addi %mul3A_43, %add3A_57 : i32
        %dma_wait3A_59 = arith.constant 0 : i32
        %dma_wait3A_60 = tpu.memref_slice %arg5[%add3A_58, %dma_wait3A_59] : memref<8x128xi32, #tpu.memory_space<vmem>> -> memref<1x128xi32, #tpu.memory_space<vmem>>
        %dma_wait3A_61 = tpu.memref_squeeze %dma_wait3A_60 : memref<1x128xi32, #tpu.memory_space<vmem>> -> memref<128xi32, #tpu.memory_space<vmem>>
        %dma_wait3A_62 = arith.constant 0 : i32
        %dma_wait3A_63 = arith.constant 0 : i32
        %dma_wait3A_64 = tpu.memref_slice %arg2[%dma_wait3A_62, %dma_wait3A_63] : memref<10000x128xf32, #tpu.memory_space<hbm>> -> memref<10000x128xf32, #tpu.memory_space<hbm>>
        tpu.wait_indirect_dma semaphore(%arg11 : memref<!tpu.dma_semaphore, #tpu.memory_space<semaphore_mem>>) src(%dma_wait3A_64 : memref<10000x128xf32, #tpu.memory_space<hbm>>) dst(%arg8 : memref<128x128xf32, #tpu.memory_space<vmem>>)
        %add3A_65 = arith.constant 2 : i32
        %add3A_66 = arith.addi %mul3A_43, %add3A_65 : i32
        %lt3A = arith.constant 8 : i32
        %lt3A_67 = arith.cmpi slt, %add3A_66, %lt3A : i32
        %convert_element_type3A_68 = arith.extui %lt3A_67 : i1 to i32
        %cond3A_69 = arith.constant 0 : i32
        %cond3A_70 = arith.cmpi ne, %convert_element_type3A_68, %cond3A_69 : i32
        scf.if %cond3A_70 {
          %add3A_73 = arith.constant 2 : i32
          %add3A_74 = arith.addi %mul3A_43, %add3A_73 : i32
          %dma_start3A_75 = arith.constant 0 : i32
          %dma_start3A_76 = tpu.memref_slice %arg5[%add3A_74, %dma_start3A_75] : memref<8x128xi32, #tpu.memory_space<vmem>> -> memref<1x128xi32, #tpu.memory_space<vmem>>
          %dma_start3A_77 = tpu.memref_squeeze %dma_start3A_76 : memref<1x128xi32, #tpu.memory_space<vmem>> -> memref<128xi32, #tpu.memory_space<vmem>>
          %dma_start3A_78 = arith.constant 0 : i32
          %dma_start3A_79 = arith.constant 0 : i32
          %dma_start3A_80 = tpu.memref_slice %arg2[%dma_start3A_78, %dma_start3A_79] : memref<10000x128xf32, #tpu.memory_space<hbm>> -> memref<10000x128xf32, #tpu.memory_space<hbm>>
          tpu.enqueue_indirect_dma source(%dma_start3A_80 : memref<10000x128xf32, #tpu.memory_space<hbm>>) target(%arg7 : memref<128x128xf32, #tpu.memory_space<vmem>>) offsets(%dma_start3A_77 : memref<128xi32, #tpu.memory_space<vmem>>) semaphore(%arg10 : memref<!tpu.dma_semaphore, #tpu.memory_space<semaphore_mem>>)
        } else {
        }
        %add3A_71 = arith.constant 1 : i32
        %add3A_72 = arith.addi %mul3A_43, %add3A_71 : i32
        "tpu.region"() ({
          %run_scoped3A_73 = tpu.sem_alloc : memref<!tpu.dma_semaphore, #tpu.memory_space<semaphore_mem>>
          %dma_start3A_74 = arith.constant 0 : i32
          %dma_start3A_75 = tpu.memref_slice %arg6[%add3A_72, %dma_start3A_74] : memref<8x128xi32, #tpu.memory_space<vmem>> -> memref<1x128xi32, #tpu.memory_space<vmem>>
          %dma_start3A_76 = tpu.memref_squeeze %dma_start3A_75 : memref<1x128xi32, #tpu.memory_space<vmem>> -> memref<128xi32, #tpu.memory_space<vmem>>
          %dma_start3A_77 = arith.constant 0 : i32
          %dma_start3A_78 = arith.constant 0 : i32
          %dma_start3A_79 = tpu.memref_slice %arg9[%dma_start3A_77, %dma_start3A_78] : memref<10016x128xf32, #tpu.memory_space<vmem_shared>> -> memref<10016x128xf32, #tpu.memory_space<vmem_shared>>
          tpu.enqueue_indirect_dma source(%arg8 : memref<128x128xf32, #tpu.memory_space<vmem>>) target(%dma_start3A_79 : memref<10016x128xf32, #tpu.memory_space<vmem_shared>>) offsets(%dma_start3A_76 : memref<128xi32, #tpu.memory_space<vmem>>) semaphore(%run_scoped3A_73 : memref<!tpu.dma_semaphore, #tpu.memory_space<semaphore_mem>>) {add = true}
          %dma_wait3A_80 = arith.constant 0 : i32
          %dma_wait3A_81 = tpu.memref_slice %arg6[%add3A_72, %dma_wait3A_80] : memref<8x128xi32, #tpu.memory_space<vmem>> -> memref<1x128xi32, #tpu.memory_space<vmem>>
          %dma_wait3A_82 = tpu.memref_squeeze %dma_wait3A_81 : memref<1x128xi32, #tpu.memory_space<vmem>> -> memref<128xi32, #tpu.memory_space<vmem>>
          %dma_wait3A_83 = arith.constant 0 : i32
          %dma_wait3A_84 = arith.constant 0 : i32
          %dma_wait3A_85 = tpu.memref_slice %arg9[%dma_wait3A_83, %dma_wait3A_84] : memref<10016x128xf32, #tpu.memory_space<vmem_shared>> -> memref<10016x128xf32, #tpu.memory_space<vmem_shared>>
          tpu.wait_indirect_dma semaphore(%run_scoped3A_73 : memref<!tpu.dma_semaphore, #tpu.memory_space<semaphore_mem>>) src(%arg8 : memref<128x128xf32, #tpu.memory_space<vmem>>) dst(%dma_wait3A_85 : memref<10016x128xf32, #tpu.memory_space<vmem_shared>>)
          tpu.yield
        }) : () -> ()
      }
      %scan3A_36 = arith.constant 4 : i32
    }
    %scan3A_10 = arith.constant 10 : i32
    %barrier3A_11 = arith.constant 0 : index
    tpu.barrier barrier_id(%barrier3A_11)
    "tpu.region"() ({
      %run_scoped3A = tpu.sem_alloc : memref<!tpu.dma_semaphore, #tpu.memory_space<semaphore_mem>>
      %dma_start3A = arith.constant 0 : i32
      %dma_start3A_17 = tpu.memref_slice %arg4[%arg0, %mul3A_0, %dma_start3A] : memref<2x10000x128xf32, #tpu.memory_space<hbm>> -> memref<1x624x128xf32, #tpu.memory_space<hbm>>
      %dma_start3A_18 = tpu.memref_squeeze %dma_start3A_17 : memref<1x624x128xf32, #tpu.memory_space<hbm>> -> memref<624x128xf32, #tpu.memory_space<hbm>>
      %dma_start3A_19 = arith.constant 0 : i32
      %dma_start3A_20 = tpu.memref_slice %arg9[%mul3A_0, %dma_start3A_19] : memref<10016x128xf32, #tpu.memory_space<vmem_shared>> -> memref<624x128xf32, #tpu.memory_space<vmem_shared>>
      tpu.enqueue_dma source(%dma_start3A_20 : memref<624x128xf32, #tpu.memory_space<vmem_shared>>) target(%dma_start3A_18 : memref<624x128xf32, #tpu.memory_space<hbm>>) target_semaphore(%run_scoped3A : memref<!tpu.dma_semaphore, #tpu.memory_space<semaphore_mem>>)
      %dma_wait3A = arith.constant 0 : i32
      %dma_wait3A_21 = tpu.memref_slice %arg4[%arg0, %mul3A_0, %dma_wait3A] : memref<2x10000x128xf32, #tpu.memory_space<hbm>> -> memref<1x624x128xf32, #tpu.memory_space<hbm>>
      %dma_wait3A_22 = tpu.memref_squeeze %dma_wait3A_21 : memref<1x624x128xf32, #tpu.memory_space<hbm>> -> memref<624x128xf32, #tpu.memory_space<hbm>>
      %dma_wait3A_23 = arith.constant 0 : i32
      %dma_wait3A_24 = tpu.memref_slice %arg9[%mul3A_0, %dma_wait3A_23] : memref<10016x128xf32, #tpu.memory_space<vmem_shared>> -> memref<624x128xf32, #tpu.memory_space<vmem_shared>>
      tpu.wait_dma2 semaphore(%run_scoped3A : memref<!tpu.dma_semaphore, #tpu.memory_space<semaphore_mem>>) src(%dma_wait3A_24 : memref<624x128xf32, #tpu.memory_space<vmem_shared>>) dst(%dma_wait3A_22 : memref<624x128xf32, #tpu.memory_space<hbm>>)
      tpu.yield
    }) : () -> ()
    %eq3A_12 = arith.constant 0 : i32
    %eq3A_13 = arith.cmpi eq, %arg1, %eq3A_12 : i32
    %convert_element_type3A_14 = arith.extui %eq3A_13 : i1 to i32
    %cond3A_15 = arith.constant 0 : i32
    %cond3A_16 = arith.cmpi ne, %convert_element_type3A_14, %cond3A_15 : i32
    scf.if %cond3A_16 {
      "tpu.region"() ({
        %run_scoped3A = tpu.sem_alloc : memref<!tpu.dma_semaphore, #tpu.memory_space<semaphore_mem>>
        %dma_start3A = arith.constant 9984 : i32
        %dma_start3A_17 = arith.constant 0 : i32
        %dma_start3A_18 = tpu.memref_slice %arg4[%arg0, %dma_start3A, %dma_start3A_17] : memref<2x10000x128xf32, #tpu.memory_space<hbm>> -> memref<1x16x128xf32, #tpu.memory_space<hbm>>
        %dma_start3A_19 = tpu.memref_squeeze %dma_start3A_18 : memref<1x16x128xf32, #tpu.memory_space<hbm>> -> memref<16x128xf32, #tpu.memory_space<hbm>>
        %dma_start3A_20 = arith.constant 9984 : i32
        %dma_start3A_21 = arith.constant 0 : i32
        %dma_start3A_22 = tpu.memref_slice %arg9[%dma_start3A_20, %dma_start3A_21] : memref<10016x128xf32, #tpu.memory_space<vmem_shared>> -> memref<16x128xf32, #tpu.memory_space<vmem_shared>>
        tpu.enqueue_dma source(%dma_start3A_22 : memref<16x128xf32, #tpu.memory_space<vmem_shared>>) target(%dma_start3A_19 : memref<16x128xf32, #tpu.memory_space<hbm>>) target_semaphore(%run_scoped3A : memref<!tpu.dma_semaphore, #tpu.memory_space<semaphore_mem>>)
        %dma_wait3A = arith.constant 9984 : i32
        %dma_wait3A_23 = arith.constant 0 : i32
        %dma_wait3A_24 = tpu.memref_slice %arg4[%arg0, %dma_wait3A, %dma_wait3A_23] : memref<2x10000x128xf32, #tpu.memory_space<hbm>> -> memref<1x16x128xf32, #tpu.memory_space<hbm>>
        %dma_wait3A_25 = tpu.memref_squeeze %dma_wait3A_24 : memref<1x16x128xf32, #tpu.memory_space<hbm>> -> memref<16x128xf32, #tpu.memory_space<hbm>>
        %dma_wait3A_26 = arith.constant 9984 : i32
        %dma_wait3A_27 = arith.constant 0 : i32
        %dma_wait3A_28 = tpu.memref_slice %arg9[%dma_wait3A_26, %dma_wait3A_27] : memref<10016x128xf32, #tpu.memory_space<vmem_shared>> -> memref<16x128xf32, #tpu.memory_space<vmem_shared>>
        tpu.wait_dma2 semaphore(%run_scoped3A : memref<!tpu.dma_semaphore, #tpu.memory_space<semaphore_mem>>) src(%dma_wait3A_28 : memref<16x128xf32, #tpu.memory_space<vmem_shared>>) dst(%dma_wait3A_25 : memref<16x128xf32, #tpu.memory_space<hbm>>)
        tpu.yield
      }) : () -> ()
    } else {
    }
    return
  }
}

#map = affine_map<(d0, d1) -> (0, 0)>
#map1 = affine_map<(d0, d1) -> (0, 0, 0)>
module attributes {stable_mosaic.version = 14 : i64} {
  func.func @agg_kernel(%arg0: i32, %arg1: i32, %arg2: memref<10000x128xf32, #tpu.memory_space<hbm>>, %arg3: memref<2x2560x128xi32, #tpu.memory_space<hbm>>, %arg4: memref<2x10000x128xf32, #tpu.memory_space<hbm>>, %arg5: memref<8x128xi32, #tpu.memory_space<vmem>>, %arg6: memref<8x128xi32, #tpu.memory_space<vmem>>, %arg7: memref<128x128xf32, #tpu.memory_space<vmem>>, %arg8: memref<128x128xf32, #tpu.memory_space<vmem>>, %arg9: memref<10016x128xf32, #tpu.memory_space<vmem_shared>>, %arg10: memref<!tpu.dma_semaphore, #tpu.memory_space<semaphore_mem>>, %arg11: memref<!tpu.dma_semaphore, #tpu.memory_space<semaphore_mem>>) attributes {dimension_semantics = [#tpu.dimension_semantics<core_parallel>, #tpu.dimension_semantics<subcore_parallel>], iteration_bounds = array<i64: 2, 16>, scalar_prefetch = 0 : i64, scratch_operands = 7 : i64, tpu.core_type = #tpu.core_type<sc_vector_subcore>, window_params = [{transform_indices = #map}, {transform_indices = #map1}, {transform_indices = #map1}]} {
    %mul3A = arith.constant 624 : i32
    %mul3A_0 = arith.muli %arg1, %mul3A : i32
    "tpu.region"() ({
      %run_scoped3A = tpu.sem_alloc : memref<!tpu.dma_semaphore, #tpu.memory_space<semaphore_mem>>
      %dma_start3A = arith.constant 0 : i32
      %dma_start3A_17 = tpu.memref_slice %arg9[%mul3A_0, %dma_start3A] : memref<10016x128xf32, #tpu.memory_space<vmem_shared>> -> memref<624x128xf32, #tpu.memory_space<vmem_shared>>
      %dma_start3A_18 = arith.constant 0 : i32
      %dma_start3A_19 = tpu.memref_slice %arg2[%mul3A_0, %dma_start3A_18] : memref<10000x128xf32, #tpu.memory_space<hbm>> -> memref<624x128xf32, #tpu.memory_space<hbm>>
      tpu.enqueue_dma source(%dma_start3A_19 : memref<624x128xf32, #tpu.memory_space<hbm>>) target(%dma_start3A_17 : memref<624x128xf32, #tpu.memory_space<vmem_shared>>) target_semaphore(%run_scoped3A : memref<!tpu.dma_semaphore, #tpu.memory_space<semaphore_mem>>)
      %dma_wait3A = arith.constant 0 : i32
      %dma_wait3A_20 = tpu.memref_slice %arg9[%mul3A_0, %dma_wait3A] : memref<10016x128xf32, #tpu.memory_space<vmem_shared>> -> memref<624x128xf32, #tpu.memory_space<vmem_shared>>
      %dma_wait3A_21 = arith.constant 0 : i32
      %dma_wait3A_22 = tpu.memref_slice %arg2[%mul3A_0, %dma_wait3A_21] : memref<10000x128xf32, #tpu.memory_space<hbm>> -> memref<624x128xf32, #tpu.memory_space<hbm>>
      tpu.wait_dma2 semaphore(%run_scoped3A : memref<!tpu.dma_semaphore, #tpu.memory_space<semaphore_mem>>) src(%dma_wait3A_22 : memref<624x128xf32, #tpu.memory_space<hbm>>) dst(%dma_wait3A_20 : memref<624x128xf32, #tpu.memory_space<vmem_shared>>)
      tpu.yield
    }) : () -> ()
    %eq3A = arith.constant 0 : i32
    %eq3A_1 = arith.cmpi eq, %arg1, %eq3A : i32
    %convert_element_type3A = arith.extui %eq3A_1 : i1 to i32
    %cond3A = arith.constant 0 : i32
    %cond3A_2 = arith.cmpi ne, %convert_element_type3A, %cond3A : i32
    scf.if %cond3A_2 {
      "tpu.region"() ({
        %run_scoped3A = tpu.sem_alloc : memref<!tpu.dma_semaphore, #tpu.memory_space<semaphore_mem>>
        %dma_start3A = arith.constant 9984 : i32
        %dma_start3A_17 = arith.constant 0 : i32
        %dma_start3A_18 = tpu.memref_slice %arg9[%dma_start3A, %dma_start3A_17] : memref<10016x128xf32, #tpu.memory_space<vmem_shared>> -> memref<16x128xf32, #tpu.memory_space<vmem_shared>>
        %dma_start3A_19 = arith.constant 9984 : i32
        %dma_start3A_20 = arith.constant 0 : i32
        %dma_start3A_21 = tpu.memref_slice %arg2[%dma_start3A_19, %dma_start3A_20] : memref<10000x128xf32, #tpu.memory_space<hbm>> -> memref<16x128xf32, #tpu.memory_space<hbm>>
        tpu.enqueue_dma source(%dma_start3A_21 : memref<16x128xf32, #tpu.memory_space<hbm>>) target(%dma_start3A_18 : memref<16x128xf32, #tpu.memory_space<vmem_shared>>) target_semaphore(%run_scoped3A : memref<!tpu.dma_semaphore, #tpu.memory_space<semaphore_mem>>)
        %dma_wait3A = arith.constant 9984 : i32
        %dma_wait3A_22 = arith.constant 0 : i32
        %dma_wait3A_23 = tpu.memref_slice %arg9[%dma_wait3A, %dma_wait3A_22] : memref<10016x128xf32, #tpu.memory_space<vmem_shared>> -> memref<16x128xf32, #tpu.memory_space<vmem_shared>>
        %dma_wait3A_24 = arith.constant 9984 : i32
        %dma_wait3A_25 = arith.constant 0 : i32
        %dma_wait3A_26 = tpu.memref_slice %arg2[%dma_wait3A_24, %dma_wait3A_25] : memref<10000x128xf32, #tpu.memory_space<hbm>> -> memref<16x128xf32, #tpu.memory_space<hbm>>
        tpu.wait_dma2 semaphore(%run_scoped3A : memref<!tpu.dma_semaphore, #tpu.memory_space<semaphore_mem>>) src(%dma_wait3A_26 : memref<16x128xf32, #tpu.memory_space<hbm>>) dst(%dma_wait3A_23 : memref<16x128xf32, #tpu.memory_space<vmem_shared>>)
        tpu.yield
      }) : () -> ()
    } else {
    }
    %mul3A_3 = arith.constant 1280 : i32
    %mul3A_4 = arith.muli %arg0, %mul3A_3 : i32
    %mul3A_5 = arith.constant 80 : i32
    %mul3A_6 = arith.muli %arg1, %mul3A_5 : i32
    %add3A = arith.addi %mul3A_4, %mul3A_6 : i32
    %barrier3A = arith.constant 0 : index
    tpu.barrier barrier_id(%barrier3A)
    %scan3A = arith.constant 0 : i32
    %scan3A_7 = arith.constant 10 : i32
    %scan3A_8 = arith.addi %scan3A, %scan3A_7 : i32
    %scan3A_9 = arith.constant 1 : i32
    scf.for %scan3A_17 = %scan3A to %scan3A_8 step %scan3A_9  : i32 {
      %mul3A_18 = arith.constant 1 : i32
      %mul3A_19 = arith.muli %scan3A_17, %mul3A_18 : i32
      %add3A_20 = arith.constant 0 : i32
      %add3A_21 = arith.addi %add3A_20, %mul3A_19 : i32
      %mul3A_22 = arith.constant 8 : i32
      %mul3A_23 = arith.muli %add3A_21, %mul3A_22 : i32
      %add3A_24 = arith.addi %add3A, %mul3A_23 : i32
      %run_scoped3A = arith.constant 0 : i32
      "tpu.region"() ({
        %run_scoped3A_37 = tpu.sem_alloc : memref<!tpu.dma_semaphore, #tpu.memory_space<semaphore_mem>>
        %dma_start3A_38 = arith.constant 0 : i32
        %dma_start3A_39 = tpu.memref_slice %arg3[%run_scoped3A, %add3A_24, %dma_start3A_38] : memref<2x2560x128xi32, #tpu.memory_space<hbm>> -> memref<1x8x128xi32, #tpu.memory_space<hbm>>
        %dma_start3A_40 = tpu.memref_squeeze %dma_start3A_39 : memref<1x8x128xi32, #tpu.memory_space<hbm>> -> memref<8x128xi32, #tpu.memory_space<hbm>>
        %dma_start3A_41 = arith.constant 0 : i32
        %dma_start3A_42 = tpu.memref_slice %arg3[%run_scoped3A, %add3A_24, %dma_start3A_41] : memref<2x2560x128xi32, #tpu.memory_space<hbm>> -> memref<1x8x128xi32, #tpu.memory_space<hbm>>
        %dma_start3A_43 = tpu.memref_squeeze %dma_start3A_42 : memref<1x8x128xi32, #tpu.memory_space<hbm>> -> memref<8x128xi32, #tpu.memory_space<hbm>>
        tpu.enqueue_dma source(%dma_start3A_43 : memref<8x128xi32, #tpu.memory_space<hbm>>) target(%arg5 : memref<8x128xi32, #tpu.memory_space<vmem>>) target_semaphore(%run_scoped3A_37 : memref<!tpu.dma_semaphore, #tpu.memory_space<semaphore_mem>>)
        %dma_wait3A = arith.constant 0 : i32
        %dma_wait3A_44 = tpu.memref_slice %arg3[%run_scoped3A, %add3A_24, %dma_wait3A] : memref<2x2560x128xi32, #tpu.memory_space<hbm>> -> memref<1x8x128xi32, #tpu.memory_space<hbm>>
        %dma_wait3A_45 = tpu.memref_squeeze %dma_wait3A_44 : memref<1x8x128xi32, #tpu.memory_space<hbm>> -> memref<8x128xi32, #tpu.memory_space<hbm>>
        %dma_wait3A_46 = arith.constant 0 : i32
        %dma_wait3A_47 = tpu.memref_slice %arg3[%run_scoped3A, %add3A_24, %dma_wait3A_46] : memref<2x2560x128xi32, #tpu.memory_space<hbm>> -> memref<1x8x128xi32, #tpu.memory_space<hbm>>
        %dma_wait3A_48 = tpu.memref_squeeze %dma_wait3A_47 : memref<1x8x128xi32, #tpu.memory_space<hbm>> -> memref<8x128xi32, #tpu.memory_space<hbm>>
        tpu.wait_dma2 semaphore(%run_scoped3A_37 : memref<!tpu.dma_semaphore, #tpu.memory_space<semaphore_mem>>) src(%dma_wait3A_48 : memref<8x128xi32, #tpu.memory_space<hbm>>) dst(%arg5 : memref<8x128xi32, #tpu.memory_space<vmem>>)
        tpu.yield
      }) : () -> ()
      %run_scoped3A_25 = arith.constant 1 : i32
      "tpu.region"() ({
        %run_scoped3A_37 = tpu.sem_alloc : memref<!tpu.dma_semaphore, #tpu.memory_space<semaphore_mem>>
        %dma_start3A_38 = arith.constant 0 : i32
        %dma_start3A_39 = tpu.memref_slice %arg3[%run_scoped3A_25, %add3A_24, %dma_start3A_38] : memref<2x2560x128xi32, #tpu.memory_space<hbm>> -> memref<1x8x128xi32, #tpu.memory_space<hbm>>
        %dma_start3A_40 = tpu.memref_squeeze %dma_start3A_39 : memref<1x8x128xi32, #tpu.memory_space<hbm>> -> memref<8x128xi32, #tpu.memory_space<hbm>>
        %dma_start3A_41 = arith.constant 0 : i32
        %dma_start3A_42 = tpu.memref_slice %arg3[%run_scoped3A_25, %add3A_24, %dma_start3A_41] : memref<2x2560x128xi32, #tpu.memory_space<hbm>> -> memref<1x8x128xi32, #tpu.memory_space<hbm>>
        %dma_start3A_43 = tpu.memref_squeeze %dma_start3A_42 : memref<1x8x128xi32, #tpu.memory_space<hbm>> -> memref<8x128xi32, #tpu.memory_space<hbm>>
        tpu.enqueue_dma source(%dma_start3A_43 : memref<8x128xi32, #tpu.memory_space<hbm>>) target(%arg6 : memref<8x128xi32, #tpu.memory_space<vmem>>) target_semaphore(%run_scoped3A_37 : memref<!tpu.dma_semaphore, #tpu.memory_space<semaphore_mem>>)
        %dma_wait3A = arith.constant 0 : i32
        %dma_wait3A_44 = tpu.memref_slice %arg3[%run_scoped3A_25, %add3A_24, %dma_wait3A] : memref<2x2560x128xi32, #tpu.memory_space<hbm>> -> memref<1x8x128xi32, #tpu.memory_space<hbm>>
        %dma_wait3A_45 = tpu.memref_squeeze %dma_wait3A_44 : memref<1x8x128xi32, #tpu.memory_space<hbm>> -> memref<8x128xi32, #tpu.memory_space<hbm>>
        %dma_wait3A_46 = arith.constant 0 : i32
        %dma_wait3A_47 = tpu.memref_slice %arg3[%run_scoped3A_25, %add3A_24, %dma_wait3A_46] : memref<2x2560x128xi32, #tpu.memory_space<hbm>> -> memref<1x8x128xi32, #tpu.memory_space<hbm>>
        %dma_wait3A_48 = tpu.memref_squeeze %dma_wait3A_47 : memref<1x8x128xi32, #tpu.memory_space<hbm>> -> memref<8x128xi32, #tpu.memory_space<hbm>>
        tpu.wait_dma2 semaphore(%run_scoped3A_37 : memref<!tpu.dma_semaphore, #tpu.memory_space<semaphore_mem>>) src(%dma_wait3A_48 : memref<8x128xi32, #tpu.memory_space<hbm>>) dst(%arg6 : memref<8x128xi32, #tpu.memory_space<vmem>>)
        tpu.yield
      }) : () -> ()
      %dma_start3A = arith.constant 0 : i32
      %dma_start3A_26 = arith.constant 0 : i32
      %dma_start3A_27 = tpu.memref_slice %arg5[%dma_start3A, %dma_start3A_26] : memref<8x128xi32, #tpu.memory_space<vmem>> -> memref<1x128xi32, #tpu.memory_space<vmem>>
      %dma_start3A_28 = tpu.memref_squeeze %dma_start3A_27 : memref<1x128xi32, #tpu.memory_space<vmem>> -> memref<128xi32, #tpu.memory_space<vmem>>
      %dma_start3A_29 = arith.constant 0 : i32
      %dma_start3A_30 = arith.constant 0 : i32
      %dma_start3A_31 = tpu.memref_slice %arg2[%dma_start3A_29, %dma_start3A_30] : memref<10000x128xf32, #tpu.memory_space<hbm>> -> memref<10000x128xf32, #tpu.memory_space<hbm>>
      tpu.enqueue_indirect_dma source(%dma_start3A_31 : memref<10000x128xf32, #tpu.memory_space<hbm>>) target(%arg7 : memref<128x128xf32, #tpu.memory_space<vmem>>) offsets(%dma_start3A_28 : memref<128xi32, #tpu.memory_space<vmem>>) semaphore(%arg10 : memref<!tpu.dma_semaphore, #tpu.memory_space<semaphore_mem>>)
      %scan3A_32 = arith.constant 0 : i32
      %scan3A_33 = arith.constant 4 : i32
      %scan3A_34 = arith.addi %scan3A_32, %scan3A_33 : i32
      %scan3A_35 = arith.constant 1 : i32
      scf.for %scan3A_37 = %scan3A_32 to %scan3A_34 step %scan3A_35  : i32 {
        %mul3A_38 = arith.constant 1 : i32
        %mul3A_39 = arith.muli %scan3A_37, %mul3A_38 : i32
        %add3A_40 = arith.constant 0 : i32
        %add3A_41 = arith.addi %add3A_40, %mul3A_39 : i32
        %mul3A_42 = arith.constant 2 : i32
        %mul3A_43 = arith.muli %mul3A_42, %add3A_41 : i32
        %dma_wait3A = arith.constant 0 : i32
        %dma_wait3A_44 = tpu.memref_slice %arg5[%mul3A_43, %dma_wait3A] : memref<8x128xi32, #tpu.memory_space<vmem>> -> memref<1x128xi32, #tpu.memory_space<vmem>>
        %dma_wait3A_45 = tpu.memref_squeeze %dma_wait3A_44 : memref<1x128xi32, #tpu.memory_space<vmem>> -> memref<128xi32, #tpu.memory_space<vmem>>
        %dma_wait3A_46 = arith.constant 0 : i32
        %dma_wait3A_47 = arith.constant 0 : i32
        %dma_wait3A_48 = tpu.memref_slice %arg2[%dma_wait3A_46, %dma_wait3A_47] : memref<10000x128xf32, #tpu.memory_space<hbm>> -> memref<10000x128xf32, #tpu.memory_space<hbm>>
        tpu.wait_indirect_dma semaphore(%arg10 : memref<!tpu.dma_semaphore, #tpu.memory_space<semaphore_mem>>) src(%dma_wait3A_48 : memref<10000x128xf32, #tpu.memory_space<hbm>>) dst(%arg7 : memref<128x128xf32, #tpu.memory_space<vmem>>)
        %add3A_49 = arith.constant 1 : i32
        %add3A_50 = arith.addi %mul3A_43, %add3A_49 : i32
        %dma_start3A_51 = arith.constant 0 : i32
        %dma_start3A_52 = tpu.memref_slice %arg5[%add3A_50, %dma_start3A_51] : memref<8x128xi32, #tpu.memory_space<vmem>> -> memref<1x128xi32, #tpu.memory_space<vmem>>
        %dma_start3A_53 = tpu.memref_squeeze %dma_start3A_52 : memref<1x128xi32, #tpu.memory_space<vmem>> -> memref<128xi32, #tpu.memory_space<vmem>>
        %dma_start3A_54 = arith.constant 0 : i32
        %dma_start3A_55 = arith.constant 0 : i32
        %dma_start3A_56 = tpu.memref_slice %arg2[%dma_start3A_54, %dma_start3A_55] : memref<10000x128xf32, #tpu.memory_space<hbm>> -> memref<10000x128xf32, #tpu.memory_space<hbm>>
        tpu.enqueue_indirect_dma source(%dma_start3A_56 : memref<10000x128xf32, #tpu.memory_space<hbm>>) target(%arg8 : memref<128x128xf32, #tpu.memory_space<vmem>>) offsets(%dma_start3A_53 : memref<128xi32, #tpu.memory_space<vmem>>) semaphore(%arg11 : memref<!tpu.dma_semaphore, #tpu.memory_space<semaphore_mem>>)
        "tpu.region"() ({
          %run_scoped3A_73 = tpu.sem_alloc : memref<!tpu.dma_semaphore, #tpu.memory_space<semaphore_mem>>
          %dma_start3A_74 = arith.constant 0 : i32
          %dma_start3A_75 = tpu.memref_slice %arg6[%mul3A_43, %dma_start3A_74] : memref<8x128xi32, #tpu.memory_space<vmem>> -> memref<1x128xi32, #tpu.memory_space<vmem>>
          %dma_start3A_76 = tpu.memref_squeeze %dma_start3A_75 : memref<1x128xi32, #tpu.memory_space<vmem>> -> memref<128xi32, #tpu.memory_space<vmem>>
          %dma_start3A_77 = arith.constant 0 : i32
          %dma_start3A_78 = arith.constant 0 : i32
          %dma_start3A_79 = tpu.memref_slice %arg9[%dma_start3A_77, %dma_start3A_78] : memref<10016x128xf32, #tpu.memory_space<vmem_shared>> -> memref<10016x128xf32, #tpu.memory_space<vmem_shared>>
          tpu.enqueue_indirect_dma source(%arg7 : memref<128x128xf32, #tpu.memory_space<vmem>>) target(%dma_start3A_79 : memref<10016x128xf32, #tpu.memory_space<vmem_shared>>) offsets(%dma_start3A_76 : memref<128xi32, #tpu.memory_space<vmem>>) semaphore(%run_scoped3A_73 : memref<!tpu.dma_semaphore, #tpu.memory_space<semaphore_mem>>) {add = true}
          %dma_wait3A_80 = arith.constant 0 : i32
          %dma_wait3A_81 = tpu.memref_slice %arg6[%mul3A_43, %dma_wait3A_80] : memref<8x128xi32, #tpu.memory_space<vmem>> -> memref<1x128xi32, #tpu.memory_space<vmem>>
          %dma_wait3A_82 = tpu.memref_squeeze %dma_wait3A_81 : memref<1x128xi32, #tpu.memory_space<vmem>> -> memref<128xi32, #tpu.memory_space<vmem>>
          %dma_wait3A_83 = arith.constant 0 : i32
          %dma_wait3A_84 = arith.constant 0 : i32
          %dma_wait3A_85 = tpu.memref_slice %arg9[%dma_wait3A_83, %dma_wait3A_84] : memref<10016x128xf32, #tpu.memory_space<vmem_shared>> -> memref<10016x128xf32, #tpu.memory_space<vmem_shared>>
          tpu.wait_indirect_dma semaphore(%run_scoped3A_73 : memref<!tpu.dma_semaphore, #tpu.memory_space<semaphore_mem>>) src(%arg7 : memref<128x128xf32, #tpu.memory_space<vmem>>) dst(%dma_wait3A_85 : memref<10016x128xf32, #tpu.memory_space<vmem_shared>>)
          tpu.yield
        }) : () -> ()
        %add3A_57 = arith.constant 1 : i32
        %add3A_58 = arith.addi %mul3A_43, %add3A_57 : i32
        %dma_wait3A_59 = arith.constant 0 : i32
        %dma_wait3A_60 = tpu.memref_slice %arg5[%add3A_58, %dma_wait3A_59] : memref<8x128xi32, #tpu.memory_space<vmem>> -> memref<1x128xi32, #tpu.memory_space<vmem>>
        %dma_wait3A_61 = tpu.memref_squeeze %dma_wait3A_60 : memref<1x128xi32, #tpu.memory_space<vmem>> -> memref<128xi32, #tpu.memory_space<vmem>>
        %dma_wait3A_62 = arith.constant 0 : i32
        %dma_wait3A_63 = arith.constant 0 : i32
        %dma_wait3A_64 = tpu.memref_slice %arg2[%dma_wait3A_62, %dma_wait3A_63] : memref<10000x128xf32, #tpu.memory_space<hbm>> -> memref<10000x128xf32, #tpu.memory_space<hbm>>
        tpu.wait_indirect_dma semaphore(%arg11 : memref<!tpu.dma_semaphore, #tpu.memory_space<semaphore_mem>>) src(%dma_wait3A_64 : memref<10000x128xf32, #tpu.memory_space<hbm>>) dst(%arg8 : memref<128x128xf32, #tpu.memory_space<vmem>>)
        %add3A_65 = arith.constant 2 : i32
        %add3A_66 = arith.addi %mul3A_43, %add3A_65 : i32
        %lt3A = arith.constant 8 : i32
        %lt3A_67 = arith.cmpi slt, %add3A_66, %lt3A : i32
        %convert_element_type3A_68 = arith.extui %lt3A_67 : i1 to i32
        %cond3A_69 = arith.constant 0 : i32
        %cond3A_70 = arith.cmpi ne, %convert_element_type3A_68, %cond3A_69 : i32
        scf.if %cond3A_70 {
          %add3A_73 = arith.constant 2 : i32
          %add3A_74 = arith.addi %mul3A_43, %add3A_73 : i32
          %dma_start3A_75 = arith.constant 0 : i32
          %dma_start3A_76 = tpu.memref_slice %arg5[%add3A_74, %dma_start3A_75] : memref<8x128xi32, #tpu.memory_space<vmem>> -> memref<1x128xi32, #tpu.memory_space<vmem>>
          %dma_start3A_77 = tpu.memref_squeeze %dma_start3A_76 : memref<1x128xi32, #tpu.memory_space<vmem>> -> memref<128xi32, #tpu.memory_space<vmem>>
          %dma_start3A_78 = arith.constant 0 : i32
          %dma_start3A_79 = arith.constant 0 : i32
          %dma_start3A_80 = tpu.memref_slice %arg2[%dma_start3A_78, %dma_start3A_79] : memref<10000x128xf32, #tpu.memory_space<hbm>> -> memref<10000x128xf32, #tpu.memory_space<hbm>>
          tpu.enqueue_indirect_dma source(%dma_start3A_80 : memref<10000x128xf32, #tpu.memory_space<hbm>>) target(%arg7 : memref<128x128xf32, #tpu.memory_space<vmem>>) offsets(%dma_start3A_77 : memref<128xi32, #tpu.memory_space<vmem>>) semaphore(%arg10 : memref<!tpu.dma_semaphore, #tpu.memory_space<semaphore_mem>>)
        } else {
        }
        %add3A_71 = arith.constant 1 : i32
        %add3A_72 = arith.addi %mul3A_43, %add3A_71 : i32
        "tpu.region"() ({
          %run_scoped3A_73 = tpu.sem_alloc : memref<!tpu.dma_semaphore, #tpu.memory_space<semaphore_mem>>
          %dma_start3A_74 = arith.constant 0 : i32
          %dma_start3A_75 = tpu.memref_slice %arg6[%add3A_72, %dma_start3A_74] : memref<8x128xi32, #tpu.memory_space<vmem>> -> memref<1x128xi32, #tpu.memory_space<vmem>>
          %dma_start3A_76 = tpu.memref_squeeze %dma_start3A_75 : memref<1x128xi32, #tpu.memory_space<vmem>> -> memref<128xi32, #tpu.memory_space<vmem>>
          %dma_start3A_77 = arith.constant 0 : i32
          %dma_start3A_78 = arith.constant 0 : i32
          %dma_start3A_79 = tpu.memref_slice %arg9[%dma_start3A_77, %dma_start3A_78] : memref<10016x128xf32, #tpu.memory_space<vmem_shared>> -> memref<10016x128xf32, #tpu.memory_space<vmem_shared>>
          tpu.enqueue_indirect_dma source(%arg8 : memref<128x128xf32, #tpu.memory_space<vmem>>) target(%dma_start3A_79 : memref<10016x128xf32, #tpu.memory_space<vmem_shared>>) offsets(%dma_start3A_76 : memref<128xi32, #tpu.memory_space<vmem>>) semaphore(%run_scoped3A_73 : memref<!tpu.dma_semaphore, #tpu.memory_space<semaphore_mem>>) {add = true}
          %dma_wait3A_80 = arith.constant 0 : i32
          %dma_wait3A_81 = tpu.memref_slice %arg6[%add3A_72, %dma_wait3A_80] : memref<8x128xi32, #tpu.memory_space<vmem>> -> memref<1x128xi32, #tpu.memory_space<vmem>>
          %dma_wait3A_82 = tpu.memref_squeeze %dma_wait3A_81 : memref<1x128xi32, #tpu.memory_space<vmem>> -> memref<128xi32, #tpu.memory_space<vmem>>
          %dma_wait3A_83 = arith.constant 0 : i32
          %dma_wait3A_84 = arith.constant 0 : i32
          %dma_wait3A_85 = tpu.memref_slice %arg9[%dma_wait3A_83, %dma_wait3A_84] : memref<10016x128xf32, #tpu.memory_space<vmem_shared>> -> memref<10016x128xf32, #tpu.memory_space<vmem_shared>>
          tpu.wait_indirect_dma semaphore(%run_scoped3A_73 : memref<!tpu.dma_semaphore, #tpu.memory_space<semaphore_mem>>) src(%arg8 : memref<128x128xf32, #tpu.memory_space<vmem>>) dst(%dma_wait3A_85 : memref<10016x128xf32, #tpu.memory_space<vmem_shared>>)
          tpu.yield
        }) : () -> ()
      }
      %scan3A_36 = arith.constant 4 : i32
    }
    %scan3A_10 = arith.constant 10 : i32
    %barrier3A_11 = arith.constant 0 : index
    tpu.barrier barrier_id(%barrier3A_11)
    "tpu.region"() ({
      %run_scoped3A = tpu.sem_alloc : memref<!tpu.dma_semaphore, #tpu.memory_space<semaphore_mem>>
      %dma_start3A = arith.constant 0 : i32
      %dma_start3A_17 = tpu.memref_slice %arg4[%arg0, %mul3A_0, %dma_start3A] : memref<2x10000x128xf32, #tpu.memory_space<hbm>> -> memref<1x624x128xf32, #tpu.memory_space<hbm>>
      %dma_start3A_18 = tpu.memref_squeeze %dma_start3A_17 : memref<1x624x128xf32, #tpu.memory_space<hbm>> -> memref<624x128xf32, #tpu.memory_space<hbm>>
      %dma_start3A_19 = arith.constant 0 : i32
      %dma_start3A_20 = tpu.memref_slice %arg9[%mul3A_0, %dma_start3A_19] : memref<10016x128xf32, #tpu.memory_space<vmem_shared>> -> memref<624x128xf32, #tpu.memory_space<vmem_shared>>
      tpu.enqueue_dma source(%dma_start3A_20 : memref<624x128xf32, #tpu.memory_space<vmem_shared>>) target(%dma_start3A_18 : memref<624x128xf32, #tpu.memory_space<hbm>>) target_semaphore(%run_scoped3A : memref<!tpu.dma_semaphore, #tpu.memory_space<semaphore_mem>>)
      %dma_wait3A = arith.constant 0 : i32
      %dma_wait3A_21 = tpu.memref_slice %arg4[%arg0, %mul3A_0, %dma_wait3A] : memref<2x10000x128xf32, #tpu.memory_space<hbm>> -> memref<1x624x128xf32, #tpu.memory_space<hbm>>
      %dma_wait3A_22 = tpu.memref_squeeze %dma_wait3A_21 : memref<1x624x128xf32, #tpu.memory_space<hbm>> -> memref<624x128xf32, #tpu.memory_space<hbm>>
      %dma_wait3A_23 = arith.constant 0 : i32
      %dma_wait3A_24 = tpu.memref_slice %arg9[%mul3A_0, %dma_wait3A_23] : memref<10016x128xf32, #tpu.memory_space<vmem_shared>> -> memref<624x128xf32, #tpu.memory_space<vmem_shared>>
      tpu.wait_dma2 semaphore(%run_scoped3A : memref<!tpu.dma_semaphore, #tpu.memory_space<semaphore_mem>>) src(%dma_wait3A_24 : memref<624x128xf32, #tpu.memory_space<vmem_shared>>) dst(%dma_wait3A_22 : memref<624x128xf32, #tpu.memory_space<hbm>>)
      tpu.yield
    }) : () -> ()
    %eq3A_12 = arith.constant 0 : i32
    %eq3A_13 = arith.cmpi eq, %arg1, %eq3A_12 : i32
    %convert_element_type3A_14 = arith.extui %eq3A_13 : i1 to i32
    %cond3A_15 = arith.constant 0 : i32
    %cond3A_16 = arith.cmpi ne, %convert_element_type3A_14, %cond3A_15 : i32
    scf.if %cond3A_16 {
      "tpu.region"() ({
        %run_scoped3A = tpu.sem_alloc : memref<!tpu.dma_semaphore, #tpu.memory_space<semaphore_mem>>
        %dma_start3A = arith.constant 9984 : i32
        %dma_start3A_17 = arith.constant 0 : i32
        %dma_start3A_18 = tpu.memref_slice %arg4[%arg0, %dma_start3A, %dma_start3A_17] : memref<2x10000x128xf32, #tpu.memory_space<hbm>> -> memref<1x16x128xf32, #tpu.memory_space<hbm>>
        %dma_start3A_19 = tpu.memref_squeeze %dma_start3A_18 : memref<1x16x128xf32, #tpu.memory_space<hbm>> -> memref<16x128xf32, #tpu.memory_space<hbm>>
        %dma_start3A_20 = arith.constant 9984 : i32
        %dma_start3A_21 = arith.constant 0 : i32
        %dma_start3A_22 = tpu.memref_slice %arg9[%dma_start3A_20, %dma_start3A_21] : memref<10016x128xf32, #tpu.memory_space<vmem_shared>> -> memref<16x128xf32, #tpu.memory_space<vmem_shared>>
        tpu.enqueue_dma source(%dma_start3A_22 : memref<16x128xf32, #tpu.memory_space<vmem_shared>>) target(%dma_start3A_19 : memref<16x128xf32, #tpu.memory_space<hbm>>) target_semaphore(%run_scoped3A : memref<!tpu.dma_semaphore, #tpu.memory_space<semaphore_mem>>)
        %dma_wait3A = arith.constant 9984 : i32
        %dma_wait3A_23 = arith.constant 0 : i32
        %dma_wait3A_24 = tpu.memref_slice %arg4[%arg0, %dma_wait3A, %dma_wait3A_23] : memref<2x10000x128xf32, #tpu.memory_space<hbm>> -> memref<1x16x128xf32, #tpu.memory_space<hbm>>
        %dma_wait3A_25 = tpu.memref_squeeze %dma_wait3A_24 : memref<1x16x128xf32, #tpu.memory_space<hbm>> -> memref<16x128xf32, #tpu.memory_space<hbm>>
        %dma_wait3A_26 = arith.constant 9984 : i32
        %dma_wait3A_27 = arith.constant 0 : i32
        %dma_wait3A_28 = tpu.memref_slice %arg9[%dma_wait3A_26, %dma_wait3A_27] : memref<10016x128xf32, #tpu.memory_space<vmem_shared>> -> memref<16x128xf32, #tpu.memory_space<vmem_shared>>
        tpu.wait_dma2 semaphore(%run_scoped3A : memref<!tpu.dma_semaphore, #tpu.memory_space<semaphore_mem>>) src(%dma_wait3A_28 : memref<16x128xf32, #tpu.memory_space<vmem_shared>>) dst(%dma_wait3A_25 : memref<16x128xf32, #tpu.memory_space<hbm>>)
        tpu.yield
      }) : () -> ()
    } else {
    }
    return
  }
}

#map = affine_map<(d0, d1) -> (0, 0)>
#map1 = affine_map<(d0, d1) -> (0, 0, 0)>
module attributes {stable_mosaic.version = 14 : i64} {
  func.func @agg_kernel(%arg0: i32, %arg1: i32, %arg2: memref<10000x128xf32, #tpu.memory_space<hbm>>, %arg3: memref<2x2560x128xi32, #tpu.memory_space<hbm>>, %arg4: memref<2x10000x128xf32, #tpu.memory_space<hbm>>, %arg5: memref<8x128xi32, #tpu.memory_space<vmem>>, %arg6: memref<8x128xi32, #tpu.memory_space<vmem>>, %arg7: memref<128x128xf32, #tpu.memory_space<vmem>>, %arg8: memref<128x128xf32, #tpu.memory_space<vmem>>, %arg9: memref<10016x128xf32, #tpu.memory_space<vmem_shared>>, %arg10: memref<!tpu.dma_semaphore, #tpu.memory_space<semaphore_mem>>, %arg11: memref<!tpu.dma_semaphore, #tpu.memory_space<semaphore_mem>>) attributes {dimension_semantics = [#tpu.dimension_semantics<core_parallel>, #tpu.dimension_semantics<subcore_parallel>], iteration_bounds = array<i64: 2, 16>, scalar_prefetch = 0 : i64, scratch_operands = 7 : i64, tpu.core_type = #tpu.core_type<sc_vector_subcore>, window_params = [{transform_indices = #map}, {transform_indices = #map1}, {transform_indices = #map1}]} {
    %mul3A = arith.constant 624 : i32
    %mul3A_0 = arith.muli %arg1, %mul3A : i32
    "tpu.region"() ({
      %run_scoped3A = tpu.sem_alloc : memref<!tpu.dma_semaphore, #tpu.memory_space<semaphore_mem>>
      %dma_start3A = arith.constant 0 : i32
      %dma_start3A_17 = tpu.memref_slice %arg9[%mul3A_0, %dma_start3A] : memref<10016x128xf32, #tpu.memory_space<vmem_shared>> -> memref<624x128xf32, #tpu.memory_space<vmem_shared>>
      %dma_start3A_18 = arith.constant 0 : i32
      %dma_start3A_19 = tpu.memref_slice %arg2[%mul3A_0, %dma_start3A_18] : memref<10000x128xf32, #tpu.memory_space<hbm>> -> memref<624x128xf32, #tpu.memory_space<hbm>>
      tpu.enqueue_dma source(%dma_start3A_19 : memref<624x128xf32, #tpu.memory_space<hbm>>) target(%dma_start3A_17 : memref<624x128xf32, #tpu.memory_space<vmem_shared>>) target_semaphore(%run_scoped3A : memref<!tpu.dma_semaphore, #tpu.memory_space<semaphore_mem>>)
      %dma_wait3A = arith.constant 0 : i32
      %dma_wait3A_20 = tpu.memref_slice %arg9[%mul3A_0, %dma_wait3A] : memref<10016x128xf32, #tpu.memory_space<vmem_shared>> -> memref<624x128xf32, #tpu.memory_space<vmem_shared>>
      %dma_wait3A_21 = arith.constant 0 : i32
      %dma_wait3A_22 = tpu.memref_slice %arg2[%mul3A_0, %dma_wait3A_21] : memref<10000x128xf32, #tpu.memory_space<hbm>> -> memref<624x128xf32, #tpu.memory_space<hbm>>
      tpu.wait_dma2 semaphore(%run_scoped3A : memref<!tpu.dma_semaphore, #tpu.memory_space<semaphore_mem>>) src(%dma_wait3A_22 : memref<624x128xf32, #tpu.memory_space<hbm>>) dst(%dma_wait3A_20 : memref<624x128xf32, #tpu.memory_space<vmem_shared>>)
      tpu.yield
    }) : () -> ()
    %eq3A = arith.constant 0 : i32
    %eq3A_1 = arith.cmpi eq, %arg1, %eq3A : i32
    %convert_element_type3A = arith.extui %eq3A_1 : i1 to i32
    %cond3A = arith.constant 0 : i32
    %cond3A_2 = arith.cmpi ne, %convert_element_type3A, %cond3A : i32
    scf.if %cond3A_2 {
      "tpu.region"() ({
        %run_scoped3A = tpu.sem_alloc : memref<!tpu.dma_semaphore, #tpu.memory_space<semaphore_mem>>
        %dma_start3A = arith.constant 9984 : i32
        %dma_start3A_17 = arith.constant 0 : i32
        %dma_start3A_18 = tpu.memref_slice %arg9[%dma_start3A, %dma_start3A_17] : memref<10016x128xf32, #tpu.memory_space<vmem_shared>> -> memref<16x128xf32, #tpu.memory_space<vmem_shared>>
        %dma_start3A_19 = arith.constant 9984 : i32
        %dma_start3A_20 = arith.constant 0 : i32
        %dma_start3A_21 = tpu.memref_slice %arg2[%dma_start3A_19, %dma_start3A_20] : memref<10000x128xf32, #tpu.memory_space<hbm>> -> memref<16x128xf32, #tpu.memory_space<hbm>>
        tpu.enqueue_dma source(%dma_start3A_21 : memref<16x128xf32, #tpu.memory_space<hbm>>) target(%dma_start3A_18 : memref<16x128xf32, #tpu.memory_space<vmem_shared>>) target_semaphore(%run_scoped3A : memref<!tpu.dma_semaphore, #tpu.memory_space<semaphore_mem>>)
        %dma_wait3A = arith.constant 9984 : i32
        %dma_wait3A_22 = arith.constant 0 : i32
        %dma_wait3A_23 = tpu.memref_slice %arg9[%dma_wait3A, %dma_wait3A_22] : memref<10016x128xf32, #tpu.memory_space<vmem_shared>> -> memref<16x128xf32, #tpu.memory_space<vmem_shared>>
        %dma_wait3A_24 = arith.constant 9984 : i32
        %dma_wait3A_25 = arith.constant 0 : i32
        %dma_wait3A_26 = tpu.memref_slice %arg2[%dma_wait3A_24, %dma_wait3A_25] : memref<10000x128xf32, #tpu.memory_space<hbm>> -> memref<16x128xf32, #tpu.memory_space<hbm>>
        tpu.wait_dma2 semaphore(%run_scoped3A : memref<!tpu.dma_semaphore, #tpu.memory_space<semaphore_mem>>) src(%dma_wait3A_26 : memref<16x128xf32, #tpu.memory_space<hbm>>) dst(%dma_wait3A_23 : memref<16x128xf32, #tpu.memory_space<vmem_shared>>)
        tpu.yield
      }) : () -> ()
    } else {
    }
    %mul3A_3 = arith.constant 1280 : i32
    %mul3A_4 = arith.muli %arg0, %mul3A_3 : i32
    %mul3A_5 = arith.constant 80 : i32
    %mul3A_6 = arith.muli %arg1, %mul3A_5 : i32
    %add3A = arith.addi %mul3A_4, %mul3A_6 : i32
    %barrier3A = arith.constant 0 : index
    tpu.barrier barrier_id(%barrier3A)
    %scan3A = arith.constant 0 : i32
    %scan3A_7 = arith.constant 10 : i32
    %scan3A_8 = arith.addi %scan3A, %scan3A_7 : i32
    %scan3A_9 = arith.constant 1 : i32
    scf.for %scan3A_17 = %scan3A to %scan3A_8 step %scan3A_9  : i32 {
      %mul3A_18 = arith.constant 1 : i32
      %mul3A_19 = arith.muli %scan3A_17, %mul3A_18 : i32
      %add3A_20 = arith.constant 0 : i32
      %add3A_21 = arith.addi %add3A_20, %mul3A_19 : i32
      %mul3A_22 = arith.constant 8 : i32
      %mul3A_23 = arith.muli %add3A_21, %mul3A_22 : i32
      %add3A_24 = arith.addi %add3A, %mul3A_23 : i32
      %run_scoped3A = arith.constant 0 : i32
      "tpu.region"() ({
        %run_scoped3A_37 = tpu.sem_alloc : memref<!tpu.dma_semaphore, #tpu.memory_space<semaphore_mem>>
        %dma_start3A_38 = arith.constant 0 : i32
        %dma_start3A_39 = tpu.memref_slice %arg3[%run_scoped3A, %add3A_24, %dma_start3A_38] : memref<2x2560x128xi32, #tpu.memory_space<hbm>> -> memref<1x8x128xi32, #tpu.memory_space<hbm>>
        %dma_start3A_40 = tpu.memref_squeeze %dma_start3A_39 : memref<1x8x128xi32, #tpu.memory_space<hbm>> -> memref<8x128xi32, #tpu.memory_space<hbm>>
        %dma_start3A_41 = arith.constant 0 : i32
        %dma_start3A_42 = tpu.memref_slice %arg3[%run_scoped3A, %add3A_24, %dma_start3A_41] : memref<2x2560x128xi32, #tpu.memory_space<hbm>> -> memref<1x8x128xi32, #tpu.memory_space<hbm>>
        %dma_start3A_43 = tpu.memref_squeeze %dma_start3A_42 : memref<1x8x128xi32, #tpu.memory_space<hbm>> -> memref<8x128xi32, #tpu.memory_space<hbm>>
        tpu.enqueue_dma source(%dma_start3A_43 : memref<8x128xi32, #tpu.memory_space<hbm>>) target(%arg5 : memref<8x128xi32, #tpu.memory_space<vmem>>) target_semaphore(%run_scoped3A_37 : memref<!tpu.dma_semaphore, #tpu.memory_space<semaphore_mem>>)
        %dma_wait3A = arith.constant 0 : i32
        %dma_wait3A_44 = tpu.memref_slice %arg3[%run_scoped3A, %add3A_24, %dma_wait3A] : memref<2x2560x128xi32, #tpu.memory_space<hbm>> -> memref<1x8x128xi32, #tpu.memory_space<hbm>>
        %dma_wait3A_45 = tpu.memref_squeeze %dma_wait3A_44 : memref<1x8x128xi32, #tpu.memory_space<hbm>> -> memref<8x128xi32, #tpu.memory_space<hbm>>
        %dma_wait3A_46 = arith.constant 0 : i32
        %dma_wait3A_47 = tpu.memref_slice %arg3[%run_scoped3A, %add3A_24, %dma_wait3A_46] : memref<2x2560x128xi32, #tpu.memory_space<hbm>> -> memref<1x8x128xi32, #tpu.memory_space<hbm>>
        %dma_wait3A_48 = tpu.memref_squeeze %dma_wait3A_47 : memref<1x8x128xi32, #tpu.memory_space<hbm>> -> memref<8x128xi32, #tpu.memory_space<hbm>>
        tpu.wait_dma2 semaphore(%run_scoped3A_37 : memref<!tpu.dma_semaphore, #tpu.memory_space<semaphore_mem>>) src(%dma_wait3A_48 : memref<8x128xi32, #tpu.memory_space<hbm>>) dst(%arg5 : memref<8x128xi32, #tpu.memory_space<vmem>>)
        tpu.yield
      }) : () -> ()
      %run_scoped3A_25 = arith.constant 1 : i32
      "tpu.region"() ({
        %run_scoped3A_37 = tpu.sem_alloc : memref<!tpu.dma_semaphore, #tpu.memory_space<semaphore_mem>>
        %dma_start3A_38 = arith.constant 0 : i32
        %dma_start3A_39 = tpu.memref_slice %arg3[%run_scoped3A_25, %add3A_24, %dma_start3A_38] : memref<2x2560x128xi32, #tpu.memory_space<hbm>> -> memref<1x8x128xi32, #tpu.memory_space<hbm>>
        %dma_start3A_40 = tpu.memref_squeeze %dma_start3A_39 : memref<1x8x128xi32, #tpu.memory_space<hbm>> -> memref<8x128xi32, #tpu.memory_space<hbm>>
        %dma_start3A_41 = arith.constant 0 : i32
        %dma_start3A_42 = tpu.memref_slice %arg3[%run_scoped3A_25, %add3A_24, %dma_start3A_41] : memref<2x2560x128xi32, #tpu.memory_space<hbm>> -> memref<1x8x128xi32, #tpu.memory_space<hbm>>
        %dma_start3A_43 = tpu.memref_squeeze %dma_start3A_42 : memref<1x8x128xi32, #tpu.memory_space<hbm>> -> memref<8x128xi32, #tpu.memory_space<hbm>>
        tpu.enqueue_dma source(%dma_start3A_43 : memref<8x128xi32, #tpu.memory_space<hbm>>) target(%arg6 : memref<8x128xi32, #tpu.memory_space<vmem>>) target_semaphore(%run_scoped3A_37 : memref<!tpu.dma_semaphore, #tpu.memory_space<semaphore_mem>>)
        %dma_wait3A = arith.constant 0 : i32
        %dma_wait3A_44 = tpu.memref_slice %arg3[%run_scoped3A_25, %add3A_24, %dma_wait3A] : memref<2x2560x128xi32, #tpu.memory_space<hbm>> -> memref<1x8x128xi32, #tpu.memory_space<hbm>>
        %dma_wait3A_45 = tpu.memref_squeeze %dma_wait3A_44 : memref<1x8x128xi32, #tpu.memory_space<hbm>> -> memref<8x128xi32, #tpu.memory_space<hbm>>
        %dma_wait3A_46 = arith.constant 0 : i32
        %dma_wait3A_47 = tpu.memref_slice %arg3[%run_scoped3A_25, %add3A_24, %dma_wait3A_46] : memref<2x2560x128xi32, #tpu.memory_space<hbm>> -> memref<1x8x128xi32, #tpu.memory_space<hbm>>
        %dma_wait3A_48 = tpu.memref_squeeze %dma_wait3A_47 : memref<1x8x128xi32, #tpu.memory_space<hbm>> -> memref<8x128xi32, #tpu.memory_space<hbm>>
        tpu.wait_dma2 semaphore(%run_scoped3A_37 : memref<!tpu.dma_semaphore, #tpu.memory_space<semaphore_mem>>) src(%dma_wait3A_48 : memref<8x128xi32, #tpu.memory_space<hbm>>) dst(%arg6 : memref<8x128xi32, #tpu.memory_space<vmem>>)
        tpu.yield
      }) : () -> ()
      %dma_start3A = arith.constant 0 : i32
      %dma_start3A_26 = arith.constant 0 : i32
      %dma_start3A_27 = tpu.memref_slice %arg5[%dma_start3A, %dma_start3A_26] : memref<8x128xi32, #tpu.memory_space<vmem>> -> memref<1x128xi32, #tpu.memory_space<vmem>>
      %dma_start3A_28 = tpu.memref_squeeze %dma_start3A_27 : memref<1x128xi32, #tpu.memory_space<vmem>> -> memref<128xi32, #tpu.memory_space<vmem>>
      %dma_start3A_29 = arith.constant 0 : i32
      %dma_start3A_30 = arith.constant 0 : i32
      %dma_start3A_31 = tpu.memref_slice %arg2[%dma_start3A_29, %dma_start3A_30] : memref<10000x128xf32, #tpu.memory_space<hbm>> -> memref<10000x128xf32, #tpu.memory_space<hbm>>
      tpu.enqueue_indirect_dma source(%dma_start3A_31 : memref<10000x128xf32, #tpu.memory_space<hbm>>) target(%arg7 : memref<128x128xf32, #tpu.memory_space<vmem>>) offsets(%dma_start3A_28 : memref<128xi32, #tpu.memory_space<vmem>>) semaphore(%arg10 : memref<!tpu.dma_semaphore, #tpu.memory_space<semaphore_mem>>)
      %scan3A_32 = arith.constant 0 : i32
      %scan3A_33 = arith.constant 4 : i32
      %scan3A_34 = arith.addi %scan3A_32, %scan3A_33 : i32
      %scan3A_35 = arith.constant 1 : i32
      scf.for %scan3A_37 = %scan3A_32 to %scan3A_34 step %scan3A_35  : i32 {
        %mul3A_38 = arith.constant 1 : i32
        %mul3A_39 = arith.muli %scan3A_37, %mul3A_38 : i32
        %add3A_40 = arith.constant 0 : i32
        %add3A_41 = arith.addi %add3A_40, %mul3A_39 : i32
        %mul3A_42 = arith.constant 2 : i32
        %mul3A_43 = arith.muli %mul3A_42, %add3A_41 : i32
        %dma_wait3A = arith.constant 0 : i32
        %dma_wait3A_44 = tpu.memref_slice %arg5[%mul3A_43, %dma_wait3A] : memref<8x128xi32, #tpu.memory_space<vmem>> -> memref<1x128xi32, #tpu.memory_space<vmem>>
        %dma_wait3A_45 = tpu.memref_squeeze %dma_wait3A_44 : memref<1x128xi32, #tpu.memory_space<vmem>> -> memref<128xi32, #tpu.memory_space<vmem>>
        %dma_wait3A_46 = arith.constant 0 : i32
        %dma_wait3A_47 = arith.constant 0 : i32
        %dma_wait3A_48 = tpu.memref_slice %arg2[%dma_wait3A_46, %dma_wait3A_47] : memref<10000x128xf32, #tpu.memory_space<hbm>> -> memref<10000x128xf32, #tpu.memory_space<hbm>>
        tpu.wait_indirect_dma semaphore(%arg10 : memref<!tpu.dma_semaphore, #tpu.memory_space<semaphore_mem>>) src(%dma_wait3A_48 : memref<10000x128xf32, #tpu.memory_space<hbm>>) dst(%arg7 : memref<128x128xf32, #tpu.memory_space<vmem>>)
        %add3A_49 = arith.constant 1 : i32
        %add3A_50 = arith.addi %mul3A_43, %add3A_49 : i32
        %dma_start3A_51 = arith.constant 0 : i32
        %dma_start3A_52 = tpu.memref_slice %arg5[%add3A_50, %dma_start3A_51] : memref<8x128xi32, #tpu.memory_space<vmem>> -> memref<1x128xi32, #tpu.memory_space<vmem>>
        %dma_start3A_53 = tpu.memref_squeeze %dma_start3A_52 : memref<1x128xi32, #tpu.memory_space<vmem>> -> memref<128xi32, #tpu.memory_space<vmem>>
        %dma_start3A_54 = arith.constant 0 : i32
        %dma_start3A_55 = arith.constant 0 : i32
        %dma_start3A_56 = tpu.memref_slice %arg2[%dma_start3A_54, %dma_start3A_55] : memref<10000x128xf32, #tpu.memory_space<hbm>> -> memref<10000x128xf32, #tpu.memory_space<hbm>>
        tpu.enqueue_indirect_dma source(%dma_start3A_56 : memref<10000x128xf32, #tpu.memory_space<hbm>>) target(%arg8 : memref<128x128xf32, #tpu.memory_space<vmem>>) offsets(%dma_start3A_53 : memref<128xi32, #tpu.memory_space<vmem>>) semaphore(%arg11 : memref<!tpu.dma_semaphore, #tpu.memory_space<semaphore_mem>>)
        "tpu.region"() ({
          %run_scoped3A_73 = tpu.sem_alloc : memref<!tpu.dma_semaphore, #tpu.memory_space<semaphore_mem>>
          %dma_start3A_74 = arith.constant 0 : i32
          %dma_start3A_75 = tpu.memref_slice %arg6[%mul3A_43, %dma_start3A_74] : memref<8x128xi32, #tpu.memory_space<vmem>> -> memref<1x128xi32, #tpu.memory_space<vmem>>
          %dma_start3A_76 = tpu.memref_squeeze %dma_start3A_75 : memref<1x128xi32, #tpu.memory_space<vmem>> -> memref<128xi32, #tpu.memory_space<vmem>>
          %dma_start3A_77 = arith.constant 0 : i32
          %dma_start3A_78 = arith.constant 0 : i32
          %dma_start3A_79 = tpu.memref_slice %arg9[%dma_start3A_77, %dma_start3A_78] : memref<10016x128xf32, #tpu.memory_space<vmem_shared>> -> memref<10016x128xf32, #tpu.memory_space<vmem_shared>>
          tpu.enqueue_indirect_dma source(%arg7 : memref<128x128xf32, #tpu.memory_space<vmem>>) target(%dma_start3A_79 : memref<10016x128xf32, #tpu.memory_space<vmem_shared>>) offsets(%dma_start3A_76 : memref<128xi32, #tpu.memory_space<vmem>>) semaphore(%run_scoped3A_73 : memref<!tpu.dma_semaphore, #tpu.memory_space<semaphore_mem>>) {add = true}
          %dma_wait3A_80 = arith.constant 0 : i32
          %dma_wait3A_81 = tpu.memref_slice %arg6[%mul3A_43, %dma_wait3A_80] : memref<8x128xi32, #tpu.memory_space<vmem>> -> memref<1x128xi32, #tpu.memory_space<vmem>>
          %dma_wait3A_82 = tpu.memref_squeeze %dma_wait3A_81 : memref<1x128xi32, #tpu.memory_space<vmem>> -> memref<128xi32, #tpu.memory_space<vmem>>
          %dma_wait3A_83 = arith.constant 0 : i32
          %dma_wait3A_84 = arith.constant 0 : i32
          %dma_wait3A_85 = tpu.memref_slice %arg9[%dma_wait3A_83, %dma_wait3A_84] : memref<10016x128xf32, #tpu.memory_space<vmem_shared>> -> memref<10016x128xf32, #tpu.memory_space<vmem_shared>>
          tpu.wait_indirect_dma semaphore(%run_scoped3A_73 : memref<!tpu.dma_semaphore, #tpu.memory_space<semaphore_mem>>) src(%arg7 : memref<128x128xf32, #tpu.memory_space<vmem>>) dst(%dma_wait3A_85 : memref<10016x128xf32, #tpu.memory_space<vmem_shared>>)
          tpu.yield
        }) : () -> ()
        %add3A_57 = arith.constant 1 : i32
        %add3A_58 = arith.addi %mul3A_43, %add3A_57 : i32
        %dma_wait3A_59 = arith.constant 0 : i32
        %dma_wait3A_60 = tpu.memref_slice %arg5[%add3A_58, %dma_wait3A_59] : memref<8x128xi32, #tpu.memory_space<vmem>> -> memref<1x128xi32, #tpu.memory_space<vmem>>
        %dma_wait3A_61 = tpu.memref_squeeze %dma_wait3A_60 : memref<1x128xi32, #tpu.memory_space<vmem>> -> memref<128xi32, #tpu.memory_space<vmem>>
        %dma_wait3A_62 = arith.constant 0 : i32
        %dma_wait3A_63 = arith.constant 0 : i32
        %dma_wait3A_64 = tpu.memref_slice %arg2[%dma_wait3A_62, %dma_wait3A_63] : memref<10000x128xf32, #tpu.memory_space<hbm>> -> memref<10000x128xf32, #tpu.memory_space<hbm>>
        tpu.wait_indirect_dma semaphore(%arg11 : memref<!tpu.dma_semaphore, #tpu.memory_space<semaphore_mem>>) src(%dma_wait3A_64 : memref<10000x128xf32, #tpu.memory_space<hbm>>) dst(%arg8 : memref<128x128xf32, #tpu.memory_space<vmem>>)
        %add3A_65 = arith.constant 2 : i32
        %add3A_66 = arith.addi %mul3A_43, %add3A_65 : i32
        %lt3A = arith.constant 8 : i32
        %lt3A_67 = arith.cmpi slt, %add3A_66, %lt3A : i32
        %convert_element_type3A_68 = arith.extui %lt3A_67 : i1 to i32
        %cond3A_69 = arith.constant 0 : i32
        %cond3A_70 = arith.cmpi ne, %convert_element_type3A_68, %cond3A_69 : i32
        scf.if %cond3A_70 {
          %add3A_73 = arith.constant 2 : i32
          %add3A_74 = arith.addi %mul3A_43, %add3A_73 : i32
          %dma_start3A_75 = arith.constant 0 : i32
          %dma_start3A_76 = tpu.memref_slice %arg5[%add3A_74, %dma_start3A_75] : memref<8x128xi32, #tpu.memory_space<vmem>> -> memref<1x128xi32, #tpu.memory_space<vmem>>
          %dma_start3A_77 = tpu.memref_squeeze %dma_start3A_76 : memref<1x128xi32, #tpu.memory_space<vmem>> -> memref<128xi32, #tpu.memory_space<vmem>>
          %dma_start3A_78 = arith.constant 0 : i32
          %dma_start3A_79 = arith.constant 0 : i32
          %dma_start3A_80 = tpu.memref_slice %arg2[%dma_start3A_78, %dma_start3A_79] : memref<10000x128xf32, #tpu.memory_space<hbm>> -> memref<10000x128xf32, #tpu.memory_space<hbm>>
          tpu.enqueue_indirect_dma source(%dma_start3A_80 : memref<10000x128xf32, #tpu.memory_space<hbm>>) target(%arg7 : memref<128x128xf32, #tpu.memory_space<vmem>>) offsets(%dma_start3A_77 : memref<128xi32, #tpu.memory_space<vmem>>) semaphore(%arg10 : memref<!tpu.dma_semaphore, #tpu.memory_space<semaphore_mem>>)
        } else {
        }
        %add3A_71 = arith.constant 1 : i32
        %add3A_72 = arith.addi %mul3A_43, %add3A_71 : i32
        "tpu.region"() ({
          %run_scoped3A_73 = tpu.sem_alloc : memref<!tpu.dma_semaphore, #tpu.memory_space<semaphore_mem>>
          %dma_start3A_74 = arith.constant 0 : i32
          %dma_start3A_75 = tpu.memref_slice %arg6[%add3A_72, %dma_start3A_74] : memref<8x128xi32, #tpu.memory_space<vmem>> -> memref<1x128xi32, #tpu.memory_space<vmem>>
          %dma_start3A_76 = tpu.memref_squeeze %dma_start3A_75 : memref<1x128xi32, #tpu.memory_space<vmem>> -> memref<128xi32, #tpu.memory_space<vmem>>
          %dma_start3A_77 = arith.constant 0 : i32
          %dma_start3A_78 = arith.constant 0 : i32
          %dma_start3A_79 = tpu.memref_slice %arg9[%dma_start3A_77, %dma_start3A_78] : memref<10016x128xf32, #tpu.memory_space<vmem_shared>> -> memref<10016x128xf32, #tpu.memory_space<vmem_shared>>
          tpu.enqueue_indirect_dma source(%arg8 : memref<128x128xf32, #tpu.memory_space<vmem>>) target(%dma_start3A_79 : memref<10016x128xf32, #tpu.memory_space<vmem_shared>>) offsets(%dma_start3A_76 : memref<128xi32, #tpu.memory_space<vmem>>) semaphore(%run_scoped3A_73 : memref<!tpu.dma_semaphore, #tpu.memory_space<semaphore_mem>>) {add = true}
          %dma_wait3A_80 = arith.constant 0 : i32
          %dma_wait3A_81 = tpu.memref_slice %arg6[%add3A_72, %dma_wait3A_80] : memref<8x128xi32, #tpu.memory_space<vmem>> -> memref<1x128xi32, #tpu.memory_space<vmem>>
          %dma_wait3A_82 = tpu.memref_squeeze %dma_wait3A_81 : memref<1x128xi32, #tpu.memory_space<vmem>> -> memref<128xi32, #tpu.memory_space<vmem>>
          %dma_wait3A_83 = arith.constant 0 : i32
          %dma_wait3A_84 = arith.constant 0 : i32
          %dma_wait3A_85 = tpu.memref_slice %arg9[%dma_wait3A_83, %dma_wait3A_84] : memref<10016x128xf32, #tpu.memory_space<vmem_shared>> -> memref<10016x128xf32, #tpu.memory_space<vmem_shared>>
          tpu.wait_indirect_dma semaphore(%run_scoped3A_73 : memref<!tpu.dma_semaphore, #tpu.memory_space<semaphore_mem>>) src(%arg8 : memref<128x128xf32, #tpu.memory_space<vmem>>) dst(%dma_wait3A_85 : memref<10016x128xf32, #tpu.memory_space<vmem_shared>>)
          tpu.yield
        }) : () -> ()
      }
      %scan3A_36 = arith.constant 4 : i32
    }
    %scan3A_10 = arith.constant 10 : i32
    %barrier3A_11 = arith.constant 0 : index
    tpu.barrier barrier_id(%barrier3A_11)
    "tpu.region"() ({
      %run_scoped3A = tpu.sem_alloc : memref<!tpu.dma_semaphore, #tpu.memory_space<semaphore_mem>>
      %dma_start3A = arith.constant 0 : i32
      %dma_start3A_17 = tpu.memref_slice %arg4[%arg0, %mul3A_0, %dma_start3A] : memref<2x10000x128xf32, #tpu.memory_space<hbm>> -> memref<1x624x128xf32, #tpu.memory_space<hbm>>
      %dma_start3A_18 = tpu.memref_squeeze %dma_start3A_17 : memref<1x624x128xf32, #tpu.memory_space<hbm>> -> memref<624x128xf32, #tpu.memory_space<hbm>>
      %dma_start3A_19 = arith.constant 0 : i32
      %dma_start3A_20 = tpu.memref_slice %arg9[%mul3A_0, %dma_start3A_19] : memref<10016x128xf32, #tpu.memory_space<vmem_shared>> -> memref<624x128xf32, #tpu.memory_space<vmem_shared>>
      tpu.enqueue_dma source(%dma_start3A_20 : memref<624x128xf32, #tpu.memory_space<vmem_shared>>) target(%dma_start3A_18 : memref<624x128xf32, #tpu.memory_space<hbm>>) target_semaphore(%run_scoped3A : memref<!tpu.dma_semaphore, #tpu.memory_space<semaphore_mem>>)
      %dma_wait3A = arith.constant 0 : i32
      %dma_wait3A_21 = tpu.memref_slice %arg4[%arg0, %mul3A_0, %dma_wait3A] : memref<2x10000x128xf32, #tpu.memory_space<hbm>> -> memref<1x624x128xf32, #tpu.memory_space<hbm>>
      %dma_wait3A_22 = tpu.memref_squeeze %dma_wait3A_21 : memref<1x624x128xf32, #tpu.memory_space<hbm>> -> memref<624x128xf32, #tpu.memory_space<hbm>>
      %dma_wait3A_23 = arith.constant 0 : i32
      %dma_wait3A_24 = tpu.memref_slice %arg9[%mul3A_0, %dma_wait3A_23] : memref<10016x128xf32, #tpu.memory_space<vmem_shared>> -> memref<624x128xf32, #tpu.memory_space<vmem_shared>>
      tpu.wait_dma2 semaphore(%run_scoped3A : memref<!tpu.dma_semaphore, #tpu.memory_space<semaphore_mem>>) src(%dma_wait3A_24 : memref<624x128xf32, #tpu.memory_space<vmem_shared>>) dst(%dma_wait3A_22 : memref<624x128xf32, #tpu.memory_space<hbm>>)
      tpu.yield
    }) : () -> ()
    %eq3A_12 = arith.constant 0 : i32
    %eq3A_13 = arith.cmpi eq, %arg1, %eq3A_12 : i32
    %convert_element_type3A_14 = arith.extui %eq3A_13 : i1 to i32
    %cond3A_15 = arith.constant 0 : i32
    %cond3A_16 = arith.cmpi ne, %convert_element_type3A_14, %cond3A_15 : i32
    scf.if %cond3A_16 {
      "tpu.region"() ({
        %run_scoped3A = tpu.sem_alloc : memref<!tpu.dma_semaphore, #tpu.memory_space<semaphore_mem>>
        %dma_start3A = arith.constant 9984 : i32
        %dma_start3A_17 = arith.constant 0 : i32
        %dma_start3A_18 = tpu.memref_slice %arg4[%arg0, %dma_start3A, %dma_start3A_17] : memref<2x10000x128xf32, #tpu.memory_space<hbm>> -> memref<1x16x128xf32, #tpu.memory_space<hbm>>
        %dma_start3A_19 = tpu.memref_squeeze %dma_start3A_18 : memref<1x16x128xf32, #tpu.memory_space<hbm>> -> memref<16x128xf32, #tpu.memory_space<hbm>>
        %dma_start3A_20 = arith.constant 9984 : i32
        %dma_start3A_21 = arith.constant 0 : i32
        %dma_start3A_22 = tpu.memref_slice %arg9[%dma_start3A_20, %dma_start3A_21] : memref<10016x128xf32, #tpu.memory_space<vmem_shared>> -> memref<16x128xf32, #tpu.memory_space<vmem_shared>>
        tpu.enqueue_dma source(%dma_start3A_22 : memref<16x128xf32, #tpu.memory_space<vmem_shared>>) target(%dma_start3A_19 : memref<16x128xf32, #tpu.memory_space<hbm>>) target_semaphore(%run_scoped3A : memref<!tpu.dma_semaphore, #tpu.memory_space<semaphore_mem>>)
        %dma_wait3A = arith.constant 9984 : i32
        %dma_wait3A_23 = arith.constant 0 : i32
        %dma_wait3A_24 = tpu.memref_slice %arg4[%arg0, %dma_wait3A, %dma_wait3A_23] : memref<2x10000x128xf32, #tpu.memory_space<hbm>> -> memref<1x16x128xf32, #tpu.memory_space<hbm>>
        %dma_wait3A_25 = tpu.memref_squeeze %dma_wait3A_24 : memref<1x16x128xf32, #tpu.memory_space<hbm>> -> memref<16x128xf32, #tpu.memory_space<hbm>>
        %dma_wait3A_26 = arith.constant 9984 : i32
        %dma_wait3A_27 = arith.constant 0 : i32
        %dma_wait3A_28 = tpu.memref_slice %arg9[%dma_wait3A_26, %dma_wait3A_27] : memref<10016x128xf32, #tpu.memory_space<vmem_shared>> -> memref<16x128xf32, #tpu.memory_space<vmem_shared>>
        tpu.wait_dma2 semaphore(%run_scoped3A : memref<!tpu.dma_semaphore, #tpu.memory_space<semaphore_mem>>) src(%dma_wait3A_28 : memref<16x128xf32, #tpu.memory_space<vmem_shared>>) dst(%dma_wait3A_25 : memref<16x128xf32, #tpu.memory_space<hbm>>)
        tpu.yield
      }) : () -> ()
    } else {
    }
    return
  }
}

module attributes {stable_mosaic.version = 14 : i64} {
  func.func @_mlp_body(%arg0: i32, %arg1: memref<2x1000x128xf32, #tpu.memory_space<vmem>>, %arg2: memref<1000x128xf32, #tpu.memory_space<vmem>>, %arg3: memref<128x128xf32, #tpu.memory_space<vmem>>, %arg4: memref<1x128xf32, #tpu.memory_space<vmem>>, %arg5: memref<128x128xf32, #tpu.memory_space<vmem>>, %arg6: memref<1x128xf32, #tpu.memory_space<vmem>>, %arg7: memref<1000x128xf32, #tpu.memory_space<vmem>>) attributes {dimension_semantics = [#tpu.dimension_semantics<arbitrary>], iteration_bounds = array<i64: 10>, scalar_prefetch = 0 : i64, scratch_operands = 0 : i64, tpu.core_type = #tpu.core_type<tc>, window_params = [{transform_indices = @transform_0, window_bounds = array<i64: 2, 1000, 128>}, {transform_indices = @transform_1, window_bounds = array<i64: 1000, 128>}, {pipeline_mode = #tpu.pipeline_mode<synchronous>, transform_indices = @transform_2, window_bounds = array<i64: 128, 128>}, {pipeline_mode = #tpu.pipeline_mode<synchronous>, transform_indices = @transform_3, window_bounds = array<i64: 1, 128>}, {pipeline_mode = #tpu.pipeline_mode<synchronous>, transform_indices = @transform_4, window_bounds = array<i64: 128, 128>}, {pipeline_mode = #tpu.pipeline_mode<synchronous>, transform_indices = @transform_5, window_bounds = array<i64: 1, 128>}, {transform_indices = @transform_6, window_bounds = array<i64: 1000, 128>}]} {
    %get3A = arith.constant 0 : index
    %get3A_0 = arith.constant 0 : index
    %get3A_1 = arith.constant 0 : index
    %get3A_2 = vector.load %arg1[%get3A, %get3A_0, %get3A_1] : memref<2x1000x128xf32, #tpu.memory_space<vmem>>, vector<1x1000x128xf32>
    %get3A_3 = vector.shape_cast %get3A_2 : vector<1x1000x128xf32> to vector<1000x128xf32>
    %get3A_4 = arith.constant 1 : index
    %get3A_5 = arith.constant 0 : index
    %get3A_6 = arith.constant 0 : index
    %get3A_7 = vector.load %arg1[%get3A_4, %get3A_5, %get3A_6] : memref<2x1000x128xf32, #tpu.memory_space<vmem>>, vector<1x1000x128xf32>
    %get3A_8 = vector.shape_cast %get3A_7 : vector<1x1000x128xf32> to vector<1000x128xf32>
    %add3A = arith.addf %get3A_3, %get3A_8 : vector<1000x128xf32>
    %get3A_9 = arith.constant 0 : index
    %get3A_10 = arith.constant 0 : index
    %get3A_11 = vector.load %arg2[%get3A_9, %get3A_10] : memref<1000x128xf32, #tpu.memory_space<vmem>>, vector<1000x128xf32>
    %sub3A = arith.subf %add3A, %get3A_11 : vector<1000x128xf32>
    %get3A_12 = arith.constant 0 : index
    %get3A_13 = arith.constant 0 : index
    %get3A_14 = vector.load %arg3[%get3A_12, %get3A_13] : memref<128x128xf32, #tpu.memory_space<vmem>>, vector<128x128xf32>
    %dot_general3A = arith.constant dense<0.000000e+00> : vector<1000x128xf32>
    %dot_general3A_15 = tpu.matmul %sub3A, %get3A_14, %dot_general3A {dimension_numbers = #tpu.dot_dimension_numbers<[1], [0], [0], [1], [0, 0, 1, 1], [], []>, precision = #tpu.contract_precision<fp32>, transpose_lhs_hint = false} : vector<1000x128xf32>, vector<128x128xf32>, vector<1000x128xf32> -> vector<1000x128xf32>
    %get3A_16 = arith.constant 0 : index
    %get3A_17 = arith.constant 0 : index
    %get3A_18 = vector.load %arg4[%get3A_16, %get3A_17] : memref<1x128xf32, #tpu.memory_space<vmem>>, vector<1x128xf32>
    %add3A_19 = vector.broadcast %get3A_18 : vector<1x128xf32> to vector<1000x128xf32>
    %add3A_20 = arith.addf %dot_general3A_15, %add3A_19 : vector<1000x128xf32>
    %max3A = arith.constant 0.000000e+00 : f32
    %max3A_21 = vector.broadcast %max3A : f32 to vector<1000x128xf32>
    %max3A_22 = arith.maximumf %add3A_20, %max3A_21 : vector<1000x128xf32>
    %get3A_23 = arith.constant 0 : index
    %get3A_24 = arith.constant 0 : index
    %get3A_25 = vector.load %arg5[%get3A_23, %get3A_24] : memref<128x128xf32, #tpu.memory_space<vmem>>, vector<128x128xf32>
    %dot_general3A_26 = arith.constant dense<0.000000e+00> : vector<1000x128xf32>
    %dot_general3A_27 = tpu.matmul %max3A_22, %get3A_25, %dot_general3A_26 {dimension_numbers = #tpu.dot_dimension_numbers<[1], [0], [0], [1], [0, 0, 1, 1], [], []>, precision = #tpu.contract_precision<fp32>, transpose_lhs_hint = false} : vector<1000x128xf32>, vector<128x128xf32>, vector<1000x128xf32> -> vector<1000x128xf32>
    %get3A_28 = arith.constant 0 : index
    %get3A_29 = arith.constant 0 : index
    %get3A_30 = vector.load %arg6[%get3A_28, %get3A_29] : memref<1x128xf32, #tpu.memory_space<vmem>>, vector<1x128xf32>
    %add3A_31 = vector.broadcast %get3A_30 : vector<1x128xf32> to vector<1000x128xf32>
    %add3A_32 = arith.addf %dot_general3A_27, %add3A_31 : vector<1000x128xf32>
    %max3A_33 = arith.constant 0.000000e+00 : f32
    %max3A_34 = vector.broadcast %max3A_33 : f32 to vector<1000x128xf32>
    %max3A_35 = arith.maximumf %add3A_32, %max3A_34 : vector<1000x128xf32>
    %swap3A = arith.constant 0 : index
    %swap3A_36 = arith.constant 0 : index
    %swap3A_37 = vector.load %arg7[%swap3A, %swap3A_36] : memref<1000x128xf32, #tpu.memory_space<vmem>>, vector<1000x128xf32>
    tpu.vector_store %arg7[%swap3A, %swap3A_36], %max3A_35 {strides = array<i32>} : memref<1000x128xf32, #tpu.memory_space<vmem>>, vector<1000x128xf32>,
    return
  }
  func.func @transform_0(%arg0: i32) -> (i32, i32, i32) {
    %c0_i32 = arith.constant 0 : i32
    %c0_i32_0 = arith.constant 0 : i32
    %c0_i32_1 = arith.constant 0 : i32
    return %c0_i32, %arg0, %c0_i32_0 : i32, i32, i32
  }
  func.func @transform_1(%arg0: i32) -> (i32, i32) {
    %c0_i32 = arith.constant 0 : i32
    %c0_i32_0 = arith.constant 0 : i32
    return %arg0, %c0_i32 : i32, i32
  }
  func.func @transform_2(%arg0: i32) -> (i32, i32) {
    %c0_i32 = arith.constant 0 : i32
    %c0_i32_0 = arith.constant 0 : i32
    %c0_i32_1 = arith.constant 0 : i32
    return %c0_i32, %c0_i32_0 : i32, i32
  }
  func.func @transform_3(%arg0: i32) -> (i32, i32) {
    %c0_i32 = arith.constant 0 : i32
    %c0_i32_0 = arith.constant 0 : i32
    %c0_i32_1 = arith.constant 0 : i32
    return %c0_i32, %c0_i32_0 : i32, i32
  }
  func.func @transform_4(%arg0: i32) -> (i32, i32) {
    %c0_i32 = arith.constant 0 : i32
    %c0_i32_0 = arith.constant 0 : i32
    %c0_i32_1 = arith.constant 0 : i32
    return %c0_i32, %c0_i32_0 : i32, i32
  }
  func.func @transform_5(%arg0: i32) -> (i32, i32) {
    %c0_i32 = arith.constant 0 : i32
    %c0_i32_0 = arith.constant 0 : i32
    %c0_i32_1 = arith.constant 0 : i32
    return %c0_i32, %c0_i32_0 : i32, i32
  }
  func.func @transform_6(%arg0: i32) -> (i32, i32) {
    %c0_i32 = arith.constant 0 : i32
    %c0_i32_0 = arith.constant 0 : i32
    return %arg0, %c0_i32 : i32, i32
  }
}

module attributes {stable_mosaic.version = 14 : i64} {
  func.func @_pool_head_body(%arg0: i32, %arg1: memref<1000x128xf32, #tpu.memory_space<vmem>>, %arg2: memref<1x1x1000xi32, #tpu.memory_space<vmem>>, %arg3: memref<128x128xf32, #tpu.memory_space<vmem>>, %arg4: memref<1x128xf32, #tpu.memory_space<vmem>>, %arg5: memref<64x128xf32, #tpu.memory_space<vmem>>, %arg6: memref<64x128xf32, #tpu.memory_space<vmem>>, %arg7: memref<64x128xf32, #tpu.memory_space<vmem>>) attributes {dimension_semantics = [#tpu.dimension_semantics<arbitrary>], iteration_bounds = array<i64: 10>, scalar_prefetch = 0 : i64, scratch_operands = 1 : i64, tpu.core_type = #tpu.core_type<tc>, window_params = [{transform_indices = @transform_0, window_bounds = array<i64: 1000, 128>}, {transform_indices = @transform_1, window_bounds = array<i64: 1, 1, 1000>}, {pipeline_mode = #tpu.pipeline_mode<synchronous>, transform_indices = @transform_2, window_bounds = array<i64: 128, 128>}, {pipeline_mode = #tpu.pipeline_mode<synchronous>, transform_indices = @transform_3, window_bounds = array<i64: 1, 128>}, {pipeline_mode = #tpu.pipeline_mode<synchronous>, transform_indices = @transform_4, window_bounds = array<i64: 64, 128>}, {pipeline_mode = #tpu.pipeline_mode<synchronous>, transform_indices = @transform_5, window_bounds = array<i64: 64, 128>}]} {
    %eq3A = arith.constant 0 : i32
    %eq3A_0 = arith.cmpi eq, %arg0, %eq3A : i32
    %convert_element_type3A = arith.extui %eq3A_0 : i1 to i32
    %cond3A = arith.constant 0 : i32
    %cond3A_1 = arith.cmpi ne, %convert_element_type3A, %cond3A : i32
    scf.if %cond3A_1 {
      %broadcast_in_dim3A = arith.constant 0.000000e+00 : f32
      %broadcast_in_dim3A_24 = vector.broadcast %broadcast_in_dim3A : f32 to vector<64x128xf32>
      %swap3A_25 = arith.constant 0 : index
      %swap3A_26 = arith.constant 0 : index
      %swap3A_27 = vector.load %arg7[%swap3A_25, %swap3A_26] : memref<64x128xf32, #tpu.memory_space<vmem>>, vector<64x128xf32>
      tpu.vector_store %arg7[%swap3A_25, %swap3A_26], %broadcast_in_dim3A_24 {strides = array<i32>} : memref<64x128xf32, #tpu.memory_space<vmem>>, vector<64x128xf32>,
    } else {
    }
    %get3A = arith.constant 0 : index
    %get3A_2 = arith.constant 0 : index
    %get3A_3 = arith.constant 0 : index
    %get3A_4 = vector.load %arg2[%get3A, %get3A_2, %get3A_3] : memref<1x1x1000xi32, #tpu.memory_space<vmem>>, vector<1x1x1000xi32>
    %get3A_5 = vector.shape_cast %get3A_4 : vector<1x1x1000xi32> to vector<1x1000xi32>
    %iota3A = tpu.iota {dimensions = array<i32: 0>} : vector<64x1000xi32>
    %eq3A_6 = vector.broadcast %get3A_5 : vector<1x1000xi32> to vector<64x1000xi32>
    %eq3A_7 = arith.cmpi eq, %eq3A_6, %iota3A : vector<64x1000xi32>
    %convert_element_type3A_8 = arith.extui %eq3A_7 : vector<64x1000xi1> to vector<64x1000xi32>
    %convert_element_type3A_9 = arith.sitofp %convert_element_type3A_8 : vector<64x1000xi32> to vector<64x1000xf32>
    %get3A_10 = arith.constant 0 : index
    %get3A_11 = arith.constant 0 : index
    %get3A_12 = vector.load %arg7[%get3A_10, %get3A_11] : memref<64x128xf32, #tpu.memory_space<vmem>>, vector<64x128xf32>
    %get3A_13 = arith.constant 0 : index
    %get3A_14 = arith.constant 0 : index
    %get3A_15 = vector.load %arg1[%get3A_13, %get3A_14] : memref<1000x128xf32, #tpu.memory_space<vmem>>, vector<1000x128xf32>
    %dot_general3A = arith.constant dense<0.000000e+00> : vector<64x128xf32>
    %dot_general3A_16 = tpu.matmul %convert_element_type3A_9, %get3A_15, %dot_general3A {dimension_numbers = #tpu.dot_dimension_numbers<[1], [0], [0], [1], [0, 0, 1, 1], [], []>, precision = #tpu.contract_precision<fp32>, transpose_lhs_hint = false} : vector<64x1000xf32>, vector<1000x128xf32>, vector<64x128xf32> -> vector<64x128xf32>
    %add3A = arith.addf %get3A_12, %dot_general3A_16 : vector<64x128xf32>
    %swap3A = arith.constant 0 : index
    %swap3A_17 = arith.constant 0 : index
    %swap3A_18 = vector.load %arg7[%swap3A, %swap3A_17] : memref<64x128xf32, #tpu.memory_space<vmem>>, vector<64x128xf32>
    tpu.vector_store %arg7[%swap3A, %swap3A_17], %add3A {strides = array<i32>} : memref<64x128xf32, #tpu.memory_space<vmem>>, vector<64x128xf32>,
    %eq3A_19 = arith.constant 9 : i32
    %eq3A_20 = arith.cmpi eq, %arg0, %eq3A_19 : i32
    %convert_element_type3A_21 = arith.extui %eq3A_20 : i1 to i32
    %cond3A_22 = arith.constant 0 : i32
    %cond3A_23 = arith.cmpi ne, %convert_element_type3A_21, %cond3A_22 : i32
    scf.if %cond3A_23 {
      %get3A_24 = arith.constant 0 : index
      %get3A_25 = arith.constant 0 : index
      %get3A_26 = vector.load %arg7[%get3A_24, %get3A_25] : memref<64x128xf32, #tpu.memory_space<vmem>>, vector<64x128xf32>
      %swap3A_27 = arith.constant 0 : index
      %swap3A_28 = arith.constant 0 : index
      %swap3A_29 = vector.load %arg5[%swap3A_27, %swap3A_28] : memref<64x128xf32, #tpu.memory_space<vmem>>, vector<64x128xf32>
      tpu.vector_store %arg5[%swap3A_27, %swap3A_28], %get3A_26 {strides = array<i32>} : memref<64x128xf32, #tpu.memory_space<vmem>>, vector<64x128xf32>,
      %get3A_30 = arith.constant 0 : index
      %get3A_31 = arith.constant 0 : index
      %get3A_32 = vector.load %arg3[%get3A_30, %get3A_31] : memref<128x128xf32, #tpu.memory_space<vmem>>, vector<128x128xf32>
      %dot_general3A_33 = arith.constant dense<0.000000e+00> : vector<64x128xf32>
      %dot_general3A_34 = tpu.matmul %get3A_26, %get3A_32, %dot_general3A_33 {dimension_numbers = #tpu.dot_dimension_numbers<[1], [0], [0], [1], [0, 0, 1, 1], [], []>, precision = #tpu.contract_precision<fp32>, transpose_lhs_hint = false} : vector<64x128xf32>, vector<128x128xf32>, vector<64x128xf32> -> vector<64x128xf32>
      %get3A_35 = arith.constant 0 : index
      %get3A_36 = arith.constant 0 : index
      %get3A_37 = vector.load %arg4[%get3A_35, %get3A_36] : memref<1x128xf32, #tpu.memory_space<vmem>>, vector<1x128xf32>
      %add3A_38 = vector.broadcast %get3A_37 : vector<1x128xf32> to vector<64x128xf32>
      %add3A_39 = arith.addf %dot_general3A_34, %add3A_38 : vector<64x128xf32>
      %reduce_max3A = arith.constant dense<0xFF800000> : vector<64xf32>
      %reduce_max3A_40 = vector.multi_reduction <maximumf>, %add3A_39, %reduce_max3A [1] : vector<64x128xf32> to vector<64xf32>
      %broadcast_in_dim3A = vector.shape_cast %reduce_max3A_40 : vector<64xf32> to vector<64x1xf32>
      %sub3A = vector.broadcast %broadcast_in_dim3A : vector<64x1xf32> to vector<64x128xf32>
      %sub3A_41 = arith.subf %add3A_39, %sub3A : vector<64x128xf32>
      %exp3A = math.exp %sub3A_41 : vector<64x128xf32>
      %reduce_sum3A = arith.constant dense<0.000000e+00> : vector<64xf32>
      %reduce_sum3A_42 = vector.multi_reduction <add>, %exp3A, %reduce_sum3A [1] : vector<64x128xf32> to vector<64xf32>
      %broadcast_in_dim3A_43 = vector.shape_cast %reduce_sum3A_42 : vector<64xf32> to vector<64x1xf32>
      %log3A = math.log %broadcast_in_dim3A_43 : vector<64x1xf32>
      %add3A_44 = arith.addf %log3A, %broadcast_in_dim3A : vector<64x1xf32>
      %sub3A_45 = vector.broadcast %add3A_44 : vector<64x1xf32> to vector<64x128xf32>
      %sub3A_46 = arith.subf %add3A_39, %sub3A_45 : vector<64x128xf32>
      %swap3A_47 = arith.constant 0 : index
      %swap3A_48 = arith.constant 0 : index
      %swap3A_49 = vector.load %arg6[%swap3A_47, %swap3A_48] : memref<64x128xf32, #tpu.memory_space<vmem>>, vector<64x128xf32>
      tpu.vector_store %arg6[%swap3A_47, %swap3A_48], %sub3A_46 {strides = array<i32>} : memref<64x128xf32, #tpu.memory_space<vmem>>, vector<64x128xf32>,
    } else {
    }
    return
  }
  func.func @transform_0(%arg0: i32) -> (i32, i32) {
    %c0_i32 = arith.constant 0 : i32
    %c0_i32_0 = arith.constant 0 : i32
    return %arg0, %c0_i32 : i32, i32
  }
  func.func @transform_1(%arg0: i32) -> (i32, i32, i32) {
    %c0_i32 = arith.constant 0 : i32
    %c0_i32_0 = arith.constant 0 : i32
    %c0_i32_1 = arith.constant 0 : i32
    return %arg0, %c0_i32, %c0_i32_0 : i32, i32, i32
  }
  func.func @transform_2(%arg0: i32) -> (i32, i32) {
    %c0_i32 = arith.constant 0 : i32
    %c0_i32_0 = arith.constant 0 : i32
    %c0_i32_1 = arith.constant 0 : i32
    return %c0_i32, %c0_i32_0 : i32, i32
  }
  func.func @transform_3(%arg0: i32) -> (i32, i32) {
    %c0_i32 = arith.constant 0 : i32
    %c0_i32_0 = arith.constant 0 : i32
    %c0_i32_1 = arith.constant 0 : i32
    return %c0_i32, %c0_i32_0 : i32, i32
  }
  func.func @transform_4(%arg0: i32) -> (i32, i32) {
    %c0_i32 = arith.constant 0 : i32
    %c0_i32_0 = arith.constant 0 : i32
    %c0_i32_1 = arith.constant 0 : i32
    return %c0_i32, %c0_i32_0 : i32, i32
  }
  func.func @transform_5(%arg0: i32) -> (i32, i32) {
    %c0_i32 = arith.constant 0 : i32
    %c0_i32_0 = arith.constant 0 : i32
    %c0_i32_1 = arith.constant 0 : i32
    return %c0_i32, %c0_i32_0 : i32, i32
  }
}

module attributes {stable_mosaic.version = 14 : i64} {
  func.func @_mlp_body(%arg0: i32, %arg1: memref<2x1000x128xf32, #tpu.memory_space<vmem>>, %arg2: memref<1000x128xf32, #tpu.memory_space<vmem>>, %arg3: memref<128x128xf32, #tpu.memory_space<vmem>>, %arg4: memref<1x128xf32, #tpu.memory_space<vmem>>, %arg5: memref<128x128xf32, #tpu.memory_space<vmem>>, %arg6: memref<1x128xf32, #tpu.memory_space<vmem>>, %arg7: memref<1000x128xf32, #tpu.memory_space<vmem>>) attributes {dimension_semantics = [#tpu.dimension_semantics<arbitrary>], iteration_bounds = array<i64: 10>, scalar_prefetch = 0 : i64, scratch_operands = 0 : i64, tpu.core_type = #tpu.core_type<tc>, window_params = [{transform_indices = @transform_0, window_bounds = array<i64: 2, 1000, 128>}, {transform_indices = @transform_1, window_bounds = array<i64: 1000, 128>}, {pipeline_mode = #tpu.pipeline_mode<synchronous>, transform_indices = @transform_2, window_bounds = array<i64: 128, 128>}, {pipeline_mode = #tpu.pipeline_mode<synchronous>, transform_indices = @transform_3, window_bounds = array<i64: 1, 128>}, {pipeline_mode = #tpu.pipeline_mode<synchronous>, transform_indices = @transform_4, window_bounds = array<i64: 128, 128>}, {pipeline_mode = #tpu.pipeline_mode<synchronous>, transform_indices = @transform_5, window_bounds = array<i64: 1, 128>}, {transform_indices = @transform_6, window_bounds = array<i64: 1000, 128>}]} {
    %get3A = arith.constant 0 : index
    %get3A_0 = arith.constant 0 : index
    %get3A_1 = arith.constant 0 : index
    %get3A_2 = vector.load %arg1[%get3A, %get3A_0, %get3A_1] : memref<2x1000x128xf32, #tpu.memory_space<vmem>>, vector<1x1000x128xf32>
    %get3A_3 = vector.shape_cast %get3A_2 : vector<1x1000x128xf32> to vector<1000x128xf32>
    %get3A_4 = arith.constant 1 : index
    %get3A_5 = arith.constant 0 : index
    %get3A_6 = arith.constant 0 : index
    %get3A_7 = vector.load %arg1[%get3A_4, %get3A_5, %get3A_6] : memref<2x1000x128xf32, #tpu.memory_space<vmem>>, vector<1x1000x128xf32>
    %get3A_8 = vector.shape_cast %get3A_7 : vector<1x1000x128xf32> to vector<1000x128xf32>
    %add3A = arith.addf %get3A_3, %get3A_8 : vector<1000x128xf32>
    %get3A_9 = arith.constant 0 : index
    %get3A_10 = arith.constant 0 : index
    %get3A_11 = vector.load %arg2[%get3A_9, %get3A_10] : memref<1000x128xf32, #tpu.memory_space<vmem>>, vector<1000x128xf32>
    %sub3A = arith.subf %add3A, %get3A_11 : vector<1000x128xf32>
    %get3A_12 = arith.constant 0 : index
    %get3A_13 = arith.constant 0 : index
    %get3A_14 = vector.load %arg3[%get3A_12, %get3A_13] : memref<128x128xf32, #tpu.memory_space<vmem>>, vector<128x128xf32>
    %dot_general3A = arith.constant dense<0.000000e+00> : vector<1000x128xf32>
    %dot_general3A_15 = tpu.matmul %sub3A, %get3A_14, %dot_general3A {dimension_numbers = #tpu.dot_dimension_numbers<[1], [0], [0], [1], [0, 0, 1, 1], [], []>, precision = #tpu.contract_precision<fp32>, transpose_lhs_hint = false} : vector<1000x128xf32>, vector<128x128xf32>, vector<1000x128xf32> -> vector<1000x128xf32>
    %get3A_16 = arith.constant 0 : index
    %get3A_17 = arith.constant 0 : index
    %get3A_18 = vector.load %arg4[%get3A_16, %get3A_17] : memref<1x128xf32, #tpu.memory_space<vmem>>, vector<1x128xf32>
    %add3A_19 = vector.broadcast %get3A_18 : vector<1x128xf32> to vector<1000x128xf32>
    %add3A_20 = arith.addf %dot_general3A_15, %add3A_19 : vector<1000x128xf32>
    %max3A = arith.constant 0.000000e+00 : f32
    %max3A_21 = vector.broadcast %max3A : f32 to vector<1000x128xf32>
    %max3A_22 = arith.maximumf %add3A_20, %max3A_21 : vector<1000x128xf32>
    %get3A_23 = arith.constant 0 : index
    %get3A_24 = arith.constant 0 : index
    %get3A_25 = vector.load %arg5[%get3A_23, %get3A_24] : memref<128x128xf32, #tpu.memory_space<vmem>>, vector<128x128xf32>
    %dot_general3A_26 = arith.constant dense<0.000000e+00> : vector<1000x128xf32>
    %dot_general3A_27 = tpu.matmul %max3A_22, %get3A_25, %dot_general3A_26 {dimension_numbers = #tpu.dot_dimension_numbers<[1], [0], [0], [1], [0, 0, 1, 1], [], []>, precision = #tpu.contract_precision<fp32>, transpose_lhs_hint = false} : vector<1000x128xf32>, vector<128x128xf32>, vector<1000x128xf32> -> vector<1000x128xf32>
    %get3A_28 = arith.constant 0 : index
    %get3A_29 = arith.constant 0 : index
    %get3A_30 = vector.load %arg6[%get3A_28, %get3A_29] : memref<1x128xf32, #tpu.memory_space<vmem>>, vector<1x128xf32>
    %add3A_31 = vector.broadcast %get3A_30 : vector<1x128xf32> to vector<1000x128xf32>
    %add3A_32 = arith.addf %dot_general3A_27, %add3A_31 : vector<1000x128xf32>
    %swap3A = arith.constant 0 : index
    %swap3A_33 = arith.constant 0 : index
    %swap3A_34 = vector.load %arg7[%swap3A, %swap3A_33] : memref<1000x128xf32, #tpu.memory_space<vmem>>, vector<1000x128xf32>
    tpu.vector_store %arg7[%swap3A, %swap3A_33], %add3A_32 {strides = array<i32>} : memref<1000x128xf32, #tpu.memory_space<vmem>>, vector<1000x128xf32>,
    return
  }
  func.func @transform_0(%arg0: i32) -> (i32, i32, i32) {
    %c0_i32 = arith.constant 0 : i32
    %c0_i32_0 = arith.constant 0 : i32
    %c0_i32_1 = arith.constant 0 : i32
    return %c0_i32, %arg0, %c0_i32_0 : i32, i32, i32
  }
  func.func @transform_1(%arg0: i32) -> (i32, i32) {
    %c0_i32 = arith.constant 0 : i32
    %c0_i32_0 = arith.constant 0 : i32
    return %arg0, %c0_i32 : i32, i32
  }
  func.func @transform_2(%arg0: i32) -> (i32, i32) {
    %c0_i32 = arith.constant 0 : i32
    %c0_i32_0 = arith.constant 0 : i32
    %c0_i32_1 = arith.constant 0 : i32
    return %c0_i32, %c0_i32_0 : i32, i32
  }
  func.func @transform_3(%arg0: i32) -> (i32, i32) {
    %c0_i32 = arith.constant 0 : i32
    %c0_i32_0 = arith.constant 0 : i32
    %c0_i32_1 = arith.constant 0 : i32
    return %c0_i32, %c0_i32_0 : i32, i32
  }
  func.func @transform_4(%arg0: i32) -> (i32, i32) {
    %c0_i32 = arith.constant 0 : i32
    %c0_i32_0 = arith.constant 0 : i32
    %c0_i32_1 = arith.constant 0 : i32
    return %c0_i32, %c0_i32_0 : i32, i32
  }
  func.func @transform_5(%arg0: i32) -> (i32, i32) {
    %c0_i32 = arith.constant 0 : i32
    %c0_i32_0 = arith.constant 0 : i32
    %c0_i32_1 = arith.constant 0 : i32
    return %c0_i32, %c0_i32_0 : i32, i32
  }
  func.func @transform_6(%arg0: i32) -> (i32, i32) {
    %c0_i32 = arith.constant 0 : i32
    %c0_i32_0 = arith.constant 0 : i32
    return %arg0, %c0_i32 : i32, i32
  }
}

</mosaic_0001>

<sc_bundles>
// kernel: kernel.11.cloned.1.call-start
scs
__scs_entry_jumppad:
0x0: {  	(pc) =	sbr.rel $0x88, $3  }
0x1: {  	(tag) =	ssettag $0x0;
	lr =	simm.s32 $0x1  }
0x2: {  	[smem:$0x3F8C] =	sst lr;
	_ =	strace $0xD0000000  }
0x3: {  	_ = 	snop  }
0x4: {  	_ = 	snop  }
0x5: {  	_ = 	snop  }
0x6: {  	_ = 	snop  }
0x7: {  	_ = 	snop  }
__scs_overlays_trampoline_lowered:
0x8: {  	[smem:$0x3F9B] =	sst s0  }
0x9: {  	[smem:$0x3F9C] =	sst s1  }
0xa: {  	[smem:$0x3F9D] =	sst s2  }
0xb: {  	[smem:$0x3F9E] =	sst s3  }
0xc: {  	[smem:$0x3F9F] =	sst s4  }
0xd: {  	[smem:$0x3FA0] =	sst s5  }
0xe: {  	[smem:$0x3FA1] =	sst s6  }
0xf: {  	[smem:$0x3FA2] =	sst s7  }
0x10: {  	[smem:$0x3FA3] =	sst s8  }
0x11: {  	[smem:$0x3FA4] =	sst s9;
	s0 =	simm.s32 @!p0 $0x0  }
0x12: {  	s1 =	sld [smem:$0x3F8A];
	s0 =	simm.s32 @p0 $0x1  }
0x13: {  	[smem:$0x3FA5] =	sst s0;
	s0 =	simm.s32 @!p1 $0x0  }
0x14: {  	s2 =	sld [smem:$0x3F89];
	s0 =	simm.s32 @p1 $0x1  }
0x15: {  	[smem:$0x3FA6] =	sst s0;
	s0 =	simm.s32 @!p2 $0x0  }
0x16: {  	s3 =	sld [smem:$0x3FDB];
	s0 =	simm.s32 @p2 $0x1  }
0x17: {  	s4 =	simm.s32 $0x1BF5;
	[smem:$0x3FA8] =	sst s0  }
0x18: {  	s0 =	sld [smem:$0x3F8B];
	_ =	swait.ge [sflag:s4], $0x0  }
0x19: {  	s7 =	sld [smem:$0x3F8C]  }
0x1a: {  	s8 =	sadd.s32 $0xFFFFE003, lr  }
0x1b: {  	s9 =	sadd.s32 $0xFFFFFEF7, lr;
	s5 =	simm.s32 $0xFFFFFFFF;
	p2 =	slt.u32 s8, $0xFFFFF086  }
0x1c: {  	p1 =	slt.u32 s9, $0xF7A;
	s5 =	simm.s32 @!p2 $0x0  }
0x1d: {  	s5 =	simm.s32 @p1 $0x1;
	p0 =	seq.s32 s7, s2  }
0x1e: {  	s7 =	smul.u32 @!p0 $0xF7A, s2;
	p2 =	seq.s32 @!p0 s5, $0x0  }
0x1f: {  	s9 =	smul.u32 $0xF7A, s1;
	s8 =	simm.s32 @!p0 $0x1BF5;
	p2 =	por !p2, p0  }
0x20: {  	[sflag:s8] =	ssyncset.s32 @!p0 $0xFFFFF086;
	s6 =	sadd.s32 @!p0 s3, s7;
	s7 =	simm.s32 @!p0 $0x108  }
0x21: {  	s3 =	sadd.s32 s3, s9;
	s6 =	sadd.s32 @!p0 $0x88, s6;
	s7 =	simm.s32 @p2 $0x1082  }
0x22: {  	[simem:s7], [sflag:s8] =	dma.local @!p0 [hbm:s6], $0xF7A  }
0x23: {  	s9 =	sor.u32 $0xD0000000, s2;
	s6 =	simm.s32 $0x108;
	_ =	swait.ge @!p0 [sflag:s8], $0x0  }
0x24: {  	s3 =	sadd.s32 $0x88, s3;
	s6 =	simm.s32 @!p1 $0x1082;
	[sflag:s4] =	ssyncset.s32 $0xFFFFF086  }
0x25: {  	[simem:s6], [sflag:s4] =	dma.local [hbm:s3], $0xF7A  }
0x26: {  	[smem:$0x3F8C] =	sst s1;
	(tag) =	ssettag s2;
	_ =	strace s9  }
0x27: {  	s1 =	sld [smem:$0x3F9C]  }
0x28: {  	s2 =	sld [smem:$0x3F9D]  }
0x29: {  	s4 =	sld [smem:$0x3F9F]  }
0x2a: {  	p0 =	seq.s32 s5, $0x0;
	s5 =	sld [smem:$0x3FA0]  }
0x2b: {  	s6 =	sld [smem:$0x3FA1]  }
0x2c: {  	s7 =	sld [smem:$0x3FA2]  }
0x2d: {  	s3 =	simm.s32 $0x108;
	s8 =	sld [smem:$0x3FA3]  }
0x2e: {  	s3 =	simm.s32 @!p0 $0x1082;
	s9 =	sld [smem:$0x3FA4]  }
0x2f: {  	lr =	sadd.s32 s0, s3;
	s0 =	sld [smem:$0x3F9B]  }
0x30: {  	s3 =	sld [smem:$0x3F9E]  }
0x31: {  	[smem:$0x3FA7] =	sst s10  }
0x32: {  	s10 =	sld [smem:$0x3FA5];
	_ =	sdelay $0x3  }
0x33: {  	p0 =	seq.s32 s10, $0x1;
	s10 =	sld [smem:$0x3FA7];
	_ =	sdelay $0x3  }
0x34: {  	[smem:$0x3FA7] =	sst s10  }
0x35: {  	s10 =	sld [smem:$0x3FA6];
	_ =	sdelay $0x3  }
0x36: {  	p1 =	seq.s32 s10, $0x1;
	s10 =	sld [smem:$0x3FA7];
	_ =	sdelay $0x3  }
0x37: {  	[smem:$0x3FA7] =	sst s10  }
0x38: {  	s10 =	sld [smem:$0x3FA8]  }
0x39: {  	_ = 	snop;
	(pc) =	sbr.ind lr, $3  }
0x3a: {  	_ = 	snop  }
0x3b: {  	_ = 	snop  }
0x3c: {  	p2 =	seq.s32 s10, $0x1;
	s10 =	sld [smem:$0x3FA7]  }
0x3d: {  	_ =	shalt  }
0x3e: {  	_ =	shalt  }
0x3f: {  	_ =	shalt  }
0x40: {  	_ =	shalt  }
0x41: {  	_ =	shalt  }
0x42: {  	_ =	shalt  }
0x43: {  	_ =	shalt  }
0x44: {  	_ =	shalt  }
0x45: {  	_ =	shalt  }
0x46: {  	_ =	shalt  }
0x47: {  	_ =	shalt  }
0x48: {  	_ =	shalt  }
0x49: {  	_ =	shalt  }
0x4a: {  	_ =	shalt  }
0x4b: {  	_ =	shalt  }
0x4c: {  	_ =	shalt  }
0x4d: {  	_ =	shalt  }
0x4e: {  	_ =	shalt  }
0x4f: {  	_ =	shalt  }
0x50: {  	_ =	shalt  }
0x51: {  	_ =	shalt  }
0x52: {  	_ =	shalt  }
0x53: {  	_ =	shalt  }
0x54: {  	_ =	shalt  }
0x55: {  	_ =	shalt  }
0x56: {  	_ =	shalt  }
0x57: {  	_ =	shalt  }
0x58: {  	_ =	shalt  }
0x59: {  	_ =	shalt  }
0x5a: {  	_ =	shalt  }
0x5b: {  	_ =	shalt  }
0x5c: {  	_ =	shalt  }
0x5d: {  	_ =	shalt  }
0x5e: {  	_ =	shalt  }
0x5f: {  	_ =	shalt  }
0x60: {  	_ =	shalt  }
0x61: {  	_ =	shalt  }
0x62: {  	_ =	shalt  }
0x63: {  	_ =	shalt  }
0x64: {  	_ =	shalt  }
0x65: {  	_ =	shalt  }
0x66: {  	_ =	shalt  }
0x67: {  	_ =	shalt  }
0x68: {  	_ =	shalt  }
0x69: {  	_ =	shalt  }
0x6a: {  	_ =	shalt  }
0x6b: {  	_ =	shalt  }
0x6c: {  	_ =	shalt  }
0x6d: {  	_ =	shalt  }
0x6e: {  	_ =	shalt  }
0x6f: {  	_ =	shalt  }
0x70: {  	_ =	shalt  }
0x71: {  	_ =	shalt  }
0x72: {  	_ =	shalt  }
0x73: {  	_ =	shalt  }
0x74: {  	_ =	shalt  }
0x75: {  	_ =	shalt  }
0x76: {  	_ =	shalt  }
0x77: {  	_ =	shalt  }
0x78: {  	_ =	shalt  }
0x79: {  	_ =	shalt  }
0x7a: {  	_ =	shalt  }
0x7b: {  	_ =	shalt  }
0x7c: {  	_ =	shalt  }
0x7d: {  	_ =	shalt  }
0x7e: {  	_ =	shalt  }
0x7f: {  	_ =	shalt  }
0x80: {  	_ =	shalt  }
0x81: {  	_ =	shalt  }
0x82: {  	_ =	shalt  }
0x83: {  	_ =	shalt  }
0x84: {  	_ =	shalt  }
0x85: {  	_ =	shalt  }
0x86: {  	_ =	shalt  }
0x87: {  	_ =	shalt  }
.Lfunc_end0:
.L_simem_size_0:
called_computation_lowered:
.L_overlay_start_0:
0x88: {  	s2 =	sld [smem:$0x3FD9]  }
0x89: {  	s3 =	sld [smem:$0x3FFE];
	_ =	sdelay $0x1  }
0x8a: {  	s1 =	srdreg.scid  }
0x8b: {  	s0 =	sand.u32 $0x1, s1  }
0x8c: {  	s17 =	sshll.u32 s0, $0xA;
	s2 =	sadd.s32 s3, s2  }
0x8d: {  	s2 =	sadd.s32 s2, s17  }
0x8e: {  	[smem:$0x3FB3] =	sst s2  }
0x8f: {  	_ = 	snop  }
0x90: {  	s2 =	sld [smem:$0x3FC9];
	(tm) =	ssettm $0x1  }
0x91: {  	s18 =	sld [smem:$0x3FFB];
	_ =	sdelay $0x3  }
0x92: {  	_ =	strace s18  }
0x93: {  	s3 =	sld [smem:$0x3FFC];
	_ =	sdelay $0x3  }
0x94: {  	_ =	strace s3  }
0x95: {  	s3 =	sld [smem:$0x3FFD];
	_ =	sdelay $0x3  }
0x96: {  	_ =	strace s3  }
0x97: {  	_ =	strace $0x8FFFFFFF  }
0x98: {  	s19 =	sld [smem:$0x3FDB];
	_ =	sdelay $0x1  }
0x99: {  	s4 =	simm.s32 $_scs_section_size  }
0x9a: {  	s5 =	simm.s32 $_size__tile_overlayer_lowered;
	s6 =	simm.s32 $_tile_overlayer_lowered  }
0x9b: {  	s22 =	simm.s32 $0x1BFF;
	s21 =	sshll.u32 s6, $0x1;
	s3 =	sadd.s32 s4, s19  }
0x9c: {  	s7 =	simm.s32 $0x0;
	s20 =	sshll.u32 s5, $0x1;
	s5 =	sadd.s32 s21, s3  }
0x9d: {  	[timem:s7], [sflag:s22] =	dma.local [hbm:s5], s20  }
0x9e: {  	_ =	swait.ge [sflag:s22], s20  }
0x9f: {  	s4 =	ssub.s32 $0x0, s20;
	[sflag:s22] =	ssyncset.done $0x0  }
0xa0: {  	[sflag:s22] =	ssyncadd.s32 s4;
	_ =	sdelay $0x1  }
0xa1: {  	s23 =	simm.s32 $0x1B8B  }
0xa2: {  	_ =	swait.ge [sflag:s23], $0x1  }
0xa3: {  	[sflag:s23] =	ssyncset.done $0x0  }
0xa4: {  	s25 =	simm.s32 $0x1B8E;
	s24 =	sld [smem:$0x3FFE];
	[sflag:s23] =	ssyncadd.s32 $0xFFFFFFFF  }
0xa5: {  	s26 =	simm.s32 $execute0_lowered;
	[smem:$0x3FD2] =	sst s25  }
0xa6: {  	s5 =	sshll.u32 s26, $0x1;
	_ =	strace $0x80000046;
	[dreg:$0x1] =	wrdreg $0xFFFFFFFF  }
0xa7: {  	s28 =	simm.s32 $_size_execute0_lowered;
	s3 =	sadd.s32 s3, s5;
	[dreg:$0x0] =	wrdreg $0x0  }
0xa8: {  	s5 =	sshll.u32 s28, $0x1;
	[dreg:$0x2] =	wrdreg s3  }
0xa9: {  	[dreg:$0x3] =	wrdreg s5  }
0xaa: {  	[dreg:$0x4] =	wrdreg $0xC0  }
0xab: {  	_ =	task [dreg:s7], $0x5FFFF  }
0xac: {  	[dreg:$0x1] =	wrdreg $0xFFFFFFFF  }
0xad: {  	[dreg:$0x0] =	wrdreg $0x60  }
0xae: {  	[dreg:$0x2] =	wrdreg s2  }
0xaf: {  	[dreg:$0x3] =	wrdreg s24  }
0xb0: {  	[dreg:$0x4] =	wrdreg $0x88000  }
0xb1: {  	[dreg:$0x5] =	wrdreg $0x9  }
0xb2: {  	_ =	task.clear_ibuf [dreg:s7], $0x6FFFF;
	_ =	strace $0x90000046  }
0xb3: {  	s29 =	simm.s32 $0x9;
	_ =	strace $0x80000048  }
0xb4: {  	_ =	swait.ge [sflag:s29], $0x1  }
0xb5: {  	[sflag:s29] =	ssyncadd.s32 $0xFFFFFFFF  }
0xb6: {  	_ =	strace $0x90000048  }
0xb7: {  	_ =	sfence  }
0xb8: {  	s30 =	sld [smem:$0x0];
	_ =	sdelay $0x2  }
0xb9: {  	s31 =	sshll.u32 s1, $0xD;
	s1 =	sshrl.u32 s1, $0x2  }
0xba: {  	s3 =	sand.u32 $0x4000, s31;
	s1 =	sadd.s32 s1, s30  }
0xbb: {  	s0 =	sor.u32 s3, s0;
	s1 =	sshll.u32 s1, $0x11  }
0xbc: {  	s0 =	sor.u32 s1, s0  }
0xbd: {  	s0 =	sadd.s32 $0x8F2B, s0  }
0xbe: {  	[sflag:s0] =	ssyncadd.remote.s32 $0x1  }
0xbf: {  	_ =	sfence.sel $0xFFFF  }
0xc0: {  	[dreg:$0x0] =	wrdreg $0xFFFFFFFF;
	(pc) =	sbr.abs _section_cstart, $3  }
0xc1: {  	[dreg:$0x1] =	wrdreg $0xFFFFFFFF  }
0xc2: {  	_ =	task.clear_ibuf [dreg:s7], $0x2FFFF;
	_ =	strace $0x9FFFFFFF  }
0xc3: {  	(tm) =	ssettm $0x7FFFFFFF  }
tec
execute0_lowered:
.L_overlay_start_1:
0x0: {  	(tag) =	ssettag $0x1  }
0x1: {  	s0 =	rddreg [dreg:$0x0];
	s1 =	srdreg.scid  }
0x2: {  	s4 =	rddreg [dreg:$0x1];
	s6 =	stileid.u32  }
0x3: {  	s2 =	rddreg [dreg:$0x2];
	s3 =	simm.s32 $0x0;
	s12 =	simm.s32 $0x3  }
0x4: {  	s14 =	simm.s32 $0x400;
	s15 =	simm.s32 $0x80;
	s16 =	simm.s32 $0x800  }
0x5: {  	s17 =	simm.s32 $0x1;
	s18 =	simm.s32 $0x4800;
	s19 =	simm.s32 $0x2  }
0x6: {  	s20 =	simm.s32 $0x100;
	s28 =	simm.s32 $0x600;
	s29 =	simm.s32 $0x300  }
0x7: {  	s30 =	simm.s32 $0x680;
	s31 =	simm.s32 $0x380;
	s7 =	smul.u32 $0x50, s6  }
0x8: {  	s1 =	sand.u32 $0x1, s1;
	[smem:$0x7FF] =	sst s3;
	s8 =	smul.u32 $0x4E000, s6  }
0x9: {  	s10 =	smul.u32 $0x13800, s6;
	s11 =	sshll.u32 s6, $0x6;
	s13 =	sadd.s32 $0x138000, s2  }
0xa: {  	s25 =	sadd.s32 $0x27000, s0;
	p0 =	sne.s32 s6, $0x0;
	s6 =	simm.s32 $0x0  }
0xb: {  	s5 =	smul.u32 $0x500, s1;
	_ =	strace $0x80000047;
	s22 =	ssub.s32 $0x2, s1  }
0xc: {  	s1 =	smul.u32 $0x138800, s1;
	[dreg:$0x5] =	wrdreg s25;
	s25 =	simm.s32 $0x580  }
0xd: {  	s9 =	sshrl.u32 s22, $0x1;
	s23 =	sshrl.u32 s8, $0x2;
	s24 =	sshrl.u32 s10, $0x3  }
0xe: {  	s5 =	sadd.s32 s7, s5;
	s9 =	ssub.s32 s22, s9;
	s8 =	sadd.s32 s23, s2  }
0xf: {  	s10 =	sadd.s32 s10, s1;
	s1 =	sshrl.u32 s1, $0x3;
	s22 =	simm.s32 $0x180  }
0x10: {  	s23 =	simm.s32 $0x500;
	s5 =	sshll.u32 s5, $0x4;
	s10 =	sshrl.u32 s10, $0x3  }
0x11: {  	s26 =	smax.u32 s9, $0x1;
	s9 =	sshrl.u32 s8, $0x3;
	s21 =	sadd.s32 s5, s4  }
0x12: {  	s4 =	sadd.s32 $0x18C00, s4;
	s5 =	sadd.s32 s0, s24;
	[dreg:$0x8] =	wrdreg s26  }
0x13: {  	s24 =	simm.s32 $0x200;
	s26 =	simm.s32 $0x280;
	[dreg:$0x4] =	wrdreg s5  }
0x14: {  	s5 =	sor.u32 $0x1C03, s11;
	s10 =	sadd.s32 s4, s10;
	s1 =	sadd.s32 s4, s1  }
0x15: {  	s11 =	sshrl.u32 @!p0 s13, $0x3;
	s4 =	simm.s32 $0x780;
	[dreg:$0x6] =	wrdreg s10  }
0x16: {  	s1 =	sadd.s32 $0x27000, s1;
	s10 =	sadd.s32 $0x4C00, s21;
	[dreg:$0x9] =	wrdreg s11  }
0x17: {  	s21 =	simm.s32 $0x480;
	[dreg:$0x7] =	wrdreg s1;
	s1 =	simm.s32 $0x700  }
.LBB2_1:
0x18: {  	s7 =	rddreg [dreg:$0x4]  }
0x19: {  	[spmem:s9], [sflag:s5] =	dma.local [hbm:s7], $0x2700  }
0x1a: {  	_ =	swait.ge [sflag:s12], $0x2700  }
0x1b: {  	[sflag:s12] =	ssyncset.done $0x0  }
0x1c: {  	s7 =	rddreg [dreg:$0x5];
	[sflag:s12] =	ssyncadd.s32 $0xFFFFD900  }
0x1d: {  	[spmem:s11], [sflag:s5] =	dma.local @!p0 [hbm:s7], $0x100  }
0x1e: {  	s7 =	simm.s32 @!p0 $0x3  }
0x1f: {  	_ =	swait.ge @!p0 [sflag:s7], $0x100  }
0x20: {  	[sflag:s7] =	ssyncset.done @!p0 $0x0  }
0x21: {  	[sflag:s7] =	ssyncadd.s32 @!p0 $0xFFFFFF00  }
0x22: {  	s11 =	sadd.s32 $0x0, s10;
	[bflag:$0x0] =	sbarrier.arrive $0xFFFF  }
0x23: {  	[tilespmem:s3], [sflag:$0x3] =	stream.linear.gather [hbm4b:s11+s3], $0x400, $0x38;
	[tilespmem:$0x1C100] =	vst v63  }
0x24: {  	_ =	swait.ge [sflag:s12], $0x400  }
0x25: {  	[sflag:s12] =	ssyncset.done $0x0  }
0x26: {  	s7 =	sadd.s32 $0xA000, s11;
	[sflag:s12] =	ssyncadd.s32 $0xFFFFFC00  }
0x27: {  	[tilespmem:s14], [sflag:$0x3] =	stream.linear.gather [hbm4b:s7+s3], $0x400, $0x38;
	[tilespmem:$0x1C100] =	vst v63  }
0x28: {  	_ =	swait.ge [sflag:s12], $0x400  }
0x29: {  	[sflag:s12] =	ssyncset.done $0x0  }
0x2a: {  	[sflag:s12] =	ssyncadd.s32 $0xFFFFFC00  }
0x2b: {  	[tilespmem:s16], [sflag:$0x1] =	stream.indirect.gather [hbm4b:s0+s15], $0x80, s3, s15, $0xb8;
	[tilespmem:$0x1C100] =	vst v63  }
0x2c: {  	_ =	swait.ge [sflag:s17], $0x4000  }
0x2d: {  	[sflag:s17] =	ssyncset.done $0x0  }
0x2e: {  	[sflag:s17] =	ssyncadd.s32 $0xFFFFC000  }
0x2f: {  	[tilespmem:s18], [sflag:$0x2] =	stream.indirect.gather [hbm4b:s0+s15], $0x80, s15, s15, $0xb8;
	[tilespmem:$0x1C100] =	vst v63  }
0x30: {  	_ = 	snop  }
0x31: {  	[spmem:s2] =	stream.indirect.scatter.add.f32 [tilespmem:s16], [sflag:$0x3], $0x80, s14, s15, $0xb8;
	[tilespmem:$0x1C100] =	vst v63  }
0x32: {  	_ =	swait.ge [sflag:s12], $0x4000  }
0x33: {  	[sflag:s12] =	ssyncset.done $0x0  }
0x34: {  	[sflag:s12] =	ssyncadd.s32 $0xFFFFC000  }
0x35: {  	_ =	swait.ge [sflag:s19], $0x4000  }
0x36: {  	[sflag:s19] =	ssyncset.done $0x0  }
0x37: {  	[sflag:s19] =	ssyncadd.s32 $0xFFFFC000  }
0x38: {  	[tilespmem:s16], [sflag:$0x1] =	stream.indirect.gather [hbm4b:s0+s15], $0x80, s20, s15, $0xb8;
	[tilespmem:$0x1C100] =	vst v63  }
0x39: {  	_ = 	snop  }
0x3a: {  	[spmem:s2] =	stream.indirect.scatter.add.f32 [tilespmem:s18], [sflag:$0x3], $0x80, s21, s15, $0xb8;
	[tilespmem:$0x1C100] =	vst v63  }
0x3b: {  	_ =	swait.ge [sflag:s12], $0x4000  }
0x3c: {  	[sflag:s12] =	ssyncset.done $0x0  }
0x3d: {  	[sflag:s12] =	ssyncadd.s32 $0xFFFFC000  }
0x3e: {  	_ =	swait.ge [sflag:s17], $0x4000  }
0x3f: {  	[sflag:s17] =	ssyncset.done $0x0  }
0x40: {  	[sflag:s17] =	ssyncadd.s32 $0xFFFFC000  }
0x41: {  	[tilespmem:s18], [sflag:$0x2] =	stream.indirect.gather [hbm4b:s0+s15], $0x80, s22, s15, $0xb8;
	[tilespmem:$0x1C100] =	vst v63  }
0x42: {  	_ = 	snop  }
0x43: {  	[spmem:s2] =	stream.indirect.scatter.add.f32 [tilespmem:s16], [sflag:$0x3], $0x80, s23, s15, $0xb8;
	[tilespmem:$0x1C100] =	vst v63  }
0x44: {  	_ =	swait.ge [sflag:s12], $0x4000  }
0x45: {  	[sflag:s12] =	ssyncset.done $0x0  }
0x46: {  	[sflag:s12] =	ssyncadd.s32 $0xFFFFC000  }
0x47: {  	_ =	swait.ge [sflag:s19], $0x4000  }
0x48: {  	[sflag:s19] =	ssyncset.done $0x0  }
0x49: {  	[sflag:s19] =	ssyncadd.s32 $0xFFFFC000  }
0x4a: {  	[tilespmem:s16], [sflag:$0x1] =	stream.indirect.gather [hbm4b:s0+s15], $0x80, s24, s15, $0xb8;
	[tilespmem:$0x1C100] =	vst v63  }
0x4b: {  	_ = 	snop  }
0x4c: {  	[spmem:s2] =	stream.indirect.scatter.add.f32 [tilespmem:s18], [sflag:$0x3], $0x80, s25, s15, $0xb8;
	[tilespmem:$0x1C100] =	vst v63  }
0x4d: {  	_ =	swait.ge [sflag:s12], $0x4000  }
0x4e: {  	[sflag:s12] =	ssyncset.done $0x0  }
0x4f: {  	[sflag:s12] =	ssyncadd.s32 $0xFFFFC000  }
0x50: {  	_ =	swait.ge [sflag:s17], $0x4000  }
0x51: {  	[sflag:s17] =	ssyncset.done $0x0  }
0x52: {  	[sflag:s17] =	ssyncadd.s32 $0xFFFFC000  }
0x53: {  	[tilespmem:s18], [sflag:$0x2] =	stream.indirect.gather [hbm4b:s0+s15], $0x80, s26, s15, $0xb8;
	[tilespmem:$0x1C100] =	vst v63  }
0x54: {  	_ = 	snop  }
0x55: {  	[spmem:s2] =	stream.indirect.scatter.add.f32 [tilespmem:s16], [sflag:$0x3], $0x80, s28, s15, $0xb8;
	[tilespmem:$0x1C100] =	vst v63  }
0x56: {  	_ =	swait.ge [sflag:s12], $0x4000  }
0x57: {  	[sflag:s12] =	ssyncset.done $0x0  }
0x58: {  	[sflag:s12] =	ssyncadd.s32 $0xFFFFC000  }
0x59: {  	_ =	swait.ge [sflag:s19], $0x4000  }
0x5a: {  	[sflag:s19] =	ssyncset.done $0x0  }
0x5b: {  	[sflag:s19] =	ssyncadd.s32 $0xFFFFC000  }
0x5c: {  	[tilespmem:s16], [sflag:$0x1] =	stream.indirect.gather [hbm4b:s0+s15], $0x80, s29, s15, $0xb8;
	[tilespmem:$0x1C100] =	vst v63  }
0x5d: {  	_ = 	snop  }
0x5e: {  	[spmem:s2] =	stream.indirect.scatter.add.f32 [tilespmem:s18], [sflag:$0x3], $0x80, s30, s15, $0xb8;
	[tilespmem:$0x1C100] =	vst v63  }
0x5f: {  	_ =	swait.ge [sflag:s12], $0x4000  }
0x60: {  	[sflag:s12] =	ssyncset.done $0x0  }
0x61: {  	[sflag:s12] =	ssyncadd.s32 $0xFFFFC000  }
0x62: {  	_ =	swait.ge [sflag:s17], $0x4000  }
0x63: {  	[sflag:s17] =	ssyncset.done $0x0  }
0x64: {  	[sflag:s17] =	ssyncadd.s32 $0xFFFFC000  }
0x65: {  	[tilespmem:s18], [sflag:$0x2] =	stream.indirect.gather [hbm4b:s0+s15], $0x80, s31, s15, $0xb8;
	[tilespmem:$0x1C100] =	vst v63  }
0x66: {  	_ = 	snop  }
0x67: {  	[spmem:s2] =	stream.indirect.scatter.add.f32 [tilespmem:s16], [sflag:$0x3], $0x80, s1, s15, $0xb8;
	[tilespmem:$0x1C100] =	vst v63  }
0x68: {  	_ =	swait.ge [sflag:s12], $0x4000  }
0x69: {  	[sflag:s12] =	ssyncset.done $0x0  }
0x6a: {  	[sflag:s12] =	ssyncadd.s32 $0xFFFFC000  }
0x6b: {  	_ =	swait.ge [sflag:s19], $0x4000  }
0x6c: {  	[sflag:s19] =	ssyncset.done $0x0  }
0x6d: {  	[sflag:s19] =	ssyncadd.s32 $0xFFFFC000  }
0x6e: {  	[spmem:s2] =	stream.indirect.scatter.add.f32 [tilespmem:s18], [sflag:$0x3], $0x80, s4, s15, $0xb8;
	[tilespmem:$0x1C100] =	vst v63  }
0x6f: {  	s13 =	smov.u32 s9;
	_ =	swait.ge [sflag:s12], $0x4000  }
0x70: {  	s8 =	simm.s32 $0x100;
	s7 =	simm.s32 $0x80;
	[sflag:s12] =	ssyncset.done $0x0  }
.LBB2_2:
0x71: {  	s11 =	sadd.s32 s7, s10  }
0x72: {  	[sflag:s12] =	ssyncadd.s32 $0xFFFFC000;
	s7 =	smov.u32 s8;
	s9 =	sadd.s32 $0x80, s8  }
0x73: {  	[tilespmem:s3], [sflag:$0x3] =	stream.linear.gather [hbm4b:s11+s3], $0x400, $0x38;
	[tilespmem:$0x1C100] =	vst v63  }
0x74: {  	p1 =	sne.s32 s8, $0x480;
	_ =	swait.ge [sflag:s12], $0x400  }
0x75: {  	[sflag:s12] =	ssyncset.done $0x0  }
0x76: {  	s8 =	sadd.s32 $0xA000, s11;
	[sflag:s12] =	ssyncadd.s32 $0xFFFFFC00  }
0x77: {  	[tilespmem:s14], [sflag:$0x3] =	stream.linear.gather [hbm4b:s8+s3], $0x400, $0x38;
	[tilespmem:$0x1C100] =	vst v63  }
0x78: {  	_ =	swait.ge [sflag:s12], $0x400  }
0x79: {  	[sflag:s12] =	ssyncset.done $0x0  }
0x7a: {  	[sflag:s12] =	ssyncadd.s32 $0xFFFFFC00  }
0x7b: {  	[tilespmem:s16], [sflag:$0x1] =	stream.indirect.gather [hbm4b:s0+s15], $0x80, s3, s15, $0xb8;
	[tilespmem:$0x1C100] =	vst v63  }
0x7c: {  	_ =	swait.ge [sflag:s17], $0x4000  }
0x7d: {  	[sflag:s17] =	ssyncset.done $0x0  }
0x7e: {  	[sflag:s17] =	ssyncadd.s32 $0xFFFFC000  }
0x7f: {  	[tilespmem:s18], [sflag:$0x2] =	stream.indirect.gather [hbm4b:s0+s15], $0x80, s15, s15, $0xb8;
	[tilespmem:$0x1C100] =	vst v63  }
0x80: {  	_ = 	snop  }
0x81: {  	[spmem:s2] =	stream.indirect.scatter.add.f32 [tilespmem:s16], [sflag:$0x3], $0x80, s14, s15, $0xb8;
	[tilespmem:$0x1C100] =	vst v63  }
0x82: {  	_ =	swait.ge [sflag:s12], $0x4000  }
0x83: {  	[sflag:s12] =	ssyncset.done $0x0  }
0x84: {  	[sflag:s12] =	ssyncadd.s32 $0xFFFFC000  }
0x85: {  	_ =	swait.ge [sflag:s19], $0x4000  }
0x86: {  	[sflag:s19] =	ssyncset.done $0x0  }
0x87: {  	[sflag:s19] =	ssyncadd.s32 $0xFFFFC000  }
0x88: {  	[tilespmem:s16], [sflag:$0x1] =	stream.indirect.gather [hbm4b:s0+s15], $0x80, s20, s15, $0xb8;
	[tilespmem:$0x1C100] =	vst v63  }
0x89: {  	_ = 	snop  }
0x8a: {  	[spmem:s2] =	stream.indirect.scatter.add.f32 [tilespmem:s18], [sflag:$0x3], $0x80, s21, s15, $0xb8;
	[tilespmem:$0x1C100] =	vst v63  }
0x8b: {  	_ =	swait.ge [sflag:s12], $0x4000  }
0x8c: {  	[sflag:s12] =	ssyncset.done $0x0  }
0x8d: {  	[sflag:s12] =	ssyncadd.s32 $0xFFFFC000  }
0x8e: {  	_ =	swait.ge [sflag:s17], $0x4000  }
0x8f: {  	[sflag:s17] =	ssyncset.done $0x0  }
0x90: {  	[sflag:s17] =	ssyncadd.s32 $0xFFFFC000  }
0x91: {  	[tilespmem:s18], [sflag:$0x2] =	stream.indirect.gather [hbm4b:s0+s15], $0x80, s22, s15, $0xb8;
	[tilespmem:$0x1C100] =	vst v63  }
0x92: {  	_ = 	snop  }
0x93: {  	[spmem:s2] =	stream.indirect.scatter.add.f32 [tilespmem:s16], [sflag:$0x3], $0x80, s23, s15, $0xb8;
	[tilespmem:$0x1C100] =	vst v63  }
0x94: {  	_ =	swait.ge [sflag:s12], $0x4000  }
0x95: {  	[sflag:s12] =	ssyncset.done $0x0  }
0x96: {  	[sflag:s12] =	ssyncadd.s32 $0xFFFFC000  }
0x97: {  	_ =	swait.ge [sflag:s19], $0x4000  }
0x98: {  	[sflag:s19] =	ssyncset.done $0x0  }
0x99: {  	[sflag:s19] =	ssyncadd.s32 $0xFFFFC000  }
0x9a: {  	[tilespmem:s16], [sflag:$0x1] =	stream.indirect.gather [hbm4b:s0+s15], $0x80, s24, s15, $0xb8;
	[tilespmem:$0x1C100] =	vst v63  }
0x9b: {  	_ = 	snop  }
0x9c: {  	[spmem:s2] =	stream.indirect.scatter.add.f32 [tilespmem:s18], [sflag:$0x3], $0x80, s25, s15, $0xb8;
	[tilespmem:$0x1C100] =	vst v63  }
0x9d: {  	_ =	swait.ge [sflag:s12], $0x4000  }
0x9e: {  	[sflag:s12] =	ssyncset.done $0x0  }
0x9f: {  	[sflag:s12] =	ssyncadd.s32 $0xFFFFC000  }
0xa0: {  	_ =	swait.ge [sflag:s17], $0x4000  }
0xa1: {  	[sflag:s17] =	ssyncset.done $0x0  }
0xa2: {  	[sflag:s17] =	ssyncadd.s32 $0xFFFFC000  }
0xa3: {  	[tilespmem:s18], [sflag:$0x2] =	stream.indirect.gather [hbm4b:s0+s15], $0x80, s26, s15, $0xb8;
	[tilespmem:$0x1C100] =	vst v63  }
0xa4: {  	_ = 	snop  }
0xa5: {  	[spmem:s2] =	stream.indirect.scatter.add.f32 [tilespmem:s16], [sflag:$0x3], $0x80, s28, s15, $0xb8;
	[tilespmem:$0x1C100] =	vst v63  }
0xa6: {  	_ =	swait.ge [sflag:s12], $0x4000  }
0xa7: {  	[sflag:s12] =	ssyncset.done $0x0  }
0xa8: {  	[sflag:s12] =	ssyncadd.s32 $0xFFFFC000  }
0xa9: {  	_ =	swait.ge [sflag:s19], $0x4000  }
0xaa: {  	[sflag:s19] =	ssyncset.done $0x0  }
0xab: {  	[sflag:s19] =	ssyncadd.s32 $0xFFFFC000  }
0xac: {  	[tilespmem:s16], [sflag:$0x1] =	stream.indirect.gather [hbm4b:s0+s15], $0x80, s29, s15, $0xb8;
	[tilespmem:$0x1C100] =	vst v63  }
0xad: {  	_ = 	snop  }
0xae: {  	[spmem:s2] =	stream.indirect.scatter.add.f32 [tilespmem:s18], [sflag:$0x3], $0x80, s30, s15, $0xb8;
	[tilespmem:$0x1C100] =	vst v63  }
0xaf: {  	_ =	swait.ge [sflag:s12], $0x4000  }
0xb0: {  	[sflag:s12] =	ssyncset.done $0x0  }
0xb1: {  	[sflag:s12] =	ssyncadd.s32 $0xFFFFC000  }
0xb2: {  	_ =	swait.ge [sflag:s17], $0x4000  }
0xb3: {  	[sflag:s17] =	ssyncset.done $0x0  }
0xb4: {  	[sflag:s17] =	ssyncadd.s32 $0xFFFFC000  }
0xb5: {  	[tilespmem:s18], [sflag:$0x2] =	stream.indirect.gather [hbm4b:s0+s15], $0x80, s31, s15, $0xb8;
	[tilespmem:$0x1C100] =	vst v63  }
0xb6: {  	_ = 	snop  }
0xb7: {  	[spmem:s2] =	stream.indirect.scatter.add.f32 [tilespmem:s16], [sflag:$0x3], $0x80, s1, s15, $0xb8;
	[tilespmem:$0x1C100] =	vst v63  }
0xb8: {  	_ =	swait.ge [sflag:s12], $0x4000  }
0xb9: {  	[sflag:s12] =	ssyncset.done $0x0  }
0xba: {  	[sflag:s12] =	ssyncadd.s32 $0xFFFFC000  }
0xbb: {  	_ =	swait.ge [sflag:s19], $0x4000  }
.Ltmp0:
0xbc: {  	[sflag:s19] =	ssyncset.done $0x0;
	(pc) =	sbr.rel @p1 .LBB2_2-.Ltmp0, $4  }
0xbd: {  	[sflag:s19] =	ssyncadd.s32 $0xFFFFC000  }
0xbe: {  	[spmem:s2] =	stream.indirect.scatter.add.f32 [tilespmem:s18], [sflag:$0x3], $0x80, s4, s15, $0xb8;
	[tilespmem:$0x1C100] =	vst v63  }
0xbf: {  	_ =	swait.ge [sflag:s12], $0x4000  }
0xc0: {  	s8 =	smov.u32 s9;
	[sflag:s12] =	ssyncset.done $0x0  }
0xc1: {  	s7 =	sadd.s32 s7, s10;
	[sflag:s12] =	ssyncadd.s32 $0xFFFFC000  }
0xc2: {  	[tilespmem:s3], [sflag:$0x3] =	stream.linear.gather [hbm4b:s7+s3], $0x400, $0x38;
	[tilespmem:$0x1C100] =	vst v63  }
0xc3: {  	_ =	swait.ge [sflag:s12], $0x400  }
0xc4: {  	[sflag:s12] =	ssyncset.done $0x0  }
0xc5: {  	s7 =	sadd.s32 $0xA000, s7;
	[sflag:s12] =	ssyncadd.s32 $0xFFFFFC00  }
0xc6: {  	[tilespmem:s14], [sflag:$0x3] =	stream.linear.gather [hbm4b:s7+s3], $0x400, $0x38;
	[tilespmem:$0x1C100] =	vst v63  }
0xc7: {  	_ =	swait.ge [sflag:s12], $0x400  }
0xc8: {  	[sflag:s12] =	ssyncset.done $0x0  }
0xc9: {  	[sflag:s12] =	ssyncadd.s32 $0xFFFFFC00  }
0xca: {  	[tilespmem:s16], [sflag:$0x1] =	stream.indirect.gather [hbm4b:s0+s15], $0x80, s3, s15, $0xb8;
	[tilespmem:$0x1C100] =	vst v63  }
0xcb: {  	_ =	swait.ge [sflag:s17], $0x4000  }
0xcc: {  	[sflag:s17] =	ssyncset.done $0x0  }
0xcd: {  	[sflag:s17] =	ssyncadd.s32 $0xFFFFC000  }
0xce: {  	[tilespmem:s18], [sflag:$0x2] =	stream.indirect.gather [hbm4b:s0+s15], $0x80, s15, s15, $0xb8;
	[tilespmem:$0x1C100] =	vst v63  }
0xcf: {  	_ = 	snop  }
0xd0: {  	[spmem:s2] =	stream.indirect.scatter.add.f32 [tilespmem:s16], [sflag:$0x3], $0x80, s14, s15, $0xb8;
	[tilespmem:$0x1C100] =	vst v63  }
0xd1: {  	_ =	swait.ge [sflag:s12], $0x4000  }
0xd2: {  	[sflag:s12] =	ssyncset.done $0x0  }
0xd3: {  	[sflag:s12] =	ssyncadd.s32 $0xFFFFC000  }
0xd4: {  	_ =	swait.ge [sflag:s19], $0x4000  }
0xd5: {  	[sflag:s19] =	ssyncset.done $0x0  }
0xd6: {  	[sflag:s19] =	ssyncadd.s32 $0xFFFFC000  }
0xd7: {  	[tilespmem:s16], [sflag:$0x1] =	stream.indirect.gather [hbm4b:s0+s15], $0x80, s20, s15, $0xb8;
	[tilespmem:$0x1C100] =	vst v63  }
0xd8: {  	_ = 	snop  }
0xd9: {  	[spmem:s2] =	stream.indirect.scatter.add.f32 [tilespmem:s18], [sflag:$0x3], $0x80, s21, s15, $0xb8;
	[tilespmem:$0x1C100] =	vst v63  }
0xda: {  	_ =	swait.ge [sflag:s12], $0x4000  }
0xdb: {  	[sflag:s12] =	ssyncset.done $0x0  }
0xdc: {  	[sflag:s12] =	ssyncadd.s32 $0xFFFFC000  }
0xdd: {  	_ =	swait.ge [sflag:s17], $0x4000  }
0xde: {  	[sflag:s17] =	ssyncset.done $0x0  }
0xdf: {  	[sflag:s17] =	ssyncadd.s32 $0xFFFFC000  }
0xe0: {  	[tilespmem:s18], [sflag:$0x2] =	stream.indirect.gather [hbm4b:s0+s15], $0x80, s22, s15, $0xb8;
	[tilespmem:$0x1C100] =	vst v63  }
0xe1: {  	_ = 	snop  }
0xe2: {  	[spmem:s2] =	stream.indirect.scatter.add.f32 [tilespmem:s16], [sflag:$0x3], $0x80, s23, s15, $0xb8;
	[tilespmem:$0x1C100] =	vst v63  }
0xe3: {  	_ =	swait.ge [sflag:s12], $0x4000  }
0xe4: {  	[sflag:s12] =	ssyncset.done $0x0  }
0xe5: {  	[sflag:s12] =	ssyncadd.s32 $0xFFFFC000  }
0xe6: {  	_ =	swait.ge [sflag:s19], $0x4000  }
0xe7: {  	[sflag:s19] =	ssyncset.done $0x0  }
0xe8: {  	[sflag:s19] =	ssyncadd.s32 $0xFFFFC000  }
0xe9: {  	[tilespmem:s16], [sflag:$0x1] =	stream.indirect.gather [hbm4b:s0+s15], $0x80, s24, s15, $0xb8;
	[tilespmem:$0x1C100] =	vst v63  }
0xea: {  	_ = 	snop  }
0xeb: {  	[spmem:s2] =	stream.indirect.scatter.add.f32 [tilespmem:s18], [sflag:$0x3], $0x80, s25, s15, $0xb8;
	[tilespmem:$0x1C100] =	vst v63  }
0xec: {  	_ =	swait.ge [sflag:s12], $0x4000  }
0xed: {  	[sflag:s12] =	ssyncset.done $0x0  }
0xee: {  	[sflag:s12] =	ssyncadd.s32 $0xFFFFC000  }
0xef: {  	_ =	swait.ge [sflag:s17], $0x4000  }
0xf0: {  	[sflag:s17] =	ssyncset.done $0x0  }
0xf1: {  	[sflag:s17] =	ssyncadd.s32 $0xFFFFC000  }
0xf2: {  	[tilespmem:s18], [sflag:$0x2] =	stream.indirect.gather [hbm4b:s0+s15], $0x80, s26, s15, $0xb8;
	[tilespmem:$0x1C100] =	vst v63  }
0xf3: {  	_ = 	snop  }
0xf4: {  	[spmem:s2] =	stream.indirect.scatter.add.f32 [tilespmem:s16], [sflag:$0x3], $0x80, s28, s15, $0xb8;
	[tilespmem:$0x1C100] =	vst v63  }
0xf5: {  	_ =	swait.ge [sflag:s12], $0x4000  }
0xf6: {  	[sflag:s12] =	ssyncset.done $0x0  }
0xf7: {  	[sflag:s12] =	ssyncadd.s32 $0xFFFFC000  }
0xf8: {  	_ =	swait.ge [sflag:s19], $0x4000  }
0xf9: {  	[sflag:s19] =	ssyncset.done $0x0  }
0xfa: {  	[sflag:s19] =	ssyncadd.s32 $0xFFFFC000  }
0xfb: {  	[tilespmem:s16], [sflag:$0x1] =	stream.indirect.gather [hbm4b:s0+s15], $0x80, s29, s15, $0xb8;
	[tilespmem:$0x1C100] =	vst v63  }
0xfc: {  	_ = 	snop  }
0xfd: {  	[spmem:s2] =	stream.indirect.scatter.add.f32 [tilespmem:s18], [sflag:$0x3], $0x80, s30, s15, $0xb8;
	[tilespmem:$0x1C100] =	vst v63  }
0xfe: {  	_ =	swait.ge [sflag:s12], $0x4000  }
0xff: {  	[sflag:s12] =	ssyncset.done $0x0  }
0x100: {  	[sflag:s12] =	ssyncadd.s32 $0xFFFFC000  }
0x101: {  	_ =	swait.ge [sflag:s17], $0x4000  }
0x102: {  	[sflag:s17] =	ssyncset.done $0x0  }
0x103: {  	[sflag:s17] =	ssyncadd.s32 $0xFFFFC000  }
0x104: {  	[tilespmem:s18], [sflag:$0x2] =	stream.indirect.gather [hbm4b:s0+s15], $0x80, s31, s15, $0xb8;
	[tilespmem:$0x1C100] =	vst v63  }
0x105: {  	_ = 	snop  }
0x106: {  	[spmem:s2] =	stream.indirect.scatter.add.f32 [tilespmem:s16], [sflag:$0x3], $0x80, s1, s15, $0xb8;
	[tilespmem:$0x1C100] =	vst v63  }
0x107: {  	_ =	swait.ge [sflag:s12], $0x4000  }
0x108: {  	[sflag:s12] =	ssyncset.done $0x0  }
0x109: {  	[sflag:s12] =	ssyncadd.s32 $0xFFFFC000  }
0x10a: {  	_ =	swait.ge [sflag:s19], $0x4000  }
0x10b: {  	[sflag:s19] =	ssyncset.done $0x0  }
0x10c: {  	[sflag:s19] =	ssyncadd.s32 $0xFFFFC000  }
0x10d: {  	[spmem:s2] =	stream.indirect.scatter.add.f32 [tilespmem:s18], [sflag:$0x3], $0x80, s4, s15, $0xb8;
	[tilespmem:$0x1C100] =	vst v63  }
0x10e: {  	_ =	swait.ge [sflag:s12], $0x4000  }
0x10f: {  	[sflag:s12] =	ssyncset.done $0x0  }
0x110: {  	[sflag:s12] =	ssyncadd.s32 $0xFFFFC000  }
0x111: {  	[bflag:$0x0] =	sbarrier.arrive $0xFFFF  }
0x112: {  	s11 =	rddreg [dreg:$0x6]  }
0x113: {  	[hbm:s11], [sflag:s5] =	dma.local [spmem:s13], $0x2700  }
0x114: {  	_ =	swait.ge [sflag:s12], $0x2700  }
0x115: {  	[sflag:s12] =	ssyncset.done $0x0;
	s7 =	rddreg [dreg:$0x7]  }
0x116: {  	s11 =	rddreg [dreg:$0x9];
	[sflag:s12] =	ssyncadd.s32 $0xFFFFD900  }
0x117: {  	[hbm:s7], [sflag:s5] =	dma.local @!p0 [spmem:s11], $0x100  }
0x118: {  	s7 =	simm.s32 @!p0 $0x3  }
0x119: {  	_ =	swait.ge @!p0 [sflag:s7], $0x100  }
0x11a: {  	s6 =	sadd.s32 $0x1, s6;
	s8 =	rddreg [dreg:$0x8]  }
0x11b: {  	p1 =	sne.s32 s6, s8  }
.Ltmp1:
0x11c: {  	_ = 	snop;
	(pc) =	sbr.rel @p1 .LBB2_1-.Ltmp1, $3  }
0x11d: {  	_ =	sdelay $0x1  }
0x11e: {  	[sflag:s7] =	ssyncset.done @!p0 $0x0  }
0x11f: {  	s9 =	smov.u32 s13;
	[sflag:s7] =	ssyncadd.s32 @!p0 $0xFFFFFF00  }
0x120: {  	_ =	sfence.sel $0x180000  }
0x121: {  	[bflag:$0x0] =	sbarrier.arrive $0xFFFF  }
0x122: {  	_ =	strace $0x90000047  }
0x123: {  	[bflag:$0x2] =	sbarrier.arrive $0xFFFF  }
0x124: {  	s0 =	rddreg [dreg:$0x3]  }
0x125: {  	s0 =	sadd.s32 @!p0 $0x100000, s0  }
0x126: {  	[sflag:s0] =	ssyncadd.tile.s32 @!p0 $0x1;
	_ =	shalt  }
.Lfunc_end2:
_tile_overlayer_lowered:
.L_overlay_start_2:
0x127: {  	(tag) =	ssettag $0x2  }
0x128: {  	s0 =	rddreg [dreg:$0x0];
	s2 =	stileid.u32  }
0x129: {  	s1 =	rddreg [dreg:$0x1];
	p0 =	sne.s32 s2, $0x0  }
0x12a: {  	s3 =	rddreg [dreg:$0x2];
	[bflag:$0x3] =	sbarrier.arrive $0xFFFF;
	s2 =	simm.s32 @!p0 $0x1C03  }
0x12b: {  	[timem:s3], [sflag:s2] =	dma.local @!p0 [hbm:s0], s1  }
0x12c: {  	s0 =	simm.s32 @!p0 $0x3  }
0x12d: {  	_ =	swait.ge @!p0 [sflag:s0], s1  }
0x12e: {  	s1 =	ssub.s32 @!p0 $0x0, s1;
	[sflag:s0] =	ssyncset.done @!p0 $0x0  }
0x12f: {  	[sflag:s0] =	ssyncadd.s32 @!p0 s1  }
0x130: {  	[bflag:$0x3] =	sbarrier.arrive $0xFFFF  }
0x131: {  	_ =	shalt  }

// kernel: kernel.14.cloned.1.call-start
scs
__scs_entry_jumppad:
0x0: {  	(pc) =	sbr.rel $0x88, $3  }
0x1: {  	(tag) =	ssettag $0x0;
	lr =	simm.s32 $0x1  }
0x2: {  	[smem:$0x3F8C] =	sst lr;
	_ =	strace $0xD0000000  }
0x3: {  	_ = 	snop  }
0x4: {  	_ = 	snop  }
0x5: {  	_ = 	snop  }
0x6: {  	_ = 	snop  }
0x7: {  	_ = 	snop  }
__scs_overlays_trampoline_lowered:
0x8: {  	[smem:$0x3F9B] =	sst s0  }
0x9: {  	[smem:$0x3F9C] =	sst s1  }
0xa: {  	[smem:$0x3F9D] =	sst s2  }
0xb: {  	[smem:$0x3F9E] =	sst s3  }
0xc: {  	[smem:$0x3F9F] =	sst s4  }
0xd: {  	[smem:$0x3FA0] =	sst s5  }
0xe: {  	[smem:$0x3FA1] =	sst s6  }
0xf: {  	[smem:$0x3FA2] =	sst s7  }
0x10: {  	[smem:$0x3FA3] =	sst s8  }
0x11: {  	[smem:$0x3FA4] =	sst s9;
	s0 =	simm.s32 @!p0 $0x0  }
0x12: {  	s1 =	sld [smem:$0x3F8A];
	s0 =	simm.s32 @p0 $0x1  }
0x13: {  	[smem:$0x3FA5] =	sst s0;
	s0 =	simm.s32 @!p1 $0x0  }
0x14: {  	s2 =	sld [smem:$0x3F89];
	s0 =	simm.s32 @p1 $0x1  }
0x15: {  	[smem:$0x3FA6] =	sst s0;
	s0 =	simm.s32 @!p2 $0x0  }
0x16: {  	s3 =	sld [smem:$0x3FDB];
	s0 =	simm.s32 @p2 $0x1  }
0x17: {  	s4 =	simm.s32 $0x1BF5;
	[smem:$0x3FA8] =	sst s0  }
0x18: {  	s0 =	sld [smem:$0x3F8B];
	_ =	swait.ge [sflag:s4], $0x0  }
0x19: {  	s7 =	sld [smem:$0x3F8C]  }
0x1a: {  	s8 =	sadd.s32 $0xFFFFE003, lr  }
0x1b: {  	s9 =	sadd.s32 $0xFFFFFEF7, lr;
	s5 =	simm.s32 $0xFFFFFFFF;
	p2 =	slt.u32 s8, $0xFFFFF086  }
0x1c: {  	p1 =	slt.u32 s9, $0xF7A;
	s5 =	simm.s32 @!p2 $0x0  }
0x1d: {  	s5 =	simm.s32 @p1 $0x1;
	p0 =	seq.s32 s7, s2  }
0x1e: {  	s7 =	smul.u32 @!p0 $0xF7A, s2;
	p2 =	seq.s32 @!p0 s5, $0x0  }
0x1f: {  	s9 =	smul.u32 $0xF7A, s1;
	s8 =	simm.s32 @!p0 $0x1BF5;
	p2 =	por !p2, p0  }
0x20: {  	[sflag:s8] =	ssyncset.s32 @!p0 $0xFFFFF086;
	s6 =	sadd.s32 @!p0 s3, s7;
	s7 =	simm.s32 @!p0 $0x108  }
0x21: {  	s3 =	sadd.s32 s3, s9;
	s6 =	sadd.s32 @!p0 $0x88, s6;
	s7 =	simm.s32 @p2 $0x1082  }
0x22: {  	[simem:s7], [sflag:s8] =	dma.local @!p0 [hbm:s6], $0xF7A  }
0x23: {  	s9 =	sor.u32 $0xD0000000, s2;
	s6 =	simm.s32 $0x108;
	_ =	swait.ge @!p0 [sflag:s8], $0x0  }
0x24: {  	s3 =	sadd.s32 $0x88, s3;
	s6 =	simm.s32 @!p1 $0x1082;
	[sflag:s4] =	ssyncset.s32 $0xFFFFF086  }
0x25: {  	[simem:s6], [sflag:s4] =	dma.local [hbm:s3], $0xF7A  }
0x26: {  	[smem:$0x3F8C] =	sst s1;
	(tag) =	ssettag s2;
	_ =	strace s9  }
0x27: {  	s1 =	sld [smem:$0x3F9C]  }
0x28: {  	s2 =	sld [smem:$0x3F9D]  }
0x29: {  	s4 =	sld [smem:$0x3F9F]  }
0x2a: {  	p0 =	seq.s32 s5, $0x0;
	s5 =	sld [smem:$0x3FA0]  }
0x2b: {  	s6 =	sld [smem:$0x3FA1]  }
0x2c: {  	s7 =	sld [smem:$0x3FA2]  }
0x2d: {  	s3 =	simm.s32 $0x108;
	s8 =	sld [smem:$0x3FA3]  }
0x2e: {  	s3 =	simm.s32 @!p0 $0x1082;
	s9 =	sld [smem:$0x3FA4]  }
0x2f: {  	lr =	sadd.s32 s0, s3;
	s0 =	sld [smem:$0x3F9B]  }
0x30: {  	s3 =	sld [smem:$0x3F9E]  }
0x31: {  	[smem:$0x3FA7] =	sst s10  }
0x32: {  	s10 =	sld [smem:$0x3FA5];
	_ =	sdelay $0x3  }
0x33: {  	p0 =	seq.s32 s10, $0x1;
	s10 =	sld [smem:$0x3FA7];
	_ =	sdelay $0x3  }
0x34: {  	[smem:$0x3FA7] =	sst s10  }
0x35: {  	s10 =	sld [smem:$0x3FA6];
	_ =	sdelay $0x3  }
0x36: {  	p1 =	seq.s32 s10, $0x1;
	s10 =	sld [smem:$0x3FA7];
	_ =	sdelay $0x3  }
0x37: {  	[smem:$0x3FA7] =	sst s10  }
0x38: {  	s10 =	sld [smem:$0x3FA8]  }
0x39: {  	_ = 	snop;
	(pc) =	sbr.ind lr, $3  }
0x3a: {  	_ = 	snop  }
0x3b: {  	_ = 	snop  }
0x3c: {  	p2 =	seq.s32 s10, $0x1;
	s10 =	sld [smem:$0x3FA7]  }
0x3d: {  	_ =	shalt  }
0x3e: {  	_ =	shalt  }
0x3f: {  	_ =	shalt  }
0x40: {  	_ =	shalt  }
0x41: {  	_ =	shalt  }
0x42: {  	_ =	shalt  }
0x43: {  	_ =	shalt  }
0x44: {  	_ =	shalt  }
0x45: {  	_ =	shalt  }
0x46: {  	_ =	shalt  }
0x47: {  	_ =	shalt  }
0x48: {  	_ =	shalt  }
0x49: {  	_ =	shalt  }
0x4a: {  	_ =	shalt  }
0x4b: {  	_ =	shalt  }
0x4c: {  	_ =	shalt  }
0x4d: {  	_ =	shalt  }
0x4e: {  	_ =	shalt  }
0x4f: {  	_ =	shalt  }
0x50: {  	_ =	shalt  }
0x51: {  	_ =	shalt  }
0x52: {  	_ =	shalt  }
0x53: {  	_ =	shalt  }
0x54: {  	_ =	shalt  }
0x55: {  	_ =	shalt  }
0x56: {  	_ =	shalt  }
0x57: {  	_ =	shalt  }
0x58: {  	_ =	shalt  }
0x59: {  	_ =	shalt  }
0x5a: {  	_ =	shalt  }
0x5b: {  	_ =	shalt  }
0x5c: {  	_ =	shalt  }
0x5d: {  	_ =	shalt  }
0x5e: {  	_ =	shalt  }
0x5f: {  	_ =	shalt  }
0x60: {  	_ =	shalt  }
0x61: {  	_ =	shalt  }
0x62: {  	_ =	shalt  }
0x63: {  	_ =	shalt  }
0x64: {  	_ =	shalt  }
0x65: {  	_ =	shalt  }
0x66: {  	_ =	shalt  }
0x67: {  	_ =	shalt  }
0x68: {  	_ =	shalt  }
0x69: {  	_ =	shalt  }
0x6a: {  	_ =	shalt  }
0x6b: {  	_ =	shalt  }
0x6c: {  	_ =	shalt  }
0x6d: {  	_ =	shalt  }
0x6e: {  	_ =	shalt  }
0x6f: {  	_ =	shalt  }
0x70: {  	_ =	shalt  }
0x71: {  	_ =	shalt  }
0x72: {  	_ =	shalt  }
0x73: {  	_ =	shalt  }
0x74: {  	_ =	shalt  }
0x75: {  	_ =	shalt  }
0x76: {  	_ =	shalt  }
0x77: {  	_ =	shalt  }
0x78: {  	_ =	shalt  }
0x79: {  	_ =	shalt  }
0x7a: {  	_ =	shalt  }
0x7b: {  	_ =	shalt  }
0x7c: {  	_ =	shalt  }
0x7d: {  	_ =	shalt  }
0x7e: {  	_ =	shalt  }
0x7f: {  	_ =	shalt  }
0x80: {  	_ =	shalt  }
0x81: {  	_ =	shalt  }
0x82: {  	_ =	shalt  }
0x83: {  	_ =	shalt  }
0x84: {  	_ =	shalt  }
0x85: {  	_ =	shalt  }
0x86: {  	_ =	shalt  }
0x87: {  	_ =	shalt  }
.Lfunc_end0:
.L_simem_size_0:
called_computation.1_lowered:
.L_overlay_start_0:
0x88: {  	s2 =	sld [smem:$0x3FD9]  }
0x89: {  	s3 =	sld [smem:$0x3FFE];
	_ =	sdelay $0x1  }
0x8a: {  	s1 =	srdreg.scid  }
0x8b: {  	s0 =	sand.u32 $0x1, s1  }
0x8c: {  	s16 =	sshll.u32 s0, $0xA;
	s2 =	sadd.s32 s3, s2  }
0x8d: {  	s2 =	sadd.s32 s2, s16  }
0x8e: {  	[smem:$0x3FB3] =	sst s2  }
0x8f: {  	_ = 	snop  }
0x90: {  	(tm) =	ssettm $0x1  }
0x91: {  	s17 =	sld [smem:$0x3FFB];
	_ =	sdelay $0x3  }
0x92: {  	_ =	strace s17  }
0x93: {  	s2 =	sld [smem:$0x3FFC];
	_ =	sdelay $0x3  }
0x94: {  	_ =	strace s2  }
0x95: {  	s2 =	sld [smem:$0x3FFD];
	_ =	sdelay $0x3  }
0x96: {  	_ =	strace s2  }
0x97: {  	_ =	strace $0x8FFFFFFF  }
0x98: {  	s18 =	sld [smem:$0x3FDB];
	_ =	sdelay $0x1  }
0x99: {  	s19 =	simm.s32 $_scs_section_size  }
0x9a: {  	s4 =	simm.s32 $_size__tile_overlayer_lowered;
	s5 =	simm.s32 $_tile_overlayer_lowered  }
0x9b: {  	s22 =	simm.s32 $0x1BFF;
	s21 =	sshll.u32 s5, $0x1;
	s2 =	sadd.s32 s19, s18  }
0x9c: {  	s6 =	simm.s32 $0x0;
	s20 =	sshll.u32 s4, $0x1;
	s4 =	sadd.s32 s21, s2  }
0x9d: {  	[timem:s6], [sflag:s22] =	dma.local [hbm:s4], s20  }
0x9e: {  	_ =	swait.ge [sflag:s22], s20  }
0x9f: {  	s3 =	ssub.s32 $0x0, s20;
	[sflag:s22] =	ssyncset.done $0x0  }
0xa0: {  	[sflag:s22] =	ssyncadd.s32 s3;
	_ =	sdelay $0x1  }
0xa1: {  	s23 =	simm.s32 $0x1B8B  }
0xa2: {  	_ =	swait.ge [sflag:s23], $0x1  }
0xa3: {  	[sflag:s23] =	ssyncset.done $0x0  }
0xa4: {  	s25 =	simm.s32 $0x1B8E;
	s24 =	sld [smem:$0x3FFE];
	[sflag:s23] =	ssyncadd.s32 $0xFFFFFFFF  }
0xa5: {  	s26 =	simm.s32 $execute0_lowered;
	[smem:$0x3FD2] =	sst s25  }
0xa6: {  	s4 =	sshll.u32 s26, $0x1;
	_ =	strace $0x80000049;
	[dreg:$0x1] =	wrdreg $0xFFFFFFFF  }
0xa7: {  	s28 =	simm.s32 $_size_execute0_lowered;
	s2 =	sadd.s32 s2, s4;
	[dreg:$0x0] =	wrdreg $0x0  }
0xa8: {  	s4 =	sshll.u32 s28, $0x1;
	[dreg:$0x2] =	wrdreg s2  }
0xa9: {  	[dreg:$0x3] =	wrdreg s4  }
0xaa: {  	[dreg:$0x4] =	wrdreg $0xC0  }
0xab: {  	_ =	task [dreg:s6], $0x5FFFF  }
0xac: {  	[dreg:$0x1] =	wrdreg $0xFFFFFFFF  }
0xad: {  	[dreg:$0x0] =	wrdreg $0x60  }
0xae: {  	[dreg:$0x2] =	wrdreg s24  }
0xaf: {  	[dreg:$0x3] =	wrdreg $0x88000  }
0xb0: {  	[dreg:$0x4] =	wrdreg $0x9  }
0xb1: {  	_ =	task.clear_ibuf [dreg:s6], $0x5FFFF;
	_ =	strace $0x90000049  }
0xb2: {  	s29 =	simm.s32 $0x9;
	_ =	strace $0x8000004B  }
0xb3: {  	_ =	swait.ge [sflag:s29], $0x1  }
0xb4: {  	[sflag:s29] =	ssyncadd.s32 $0xFFFFFFFF  }
0xb5: {  	_ =	strace $0x9000004B  }
0xb6: {  	_ =	sfence  }
0xb7: {  	s30 =	sld [smem:$0x0];
	_ =	sdelay $0x2  }
0xb8: {  	s31 =	sshll.u32 s1, $0xD;
	s1 =	sshrl.u32 s1, $0x2  }
0xb9: {  	s3 =	sand.u32 $0x4000, s31;
	s1 =	sadd.s32 s1, s30  }
0xba: {  	s0 =	sor.u32 s3, s0;
	s1 =	sshll.u32 s1, $0x11  }
0xbb: {  	s0 =	sor.u32 s1, s0  }
0xbc: {  	s0 =	sadd.s32 $0x8F2B, s0  }
0xbd: {  	[sflag:s0] =	ssyncadd.remote.s32 $0x1  }
0xbe: {  	_ =	sfence.sel $0xFFFF  }
0xbf: {  	[dreg:$0x0] =	wrdreg $0xFFFFFFFF;
	(pc) =	sbr.abs _section_cstart, $3  }
0xc0: {  	[dreg:$0x1] =	wrdreg $0xFFFFFFFF  }
0xc1: {  	_ =	task.clear_ibuf [dreg:s6], $0x2FFFF;
	_ =	strace $0x9FFFFFFF  }
0xc2: {  	(tm) =	ssettm $0x7FFFFFFF  }
0xc3: {  	_ =	shalt  }
tec
execute0_lowered:
.L_overlay_start_1:
0x0: {  	(tag) =	ssettag $0x1  }
0x1: {  	s0 =	srdreg.scid;
	s4 =	rddreg [dreg:$0x0]  }
0x2: {  	s6 =	stileid.u32;
	s1 =	rddreg [dreg:$0x1]  }
0x3: {  	s2 =	simm.s32 $0x0;
	s14 =	simm.s32 $0x400;
	s15 =	simm.s32 $0x80  }
0x4: {  	s16 =	simm.s32 $0x800;
	s17 =	simm.s32 $0x1;
	s18 =	simm.s32 $0x4800  }
0x5: {  	s19 =	simm.s32 $0x2;
	s20 =	simm.s32 $0x100;
	s21 =	simm.s32 $0x480  }
0x6: {  	s28 =	simm.s32 $0x600;
	s29 =	simm.s32 $0x300;
	s30 =	simm.s32 $0x680  }
0x7: {  	s31 =	simm.s32 $0x380;
	s0 =	sand.u32 $0x1, s0;
	s5 =	smul.u32 $0x50, s6  }
0x8: {  	[smem:$0x7FF] =	sst s2;
	s8 =	smul.u32 $0x4E000, s6;
	s9 =	sadd.s32 $0x3FE00, s4  }
0x9: {  	s11 =	smul.u32 $0x13800, s6;
	s12 =	sshll.u32 s6, $0x6;
	s13 =	sadd.s32 $0x138000, s1  }
0xa: {  	p0 =	sne.s32 s6, $0x0;
	s6 =	simm.s32 $0x0;
	s3 =	smul.u32 $0x500, s0  }
0xb: {  	_ =	strace $0x8000004A;
	s22 =	ssub.s32 $0x2, s0;
	s0 =	smul.u32 $0x138800, s0  }
0xc: {  	s10 =	sshrl.u32 s22, $0x1;
	s23 =	sshrl.u32 s8, $0x2;
	s24 =	sshrl.u32 s11, $0x3  }
0xd: {  	s5 =	sadd.s32 s5, s3;
	s3 =	sadd.s32 $0x18C00, s4;
	s10 =	ssub.s32 s22, s10  }
0xe: {  	s8 =	sadd.s32 s23, s1;
	s11 =	sadd.s32 s11, s0;
	s0 =	sshrl.u32 s0, $0x3  }
0xf: {  	s22 =	simm.s32 $0x180;
	s23 =	simm.s32 $0x500;
	s5 =	sshll.u32 s5, $0x4  }
0x10: {  	s11 =	sshrl.u32 s11, $0x3;
	s0 =	sadd.s32 s9, s0;
	s26 =	smax.u32 s10, $0x1  }
0x11: {  	s7 =	sadd.s32 s5, s4;
	s5 =	sadd.s32 s3, s24;
	[dreg:$0x7] =	wrdreg s26  }
0x12: {  	s4 =	sadd.s32 $0x3FC00, s4;
	s25 =	sadd.s32 s9, s11;
	[dreg:$0x3] =	wrdreg s5  }
0x13: {  	s0 =	sadd.s32 $0x27000, s0;
	s9 =	sshrl.u32 s8, $0x3;
	[dreg:$0x4] =	wrdreg s4  }
0x14: {  	s11 =	sshrl.u32 @!p0 s13, $0x3;
	s24 =	simm.s32 $0x200;
	[dreg:$0x5] =	wrdreg s25  }
0x15: {  	s26 =	simm.s32 $0x280;
	s5 =	sor.u32 $0x1C03, s12;
	[dreg:$0x6] =	wrdreg s0  }
0x16: {  	s10 =	sadd.s32 $0x4C00, s7;
	s12 =	simm.s32 $0x3;
	s25 =	simm.s32 $0x580  }
0x17: {  	s0 =	simm.s32 $0x700;
	s4 =	simm.s32 $0x780;
	[dreg:$0x8] =	wrdreg s11  }
.LBB2_1:
0x18: {  	s7 =	rddreg [dreg:$0x3]  }
0x19: {  	[spmem:s9], [sflag:s5] =	dma.local [hbm:s7], $0x2700  }
0x1a: {  	_ =	swait.ge [sflag:s12], $0x2700  }
0x1b: {  	[sflag:s12] =	ssyncset.done $0x0  }
0x1c: {  	s7 =	rddreg [dreg:$0x4];
	[sflag:s12] =	ssyncadd.s32 $0xFFFFD900  }
0x1d: {  	[spmem:s11], [sflag:s5] =	dma.local @!p0 [hbm:s7], $0x100  }
0x1e: {  	s7 =	simm.s32 @!p0 $0x3  }
0x1f: {  	_ =	swait.ge @!p0 [sflag:s7], $0x100  }
0x20: {  	[sflag:s7] =	ssyncset.done @!p0 $0x0  }
0x21: {  	[sflag:s7] =	ssyncadd.s32 @!p0 $0xFFFFFF00  }
0x22: {  	s11 =	sadd.s32 $0x0, s10;
	[bflag:$0x0] =	sbarrier.arrive $0xFFFF  }
0x23: {  	[tilespmem:s2], [sflag:$0x3] =	stream.linear.gather [hbm4b:s11+s2], $0x400, $0x38;
	[tilespmem:$0x1C100] =	vst v63  }
0x24: {  	_ =	swait.ge [sflag:s12], $0x400  }
0x25: {  	[sflag:s12] =	ssyncset.done $0x0  }
0x26: {  	s7 =	sadd.s32 $0xA000, s11;
	[sflag:s12] =	ssyncadd.s32 $0xFFFFFC00  }
0x27: {  	[tilespmem:s14], [sflag:$0x3] =	stream.linear.gather [hbm4b:s7+s2], $0x400, $0x38;
	[tilespmem:$0x1C100] =	vst v63  }
0x28: {  	_ =	swait.ge [sflag:s12], $0x400  }
0x29: {  	[sflag:s12] =	ssyncset.done $0x0  }
0x2a: {  	[sflag:s12] =	ssyncadd.s32 $0xFFFFFC00  }
0x2b: {  	[tilespmem:s16], [sflag:$0x1] =	stream.indirect.gather [hbm4b:s3+s15], $0x80, s2, s15, $0xb8;
	[tilespmem:$0x1C100] =	vst v63  }
0x2c: {  	_ =	swait.ge [sflag:s17], $0x4000  }
0x2d: {  	[sflag:s17] =	ssyncset.done $0x0  }
0x2e: {  	[sflag:s17] =	ssyncadd.s32 $0xFFFFC000  }
0x2f: {  	[tilespmem:s18], [sflag:$0x2] =	stream.indirect.gather [hbm4b:s3+s15], $0x80, s15, s15, $0xb8;
	[tilespmem:$0x1C100] =	vst v63  }
0x30: {  	_ = 	snop  }
0x31: {  	[spmem:s1] =	stream.indirect.scatter.add.f32 [tilespmem:s16], [sflag:$0x3], $0x80, s14, s15, $0xb8;
	[tilespmem:$0x1C100] =	vst v63  }
0x32: {  	_ =	swait.ge [sflag:s12], $0x4000  }
0x33: {  	[sflag:s12] =	ssyncset.done $0x0  }
0x34: {  	[sflag:s12] =	ssyncadd.s32 $0xFFFFC000  }
0x35: {  	_ =	swait.ge [sflag:s19], $0x4000  }
0x36: {  	[sflag:s19] =	ssyncset.done $0x0  }
0x37: {  	[sflag:s19] =	ssyncadd.s32 $0xFFFFC000  }
0x38: {  	[tilespmem:s16], [sflag:$0x1] =	stream.indirect.gather [hbm4b:s3+s15], $0x80, s20, s15, $0xb8;
	[tilespmem:$0x1C100] =	vst v63  }
0x39: {  	_ = 	snop  }
0x3a: {  	[spmem:s1] =	stream.indirect.scatter.add.f32 [tilespmem:s18], [sflag:$0x3], $0x80, s21, s15, $0xb8;
	[tilespmem:$0x1C100] =	vst v63  }
0x3b: {  	_ =	swait.ge [sflag:s12], $0x4000  }
0x3c: {  	[sflag:s12] =	ssyncset.done $0x0  }
0x3d: {  	[sflag:s12] =	ssyncadd.s32 $0xFFFFC000  }
0x3e: {  	_ =	swait.ge [sflag:s17], $0x4000  }
0x3f: {  	[sflag:s17] =	ssyncset.done $0x0  }
0x40: {  	[sflag:s17] =	ssyncadd.s32 $0xFFFFC000  }
0x41: {  	[tilespmem:s18], [sflag:$0x2] =	stream.indirect.gather [hbm4b:s3+s15], $0x80, s22, s15, $0xb8;
	[tilespmem:$0x1C100] =	vst v63  }
0x42: {  	_ = 	snop  }
0x43: {  	[spmem:s1] =	stream.indirect.scatter.add.f32 [tilespmem:s16], [sflag:$0x3], $0x80, s23, s15, $0xb8;
	[tilespmem:$0x1C100] =	vst v63  }
0x44: {  	_ =	swait.ge [sflag:s12], $0x4000  }
0x45: {  	[sflag:s12] =	ssyncset.done $0x0  }
0x46: {  	[sflag:s12] =	ssyncadd.s32 $0xFFFFC000  }
0x47: {  	_ =	swait.ge [sflag:s19], $0x4000  }
0x48: {  	[sflag:s19] =	ssyncset.done $0x0  }
0x49: {  	[sflag:s19] =	ssyncadd.s32 $0xFFFFC000  }
0x4a: {  	[tilespmem:s16], [sflag:$0x1] =	stream.indirect.gather [hbm4b:s3+s15], $0x80, s24, s15, $0xb8;
	[tilespmem:$0x1C100] =	vst v63  }
0x4b: {  	_ = 	snop  }
0x4c: {  	[spmem:s1] =	stream.indirect.scatter.add.f32 [tilespmem:s18], [sflag:$0x3], $0x80, s25, s15, $0xb8;
	[tilespmem:$0x1C100] =	vst v63  }
0x4d: {  	_ =	swait.ge [sflag:s12], $0x4000  }
0x4e: {  	[sflag:s12] =	ssyncset.done $0x0  }
0x4f: {  	[sflag:s12] =	ssyncadd.s32 $0xFFFFC000  }
0x50: {  	_ =	swait.ge [sflag:s17], $0x4000  }
0x51: {  	[sflag:s17] =	ssyncset.done $0x0  }
0x52: {  	[sflag:s17] =	ssyncadd.s32 $0xFFFFC000  }
0x53: {  	[tilespmem:s18], [sflag:$0x2] =	stream.indirect.gather [hbm4b:s3+s15], $0x80, s26, s15, $0xb8;
	[tilespmem:$0x1C100] =	vst v63  }
0x54: {  	_ = 	snop  }
0x55: {  	[spmem:s1] =	stream.indirect.scatter.add.f32 [tilespmem:s16], [sflag:$0x3], $0x80, s28, s15, $0xb8;
	[tilespmem:$0x1C100] =	vst v63  }
0x56: {  	_ =	swait.ge [sflag:s12], $0x4000  }
0x57: {  	[sflag:s12] =	ssyncset.done $0x0  }
0x58: {  	[sflag:s12] =	ssyncadd.s32 $0xFFFFC000  }
0x59: {  	_ =	swait.ge [sflag:s19], $0x4000  }
0x5a: {  	[sflag:s19] =	ssyncset.done $0x0  }
0x5b: {  	[sflag:s19] =	ssyncadd.s32 $0xFFFFC000  }
0x5c: {  	[tilespmem:s16], [sflag:$0x1] =	stream.indirect.gather [hbm4b:s3+s15], $0x80, s29, s15, $0xb8;
	[tilespmem:$0x1C100] =	vst v63  }
0x5d: {  	_ = 	snop  }
0x5e: {  	[spmem:s1] =	stream.indirect.scatter.add.f32 [tilespmem:s18], [sflag:$0x3], $0x80, s30, s15, $0xb8;
	[tilespmem:$0x1C100] =	vst v63  }
0x5f: {  	_ =	swait.ge [sflag:s12], $0x4000  }
0x60: {  	[sflag:s12] =	ssyncset.done $0x0  }
0x61: {  	[sflag:s12] =	ssyncadd.s32 $0xFFFFC000  }
0x62: {  	_ =	swait.ge [sflag:s17], $0x4000  }
0x63: {  	[sflag:s17] =	ssyncset.done $0x0  }
0x64: {  	[sflag:s17] =	ssyncadd.s32 $0xFFFFC000  }
0x65: {  	[tilespmem:s18], [sflag:$0x2] =	stream.indirect.gather [hbm4b:s3+s15], $0x80, s31, s15, $0xb8;
	[tilespmem:$0x1C100] =	vst v63  }
0x66: {  	_ = 	snop  }
0x67: {  	[spmem:s1] =	stream.indirect.scatter.add.f32 [tilespmem:s16], [sflag:$0x3], $0x80, s0, s15, $0xb8;
	[tilespmem:$0x1C100] =	vst v63  }
0x68: {  	_ =	swait.ge [sflag:s12], $0x4000  }
0x69: {  	[sflag:s12] =	ssyncset.done $0x0  }
0x6a: {  	[sflag:s12] =	ssyncadd.s32 $0xFFFFC000  }
0x6b: {  	_ =	swait.ge [sflag:s19], $0x4000  }
0x6c: {  	[sflag:s19] =	ssyncset.done $0x0  }
0x6d: {  	[sflag:s19] =	ssyncadd.s32 $0xFFFFC000  }
0x6e: {  	[spmem:s1] =	stream.indirect.scatter.add.f32 [tilespmem:s18], [sflag:$0x3], $0x80, s4, s15, $0xb8;
	[tilespmem:$0x1C100] =	vst v63  }
0x6f: {  	s13 =	smov.u32 s9;
	_ =	swait.ge [sflag:s12], $0x4000  }
0x70: {  	s8 =	simm.s32 $0x100;
	s7 =	simm.s32 $0x80;
	[sflag:s12] =	ssyncset.done $0x0  }
.LBB2_2:
0x71: {  	s11 =	sadd.s32 s7, s10  }
0x72: {  	[sflag:s12] =	ssyncadd.s32 $0xFFFFC000;
	s7 =	smov.u32 s8;
	s9 =	sadd.s32 $0x80, s8  }
0x73: {  	[tilespmem:s2], [sflag:$0x3] =	stream.linear.gather [hbm4b:s11+s2], $0x400, $0x38;
	[tilespmem:$0x1C100] =	vst v63  }
0x74: {  	p1 =	sne.s32 s8, $0x480;
	_ =	swait.ge [sflag:s12], $0x400  }
0x75: {  	[sflag:s12] =	ssyncset.done $0x0  }
0x76: {  	s8 =	sadd.s32 $0xA000, s11;
	[sflag:s12] =	ssyncadd.s32 $0xFFFFFC00  }
0x77: {  	[tilespmem:s14], [sflag:$0x3] =	stream.linear.gather [hbm4b:s8+s2], $0x400, $0x38;
	[tilespmem:$0x1C100] =	vst v63  }
0x78: {  	_ =	swait.ge [sflag:s12], $0x400  }
0x79: {  	[sflag:s12] =	ssyncset.done $0x0  }
0x7a: {  	[sflag:s12] =	ssyncadd.s32 $0xFFFFFC00  }
0x7b: {  	[tilespmem:s16], [sflag:$0x1] =	stream.indirect.gather [hbm4b:s3+s15], $0x80, s2, s15, $0xb8;
	[tilespmem:$0x1C100] =	vst v63  }
0x7c: {  	_ =	swait.ge [sflag:s17], $0x4000  }
0x7d: {  	[sflag:s17] =	ssyncset.done $0x0  }
0x7e: {  	[sflag:s17] =	ssyncadd.s32 $0xFFFFC000  }
0x7f: {  	[tilespmem:s18], [sflag:$0x2] =	stream.indirect.gather [hbm4b:s3+s15], $0x80, s15, s15, $0xb8;
	[tilespmem:$0x1C100] =	vst v63  }
0x80: {  	_ = 	snop  }
0x81: {  	[spmem:s1] =	stream.indirect.scatter.add.f32 [tilespmem:s16], [sflag:$0x3], $0x80, s14, s15, $0xb8;
	[tilespmem:$0x1C100] =	vst v63  }
0x82: {  	_ =	swait.ge [sflag:s12], $0x4000  }
0x83: {  	[sflag:s12] =	ssyncset.done $0x0  }
0x84: {  	[sflag:s12] =	ssyncadd.s32 $0xFFFFC000  }
0x85: {  	_ =	swait.ge [sflag:s19], $0x4000  }
0x86: {  	[sflag:s19] =	ssyncset.done $0x0  }
0x87: {  	[sflag:s19] =	ssyncadd.s32 $0xFFFFC000  }
0x88: {  	[tilespmem:s16], [sflag:$0x1] =	stream.indirect.gather [hbm4b:s3+s15], $0x80, s20, s15, $0xb8;
	[tilespmem:$0x1C100] =	vst v63  }
0x89: {  	_ = 	snop  }
0x8a: {  	[spmem:s1] =	stream.indirect.scatter.add.f32 [tilespmem:s18], [sflag:$0x3], $0x80, s21, s15, $0xb8;
	[tilespmem:$0x1C100] =	vst v63  }
0x8b: {  	_ =	swait.ge [sflag:s12], $0x4000  }
0x8c: {  	[sflag:s12] =	ssyncset.done $0x0  }
0x8d: {  	[sflag:s12] =	ssyncadd.s32 $0xFFFFC000  }
0x8e: {  	_ =	swait.ge [sflag:s17], $0x4000  }
0x8f: {  	[sflag:s17] =	ssyncset.done $0x0  }
0x90: {  	[sflag:s17] =	ssyncadd.s32 $0xFFFFC000  }
0x91: {  	[tilespmem:s18], [sflag:$0x2] =	stream.indirect.gather [hbm4b:s3+s15], $0x80, s22, s15, $0xb8;
	[tilespmem:$0x1C100] =	vst v63  }
0x92: {  	_ = 	snop  }
0x93: {  	[spmem:s1] =	stream.indirect.scatter.add.f32 [tilespmem:s16], [sflag:$0x3], $0x80, s23, s15, $0xb8;
	[tilespmem:$0x1C100] =	vst v63  }
0x94: {  	_ =	swait.ge [sflag:s12], $0x4000  }
0x95: {  	[sflag:s12] =	ssyncset.done $0x0  }
0x96: {  	[sflag:s12] =	ssyncadd.s32 $0xFFFFC000  }
0x97: {  	_ =	swait.ge [sflag:s19], $0x4000  }
0x98: {  	[sflag:s19] =	ssyncset.done $0x0  }
0x99: {  	[sflag:s19] =	ssyncadd.s32 $0xFFFFC000  }
0x9a: {  	[tilespmem:s16], [sflag:$0x1] =	stream.indirect.gather [hbm4b:s3+s15], $0x80, s24, s15, $0xb8;
	[tilespmem:$0x1C100] =	vst v63  }
0x9b: {  	_ = 	snop  }
0x9c: {  	[spmem:s1] =	stream.indirect.scatter.add.f32 [tilespmem:s18], [sflag:$0x3], $0x80, s25, s15, $0xb8;
	[tilespmem:$0x1C100] =	vst v63  }
0x9d: {  	_ =	swait.ge [sflag:s12], $0x4000  }
0x9e: {  	[sflag:s12] =	ssyncset.done $0x0  }
0x9f: {  	[sflag:s12] =	ssyncadd.s32 $0xFFFFC000  }
0xa0: {  	_ =	swait.ge [sflag:s17], $0x4000  }
0xa1: {  	[sflag:s17] =	ssyncset.done $0x0  }
0xa2: {  	[sflag:s17] =	ssyncadd.s32 $0xFFFFC000  }
0xa3: {  	[tilespmem:s18], [sflag:$0x2] =	stream.indirect.gather [hbm4b:s3+s15], $0x80, s26, s15, $0xb8;
	[tilespmem:$0x1C100] =	vst v63  }
0xa4: {  	_ = 	snop  }
0xa5: {  	[spmem:s1] =	stream.indirect.scatter.add.f32 [tilespmem:s16], [sflag:$0x3], $0x80, s28, s15, $0xb8;
	[tilespmem:$0x1C100] =	vst v63  }
0xa6: {  	_ =	swait.ge [sflag:s12], $0x4000  }
0xa7: {  	[sflag:s12] =	ssyncset.done $0x0  }
0xa8: {  	[sflag:s12] =	ssyncadd.s32 $0xFFFFC000  }
0xa9: {  	_ =	swait.ge [sflag:s19], $0x4000  }
0xaa: {  	[sflag:s19] =	ssyncset.done $0x0  }
0xab: {  	[sflag:s19] =	ssyncadd.s32 $0xFFFFC000  }
0xac: {  	[tilespmem:s16], [sflag:$0x1] =	stream.indirect.gather [hbm4b:s3+s15], $0x80, s29, s15, $0xb8;
	[tilespmem:$0x1C100] =	vst v63  }
0xad: {  	_ = 	snop  }
0xae: {  	[spmem:s1] =	stream.indirect.scatter.add.f32 [tilespmem:s18], [sflag:$0x3], $0x80, s30, s15, $0xb8;
	[tilespmem:$0x1C100] =	vst v63  }
0xaf: {  	_ =	swait.ge [sflag:s12], $0x4000  }
0xb0: {  	[sflag:s12] =	ssyncset.done $0x0  }
0xb1: {  	[sflag:s12] =	ssyncadd.s32 $0xFFFFC000  }
0xb2: {  	_ =	swait.ge [sflag:s17], $0x4000  }
0xb3: {  	[sflag:s17] =	ssyncset.done $0x0  }
0xb4: {  	[sflag:s17] =	ssyncadd.s32 $0xFFFFC000  }
0xb5: {  	[tilespmem:s18], [sflag:$0x2] =	stream.indirect.gather [hbm4b:s3+s15], $0x80, s31, s15, $0xb8;
	[tilespmem:$0x1C100] =	vst v63  }
0xb6: {  	_ = 	snop  }
0xb7: {  	[spmem:s1] =	stream.indirect.scatter.add.f32 [tilespmem:s16], [sflag:$0x3], $0x80, s0, s15, $0xb8;
	[tilespmem:$0x1C100] =	vst v63  }
0xb8: {  	_ =	swait.ge [sflag:s12], $0x4000  }
0xb9: {  	[sflag:s12] =	ssyncset.done $0x0  }
0xba: {  	[sflag:s12] =	ssyncadd.s32 $0xFFFFC000  }
0xbb: {  	_ =	swait.ge [sflag:s19], $0x4000  }
.Ltmp0:
0xbc: {  	[sflag:s19] =	ssyncset.done $0x0;
	(pc) =	sbr.rel @p1 .LBB2_2-.Ltmp0, $4  }
0xbd: {  	[sflag:s19] =	ssyncadd.s32 $0xFFFFC000  }
0xbe: {  	[spmem:s1] =	stream.indirect.scatter.add.f32 [tilespmem:s18], [sflag:$0x3], $0x80, s4, s15, $0xb8;
	[tilespmem:$0x1C100] =	vst v63  }
0xbf: {  	_ =	swait.ge [sflag:s12], $0x4000  }
0xc0: {  	s8 =	smov.u32 s9;
	[sflag:s12] =	ssyncset.done $0x0  }
0xc1: {  	s7 =	sadd.s32 s7, s10;
	[sflag:s12] =	ssyncadd.s32 $0xFFFFC000  }
0xc2: {  	[tilespmem:s2], [sflag:$0x3] =	stream.linear.gather [hbm4b:s7+s2], $0x400, $0x38;
	[tilespmem:$0x1C100] =	vst v63  }
0xc3: {  	_ =	swait.ge [sflag:s12], $0x400  }
0xc4: {  	[sflag:s12] =	ssyncset.done $0x0  }
0xc5: {  	s7 =	sadd.s32 $0xA000, s7;
	[sflag:s12] =	ssyncadd.s32 $0xFFFFFC00  }
0xc6: {  	[tilespmem:s14], [sflag:$0x3] =	stream.linear.gather [hbm4b:s7+s2], $0x400, $0x38;
	[tilespmem:$0x1C100] =	vst v63  }
0xc7: {  	_ =	swait.ge [sflag:s12], $0x400  }
0xc8: {  	[sflag:s12] =	ssyncset.done $0x0  }
0xc9: {  	[sflag:s12] =	ssyncadd.s32 $0xFFFFFC00  }
0xca: {  	[tilespmem:s16], [sflag:$0x1] =	stream.indirect.gather [hbm4b:s3+s15], $0x80, s2, s15, $0xb8;
	[tilespmem:$0x1C100] =	vst v63  }
0xcb: {  	_ =	swait.ge [sflag:s17], $0x4000  }
0xcc: {  	[sflag:s17] =	ssyncset.done $0x0  }
0xcd: {  	[sflag:s17] =	ssyncadd.s32 $0xFFFFC000  }
0xce: {  	[tilespmem:s18], [sflag:$0x2] =	stream.indirect.gather [hbm4b:s3+s15], $0x80, s15, s15, $0xb8;
	[tilespmem:$0x1C100] =	vst v63  }
0xcf: {  	_ = 	snop  }
0xd0: {  	[spmem:s1] =	stream.indirect.scatter.add.f32 [tilespmem:s16], [sflag:$0x3], $0x80, s14, s15, $0xb8;
	[tilespmem:$0x1C100] =	vst v63  }
0xd1: {  	_ =	swait.ge [sflag:s12], $0x4000  }
0xd2: {  	[sflag:s12] =	ssyncset.done $0x0  }
0xd3: {  	[sflag:s12] =	ssyncadd.s32 $0xFFFFC000  }
0xd4: {  	_ =	swait.ge [sflag:s19], $0x4000  }
0xd5: {  	[sflag:s19] =	ssyncset.done $0x0  }
0xd6: {  	[sflag:s19] =	ssyncadd.s32 $0xFFFFC000  }
0xd7: {  	[tilespmem:s16], [sflag:$0x1] =	stream.indirect.gather [hbm4b:s3+s15], $0x80, s20, s15, $0xb8;
	[tilespmem:$0x1C100] =	vst v63  }
0xd8: {  	_ = 	snop  }
0xd9: {  	[spmem:s1] =	stream.indirect.scatter.add.f32 [tilespmem:s18], [sflag:$0x3], $0x80, s21, s15, $0xb8;
	[tilespmem:$0x1C100] =	vst v63  }
0xda: {  	_ =	swait.ge [sflag:s12], $0x4000  }
0xdb: {  	[sflag:s12] =	ssyncset.done $0x0  }
0xdc: {  	[sflag:s12] =	ssyncadd.s32 $0xFFFFC000  }
0xdd: {  	_ =	swait.ge [sflag:s17], $0x4000  }
0xde: {  	[sflag:s17] =	ssyncset.done $0x0  }
0xdf: {  	[sflag:s17] =	ssyncadd.s32 $0xFFFFC000  }
0xe0: {  	[tilespmem:s18], [sflag:$0x2] =	stream.indirect.gather [hbm4b:s3+s15], $0x80, s22, s15, $0xb8;
	[tilespmem:$0x1C100] =	vst v63  }
0xe1: {  	_ = 	snop  }
0xe2: {  	[spmem:s1] =	stream.indirect.scatter.add.f32 [tilespmem:s16], [sflag:$0x3], $0x80, s23, s15, $0xb8;
	[tilespmem:$0x1C100] =	vst v63  }
0xe3: {  	_ =	swait.ge [sflag:s12], $0x4000  }
0xe4: {  	[sflag:s12] =	ssyncset.done $0x0  }
0xe5: {  	[sflag:s12] =	ssyncadd.s32 $0xFFFFC000  }
0xe6: {  	_ =	swait.ge [sflag:s19], $0x4000  }
0xe7: {  	[sflag:s19] =	ssyncset.done $0x0  }
0xe8: {  	[sflag:s19] =	ssyncadd.s32 $0xFFFFC000  }
0xe9: {  	[tilespmem:s16], [sflag:$0x1] =	stream.indirect.gather [hbm4b:s3+s15], $0x80, s24, s15, $0xb8;
	[tilespmem:$0x1C100] =	vst v63  }
0xea: {  	_ = 	snop  }
0xeb: {  	[spmem:s1] =	stream.indirect.scatter.add.f32 [tilespmem:s18], [sflag:$0x3], $0x80, s25, s15, $0xb8;
	[tilespmem:$0x1C100] =	vst v63  }
0xec: {  	_ =	swait.ge [sflag:s12], $0x4000  }
0xed: {  	[sflag:s12] =	ssyncset.done $0x0  }
0xee: {  	[sflag:s12] =	ssyncadd.s32 $0xFFFFC000  }
0xef: {  	_ =	swait.ge [sflag:s17], $0x4000  }
0xf0: {  	[sflag:s17] =	ssyncset.done $0x0  }
0xf1: {  	[sflag:s17] =	ssyncadd.s32 $0xFFFFC000  }
0xf2: {  	[tilespmem:s18], [sflag:$0x2] =	stream.indirect.gather [hbm4b:s3+s15], $0x80, s26, s15, $0xb8;
	[tilespmem:$0x1C100] =	vst v63  }
0xf3: {  	_ = 	snop  }
0xf4: {  	[spmem:s1] =	stream.indirect.scatter.add.f32 [tilespmem:s16], [sflag:$0x3], $0x80, s28, s15, $0xb8;
	[tilespmem:$0x1C100] =	vst v63  }
0xf5: {  	_ =	swait.ge [sflag:s12], $0x4000  }
0xf6: {  	[sflag:s12] =	ssyncset.done $0x0  }
0xf7: {  	[sflag:s12] =	ssyncadd.s32 $0xFFFFC000  }
0xf8: {  	_ =	swait.ge [sflag:s19], $0x4000  }
0xf9: {  	[sflag:s19] =	ssyncset.done $0x0  }
0xfa: {  	[sflag:s19] =	ssyncadd.s32 $0xFFFFC000  }
0xfb: {  	[tilespmem:s16], [sflag:$0x1] =	stream.indirect.gather [hbm4b:s3+s15], $0x80, s29, s15, $0xb8;
	[tilespmem:$0x1C100] =	vst v63  }
0xfc: {  	_ = 	snop  }
0xfd: {  	[spmem:s1] =	stream.indirect.scatter.add.f32 [tilespmem:s18], [sflag:$0x3], $0x80, s30, s15, $0xb8;
	[tilespmem:$0x1C100] =	vst v63  }
0xfe: {  	_ =	swait.ge [sflag:s12], $0x4000  }
0xff: {  	[sflag:s12] =	ssyncset.done $0x0  }
0x100: {  	[sflag:s12] =	ssyncadd.s32 $0xFFFFC000  }
0x101: {  	_ =	swait.ge [sflag:s17], $0x4000  }
0x102: {  	[sflag:s17] =	ssyncset.done $0x0  }
0x103: {  	[sflag:s17] =	ssyncadd.s32 $0xFFFFC000  }
0x104: {  	[tilespmem:s18], [sflag:$0x2] =	stream.indirect.gather [hbm4b:s3+s15], $0x80, s31, s15, $0xb8;
	[tilespmem:$0x1C100] =	vst v63  }
0x105: {  	_ = 	snop  }
0x106: {  	[spmem:s1] =	stream.indirect.scatter.add.f32 [tilespmem:s16], [sflag:$0x3], $0x80, s0, s15, $0xb8;
	[tilespmem:$0x1C100] =	vst v63  }
0x107: {  	_ =	swait.ge [sflag:s12], $0x4000  }
0x108: {  	[sflag:s12] =	ssyncset.done $0x0  }
0x109: {  	[sflag:s12] =	ssyncadd.s32 $0xFFFFC000  }
0x10a: {  	_ =	swait.ge [sflag:s19], $0x4000  }
0x10b: {  	[sflag:s19] =	ssyncset.done $0x0  }
0x10c: {  	[sflag:s19] =	ssyncadd.s32 $0xFFFFC000  }
0x10d: {  	[spmem:s1] =	stream.indirect.scatter.add.f32 [tilespmem:s18], [sflag:$0x3], $0x80, s4, s15, $0xb8;
	[tilespmem:$0x1C100] =	vst v63  }
0x10e: {  	_ =	swait.ge [sflag:s12], $0x4000  }
0x10f: {  	[sflag:s12] =	ssyncset.done $0x0  }
0x110: {  	[sflag:s12] =	ssyncadd.s32 $0xFFFFC000  }
0x111: {  	[bflag:$0x0] =	sbarrier.arrive $0xFFFF  }
0x112: {  	s11 =	rddreg [dreg:$0x5]  }
0x113: {  	[hbm:s11], [sflag:s5] =	dma.local [spmem:s13], $0x2700  }
0x114: {  	_ =	swait.ge [sflag:s12], $0x2700  }
0x115: {  	[sflag:s12] =	ssyncset.done $0x0;
	s7 =	rddreg [dreg:$0x6]  }
0x116: {  	s11 =	rddreg [dreg:$0x8];
	[sflag:s12] =	ssyncadd.s32 $0xFFFFD900  }
0x117: {  	[hbm:s7], [sflag:s5] =	dma.local @!p0 [spmem:s11], $0x100  }
0x118: {  	s7 =	simm.s32 @!p0 $0x3  }
0x119: {  	_ =	swait.ge @!p0 [sflag:s7], $0x100  }
0x11a: {  	s6 =	sadd.s32 $0x1, s6;
	s8 =	rddreg [dreg:$0x7]  }
0x11b: {  	p1 =	sne.s32 s6, s8  }
.Ltmp1:
0x11c: {  	_ = 	snop;
	(pc) =	sbr.rel @p1 .LBB2_1-.Ltmp1, $3  }
0x11d: {  	_ =	sdelay $0x1  }
0x11e: {  	[sflag:s7] =	ssyncset.done @!p0 $0x0  }
0x11f: {  	s9 =	smov.u32 s13;
	[sflag:s7] =	ssyncadd.s32 @!p0 $0xFFFFFF00  }
0x120: {  	_ =	sfence.sel $0x180000  }
0x121: {  	[bflag:$0x0] =	sbarrier.arrive $0xFFFF  }
0x122: {  	_ =	strace $0x9000004A  }
0x123: {  	[bflag:$0x2] =	sbarrier.arrive $0xFFFF  }
0x124: {  	s0 =	rddreg [dreg:$0x2]  }
0x125: {  	s0 =	sadd.s32 @!p0 $0x100000, s0  }
0x126: {  	[sflag:s0] =	ssyncadd.tile.s32 @!p0 $0x1;
	_ =	shalt  }
.Lfunc_end2:
_tile_overlayer_lowered:
.L_overlay_start_2:
0x127: {  	(tag) =	ssettag $0x2  }
0x128: {  	s0 =	rddreg [dreg:$0x0];
	s2 =	stileid.u32  }
0x129: {  	s1 =	rddreg [dreg:$0x1];
	p0 =	sne.s32 s2, $0x0  }
0x12a: {  	s3 =	rddreg [dreg:$0x2];
	[bflag:$0x3] =	sbarrier.arrive $0xFFFF;
	s2 =	simm.s32 @!p0 $0x1C03  }
0x12b: {  	[timem:s3], [sflag:s2] =	dma.local @!p0 [hbm:s0], s1  }
0x12c: {  	s0 =	simm.s32 @!p0 $0x3  }
0x12d: {  	_ =	swait.ge @!p0 [sflag:s0], s1  }
0x12e: {  	s1 =	ssub.s32 @!p0 $0x0, s1;
	[sflag:s0] =	ssyncset.done @!p0 $0x0  }
0x12f: {  	[sflag:s0] =	ssyncadd.s32 @!p0 s1  }
0x130: {  	[bflag:$0x3] =	sbarrier.arrive $0xFFFF  }
0x131: {  	_ =	shalt  }

// kernel: kernel.17.cloned.1.call-start
scs
__scs_entry_jumppad:
0x0: {  	(pc) =	sbr.rel $0x88, $3  }
0x1: {  	(tag) =	ssettag $0x0;
	lr =	simm.s32 $0x1  }
0x2: {  	[smem:$0x3F8C] =	sst lr;
	_ =	strace $0xD0000000  }
0x3: {  	_ = 	snop  }
0x4: {  	_ = 	snop  }
0x5: {  	_ = 	snop  }
0x6: {  	_ = 	snop  }
0x7: {  	_ = 	snop  }
__scs_overlays_trampoline_lowered:
0x8: {  	[smem:$0x3F9B] =	sst s0  }
0x9: {  	[smem:$0x3F9C] =	sst s1  }
0xa: {  	[smem:$0x3F9D] =	sst s2  }
0xb: {  	[smem:$0x3F9E] =	sst s3  }
0xc: {  	[smem:$0x3F9F] =	sst s4  }
0xd: {  	[smem:$0x3FA0] =	sst s5  }
0xe: {  	[smem:$0x3FA1] =	sst s6  }
0xf: {  	[smem:$0x3FA2] =	sst s7  }
0x10: {  	[smem:$0x3FA3] =	sst s8  }
0x11: {  	[smem:$0x3FA4] =	sst s9;
	s0 =	simm.s32 @!p0 $0x0  }
0x12: {  	s1 =	sld [smem:$0x3F8A];
	s0 =	simm.s32 @p0 $0x1  }
0x13: {  	[smem:$0x3FA5] =	sst s0;
	s0 =	simm.s32 @!p1 $0x0  }
0x14: {  	s2 =	sld [smem:$0x3F89];
	s0 =	simm.s32 @p1 $0x1  }
0x15: {  	[smem:$0x3FA6] =	sst s0;
	s0 =	simm.s32 @!p2 $0x0  }
0x16: {  	s3 =	sld [smem:$0x3FDB];
	s0 =	simm.s32 @p2 $0x1  }
0x17: {  	s4 =	simm.s32 $0x1BF5;
	[smem:$0x3FA8] =	sst s0  }
0x18: {  	s0 =	sld [smem:$0x3F8B];
	_ =	swait.ge [sflag:s4], $0x0  }
0x19: {  	s7 =	sld [smem:$0x3F8C]  }
0x1a: {  	s8 =	sadd.s32 $0xFFFFE003, lr  }
0x1b: {  	s9 =	sadd.s32 $0xFFFFFEF7, lr;
	s5 =	simm.s32 $0xFFFFFFFF;
	p2 =	slt.u32 s8, $0xFFFFF086  }
0x1c: {  	p1 =	slt.u32 s9, $0xF7A;
	s5 =	simm.s32 @!p2 $0x0  }
0x1d: {  	s5 =	simm.s32 @p1 $0x1;
	p0 =	seq.s32 s7, s2  }
0x1e: {  	s7 =	smul.u32 @!p0 $0xF7A, s2;
	p2 =	seq.s32 @!p0 s5, $0x0  }
0x1f: {  	s9 =	smul.u32 $0xF7A, s1;
	s8 =	simm.s32 @!p0 $0x1BF5;
	p2 =	por !p2, p0  }
0x20: {  	[sflag:s8] =	ssyncset.s32 @!p0 $0xFFFFF086;
	s6 =	sadd.s32 @!p0 s3, s7;
	s7 =	simm.s32 @!p0 $0x108  }
0x21: {  	s3 =	sadd.s32 s3, s9;
	s6 =	sadd.s32 @!p0 $0x88, s6;
	s7 =	simm.s32 @p2 $0x1082  }
0x22: {  	[simem:s7], [sflag:s8] =	dma.local @!p0 [hbm:s6], $0xF7A  }
0x23: {  	s9 =	sor.u32 $0xD0000000, s2;
	s6 =	simm.s32 $0x108;
	_ =	swait.ge @!p0 [sflag:s8], $0x0  }
0x24: {  	s3 =	sadd.s32 $0x88, s3;
	s6 =	simm.s32 @!p1 $0x1082;
	[sflag:s4] =	ssyncset.s32 $0xFFFFF086  }
0x25: {  	[simem:s6], [sflag:s4] =	dma.local [hbm:s3], $0xF7A  }
0x26: {  	[smem:$0x3F8C] =	sst s1;
	(tag) =	ssettag s2;
	_ =	strace s9  }
0x27: {  	s1 =	sld [smem:$0x3F9C]  }
0x28: {  	s2 =	sld [smem:$0x3F9D]  }
0x29: {  	s4 =	sld [smem:$0x3F9F]  }
0x2a: {  	p0 =	seq.s32 s5, $0x0;
	s5 =	sld [smem:$0x3FA0]  }
0x2b: {  	s6 =	sld [smem:$0x3FA1]  }
0x2c: {  	s7 =	sld [smem:$0x3FA2]  }
0x2d: {  	s3 =	simm.s32 $0x108;
	s8 =	sld [smem:$0x3FA3]  }
0x2e: {  	s3 =	simm.s32 @!p0 $0x1082;
	s9 =	sld [smem:$0x3FA4]  }
0x2f: {  	lr =	sadd.s32 s0, s3;
	s0 =	sld [smem:$0x3F9B]  }
0x30: {  	s3 =	sld [smem:$0x3F9E]  }
0x31: {  	[smem:$0x3FA7] =	sst s10  }
0x32: {  	s10 =	sld [smem:$0x3FA5];
	_ =	sdelay $0x3  }
0x33: {  	p0 =	seq.s32 s10, $0x1;
	s10 =	sld [smem:$0x3FA7];
	_ =	sdelay $0x3  }
0x34: {  	[smem:$0x3FA7] =	sst s10  }
0x35: {  	s10 =	sld [smem:$0x3FA6];
	_ =	sdelay $0x3  }
0x36: {  	p1 =	seq.s32 s10, $0x1;
	s10 =	sld [smem:$0x3FA7];
	_ =	sdelay $0x3  }
0x37: {  	[smem:$0x3FA7] =	sst s10  }
0x38: {  	s10 =	sld [smem:$0x3FA8]  }
0x39: {  	_ = 	snop;
	(pc) =	sbr.ind lr, $3  }
0x3a: {  	_ = 	snop  }
0x3b: {  	_ = 	snop  }
0x3c: {  	p2 =	seq.s32 s10, $0x1;
	s10 =	sld [smem:$0x3FA7]  }
0x3d: {  	_ =	shalt  }
0x3e: {  	_ =	shalt  }
0x3f: {  	_ =	shalt  }
0x40: {  	_ =	shalt  }
0x41: {  	_ =	shalt  }
0x42: {  	_ =	shalt  }
0x43: {  	_ =	shalt  }
0x44: {  	_ =	shalt  }
0x45: {  	_ =	shalt  }
0x46: {  	_ =	shalt  }
0x47: {  	_ =	shalt  }
0x48: {  	_ =	shalt  }
0x49: {  	_ =	shalt  }
0x4a: {  	_ =	shalt  }
0x4b: {  	_ =	shalt  }
0x4c: {  	_ =	shalt  }
0x4d: {  	_ =	shalt  }
0x4e: {  	_ =	shalt  }
0x4f: {  	_ =	shalt  }
0x50: {  	_ =	shalt  }
0x51: {  	_ =	shalt  }
0x52: {  	_ =	shalt  }
0x53: {  	_ =	shalt  }
0x54: {  	_ =	shalt  }
0x55: {  	_ =	shalt  }
0x56: {  	_ =	shalt  }
0x57: {  	_ =	shalt  }
0x58: {  	_ =	shalt  }
0x59: {  	_ =	shalt  }
0x5a: {  	_ =	shalt  }
0x5b: {  	_ =	shalt  }
0x5c: {  	_ =	shalt  }
0x5d: {  	_ =	shalt  }
0x5e: {  	_ =	shalt  }
0x5f: {  	_ =	shalt  }
0x60: {  	_ =	shalt  }
0x61: {  	_ =	shalt  }
0x62: {  	_ =	shalt  }
0x63: {  	_ =	shalt  }
0x64: {  	_ =	shalt  }
0x65: {  	_ =	shalt  }
0x66: {  	_ =	shalt  }
0x67: {  	_ =	shalt  }
0x68: {  	_ =	shalt  }
0x69: {  	_ =	shalt  }
0x6a: {  	_ =	shalt  }
0x6b: {  	_ =	shalt  }
0x6c: {  	_ =	shalt  }
0x6d: {  	_ =	shalt  }
0x6e: {  	_ =	shalt  }
0x6f: {  	_ =	shalt  }
0x70: {  	_ =	shalt  }
0x71: {  	_ =	shalt  }
0x72: {  	_ =	shalt  }
0x73: {  	_ =	shalt  }
0x74: {  	_ =	shalt  }
0x75: {  	_ =	shalt  }
0x76: {  	_ =	shalt  }
0x77: {  	_ =	shalt  }
0x78: {  	_ =	shalt  }
0x79: {  	_ =	shalt  }
0x7a: {  	_ =	shalt  }
0x7b: {  	_ =	shalt  }
0x7c: {  	_ =	shalt  }
0x7d: {  	_ =	shalt  }
0x7e: {  	_ =	shalt  }
0x7f: {  	_ =	shalt  }
0x80: {  	_ =	shalt  }
0x81: {  	_ =	shalt  }
0x82: {  	_ =	shalt  }
0x83: {  	_ =	shalt  }
0x84: {  	_ =	shalt  }
0x85: {  	_ =	shalt  }
0x86: {  	_ =	shalt  }
0x87: {  	_ =	shalt  }
.Lfunc_end0:
.L_simem_size_0:
called_computation.2_lowered:
.L_overlay_start_0:
0x88: {  	s2 =	sld [smem:$0x3FD9]  }
0x89: {  	s3 =	sld [smem:$0x3FFE];
	_ =	sdelay $0x1  }
0x8a: {  	s1 =	srdreg.scid  }
0x8b: {  	s0 =	sand.u32 $0x1, s1  }
0x8c: {  	s16 =	sshll.u32 s0, $0xA;
	s2 =	sadd.s32 s3, s2  }
0x8d: {  	s2 =	sadd.s32 s2, s16  }
0x8e: {  	[smem:$0x3FB3] =	sst s2  }
0x8f: {  	_ = 	snop  }
0x90: {  	(tm) =	ssettm $0x1  }
0x91: {  	s17 =	sld [smem:$0x3FFB];
	_ =	sdelay $0x3  }
0x92: {  	_ =	strace s17  }
0x93: {  	s2 =	sld [smem:$0x3FFC];
	_ =	sdelay $0x3  }
0x94: {  	_ =	strace s2  }
0x95: {  	s2 =	sld [smem:$0x3FFD];
	_ =	sdelay $0x3  }
0x96: {  	_ =	strace s2  }
0x97: {  	_ =	strace $0x8FFFFFFF  }
0x98: {  	s18 =	sld [smem:$0x3FDB];
	_ =	sdelay $0x1  }
0x99: {  	s19 =	simm.s32 $_scs_section_size  }
0x9a: {  	s4 =	simm.s32 $_size__tile_overlayer_lowered;
	s5 =	simm.s32 $_tile_overlayer_lowered  }
0x9b: {  	s22 =	simm.s32 $0x1BFF;
	s21 =	sshll.u32 s5, $0x1;
	s2 =	sadd.s32 s19, s18  }
0x9c: {  	s6 =	simm.s32 $0x0;
	s20 =	sshll.u32 s4, $0x1;
	s4 =	sadd.s32 s21, s2  }
0x9d: {  	[timem:s6], [sflag:s22] =	dma.local [hbm:s4], s20  }
0x9e: {  	_ =	swait.ge [sflag:s22], s20  }
0x9f: {  	s3 =	ssub.s32 $0x0, s20;
	[sflag:s22] =	ssyncset.done $0x0  }
0xa0: {  	[sflag:s22] =	ssyncadd.s32 s3;
	_ =	sdelay $0x1  }
0xa1: {  	s23 =	simm.s32 $0x1B8B  }
0xa2: {  	_ =	swait.ge [sflag:s23], $0x1  }
0xa3: {  	[sflag:s23] =	ssyncset.done $0x0  }
0xa4: {  	s25 =	simm.s32 $0x1B8E;
	s24 =	sld [smem:$0x3FFE];
	[sflag:s23] =	ssyncadd.s32 $0xFFFFFFFF  }
0xa5: {  	s26 =	simm.s32 $execute0_lowered;
	[smem:$0x3FD2] =	sst s25  }
0xa6: {  	s4 =	sshll.u32 s26, $0x1;
	_ =	strace $0x8000004C;
	[dreg:$0x1] =	wrdreg $0xFFFFFFFF  }
0xa7: {  	s28 =	simm.s32 $_size_execute0_lowered;
	s2 =	sadd.s32 s2, s4;
	[dreg:$0x0] =	wrdreg $0x0  }
0xa8: {  	s4 =	sshll.u32 s28, $0x1;
	[dreg:$0x2] =	wrdreg s2  }
0xa9: {  	[dreg:$0x3] =	wrdreg s4  }
0xaa: {  	[dreg:$0x4] =	wrdreg $0xC0  }
0xab: {  	_ =	task [dreg:s6], $0x5FFFF  }
0xac: {  	[dreg:$0x1] =	wrdreg $0xFFFFFFFF  }
0xad: {  	[dreg:$0x0] =	wrdreg $0x60  }
0xae: {  	[dreg:$0x2] =	wrdreg s24  }
0xaf: {  	[dreg:$0x3] =	wrdreg $0x88000  }
0xb0: {  	[dreg:$0x4] =	wrdreg $0x9  }
0xb1: {  	_ =	task.clear_ibuf [dreg:s6], $0x5FFFF;
	_ =	strace $0x9000004C  }
0xb2: {  	s29 =	simm.s32 $0x9;
	_ =	strace $0x8000004E  }
0xb3: {  	_ =	swait.ge [sflag:s29], $0x1  }
0xb4: {  	[sflag:s29] =	ssyncadd.s32 $0xFFFFFFFF  }
0xb5: {  	_ =	strace $0x9000004E  }
0xb6: {  	_ =	sfence  }
0xb7: {  	s30 =	sld [smem:$0x0];
	_ =	sdelay $0x2  }
0xb8: {  	s31 =	sshll.u32 s1, $0xD;
	s1 =	sshrl.u32 s1, $0x2  }
0xb9: {  	s3 =	sand.u32 $0x4000, s31;
	s1 =	sadd.s32 s1, s30  }
0xba: {  	s0 =	sor.u32 s3, s0;
	s1 =	sshll.u32 s1, $0x11  }
0xbb: {  	s0 =	sor.u32 s1, s0  }
0xbc: {  	s0 =	sadd.s32 $0x8F2B, s0  }
0xbd: {  	[sflag:s0] =	ssyncadd.remote.s32 $0x1  }
0xbe: {  	_ =	sfence.sel $0xFFFF  }
0xbf: {  	[dreg:$0x0] =	wrdreg $0xFFFFFFFF;
	(pc) =	sbr.abs _section_cstart, $3  }
0xc0: {  	[dreg:$0x1] =	wrdreg $0xFFFFFFFF  }
0xc1: {  	_ =	task.clear_ibuf [dreg:s6], $0x2FFFF;
	_ =	strace $0x9FFFFFFF  }
0xc2: {  	(tm) =	ssettm $0x7FFFFFFF  }
0xc3: {  	_ =	shalt  }
tec
execute0_lowered:
.L_overlay_start_1:
0x0: {  	(tag) =	ssettag $0x1  }
0x1: {  	s0 =	srdreg.scid;
	s4 =	rddreg [dreg:$0x0]  }
0x2: {  	s6 =	stileid.u32;
	s1 =	rddreg [dreg:$0x1]  }
0x3: {  	s2 =	simm.s32 $0x0;
	s14 =	simm.s32 $0x400;
	s15 =	simm.s32 $0x80  }
0x4: {  	s16 =	simm.s32 $0x800;
	s17 =	simm.s32 $0x1;
	s18 =	simm.s32 $0x4800  }
0x5: {  	s19 =	simm.s32 $0x2;
	s20 =	simm.s32 $0x100;
	s21 =	simm.s32 $0x480  }
0x6: {  	s28 =	simm.s32 $0x600;
	s29 =	simm.s32 $0x300;
	s30 =	simm.s32 $0x680  }
0x7: {  	s31 =	simm.s32 $0x380;
	s0 =	sand.u32 $0x1, s0;
	s5 =	smul.u32 $0x50, s6  }
0x8: {  	[smem:$0x7FF] =	sst s2;
	s8 =	smul.u32 $0x4E000, s6;
	s9 =	sadd.s32 $0x3FE00, s4  }
0x9: {  	s11 =	smul.u32 $0x13800, s6;
	s12 =	sshll.u32 s6, $0x6;
	s13 =	sadd.s32 $0x138000, s1  }
0xa: {  	p0 =	sne.s32 s6, $0x0;
	s6 =	simm.s32 $0x0;
	s3 =	smul.u32 $0x500, s0  }
0xb: {  	_ =	strace $0x8000004D;
	s22 =	ssub.s32 $0x2, s0;
	s0 =	smul.u32 $0x138800, s0  }
0xc: {  	s10 =	sshrl.u32 s22, $0x1;
	s23 =	sshrl.u32 s8, $0x2;
	s24 =	sshrl.u32 s11, $0x3  }
0xd: {  	s5 =	sadd.s32 s5, s3;
	s3 =	sadd.s32 $0x18C00, s4;
	s10 =	ssub.s32 s22, s10  }
0xe: {  	s8 =	sadd.s32 s23, s1;
	s11 =	sadd.s32 s11, s0;
	s0 =	sshrl.u32 s0, $0x3  }
0xf: {  	s22 =	simm.s32 $0x180;
	s23 =	simm.s32 $0x500;
	s5 =	sshll.u32 s5, $0x4  }
0x10: {  	s11 =	sshrl.u32 s11, $0x3;
	s0 =	sadd.s32 s9, s0;
	s26 =	smax.u32 s10, $0x1  }
0x11: {  	s7 =	sadd.s32 s5, s4;
	s5 =	sadd.s32 s3, s24;
	[dreg:$0x7] =	wrdreg s26  }
0x12: {  	s4 =	sadd.s32 $0x3FC00, s4;
	s25 =	sadd.s32 s9, s11;
	[dreg:$0x3] =	wrdreg s5  }
0x13: {  	s0 =	sadd.s32 $0x27000, s0;
	s9 =	sshrl.u32 s8, $0x3;
	[dreg:$0x4] =	wrdreg s4  }
0x14: {  	s11 =	sshrl.u32 @!p0 s13, $0x3;
	s24 =	simm.s32 $0x200;
	[dreg:$0x5] =	wrdreg s25  }
0x15: {  	s26 =	simm.s32 $0x280;
	s5 =	sor.u32 $0x1C03, s12;
	[dreg:$0x6] =	wrdreg s0  }
0x16: {  	s10 =	sadd.s32 $0x4C00, s7;
	s12 =	simm.s32 $0x3;
	s25 =	simm.s32 $0x580  }
0x17: {  	s0 =	simm.s32 $0x700;
	s4 =	simm.s32 $0x780;
	[dreg:$0x8] =	wrdreg s11  }
.LBB2_1:
0x18: {  	s7 =	rddreg [dreg:$0x3]  }
0x19: {  	[spmem:s9], [sflag:s5] =	dma.local [hbm:s7], $0x2700  }
0x1a: {  	_ =	swait.ge [sflag:s12], $0x2700  }
0x1b: {  	[sflag:s12] =	ssyncset.done $0x0  }
0x1c: {  	s7 =	rddreg [dreg:$0x4];
	[sflag:s12] =	ssyncadd.s32 $0xFFFFD900  }
0x1d: {  	[spmem:s11], [sflag:s5] =	dma.local @!p0 [hbm:s7], $0x100  }
0x1e: {  	s7 =	simm.s32 @!p0 $0x3  }
0x1f: {  	_ =	swait.ge @!p0 [sflag:s7], $0x100  }
0x20: {  	[sflag:s7] =	ssyncset.done @!p0 $0x0  }
0x21: {  	[sflag:s7] =	ssyncadd.s32 @!p0 $0xFFFFFF00  }
0x22: {  	s11 =	sadd.s32 $0x0, s10;
	[bflag:$0x0] =	sbarrier.arrive $0xFFFF  }
0x23: {  	[tilespmem:s2], [sflag:$0x3] =	stream.linear.gather [hbm4b:s11+s2], $0x400, $0x38;
	[tilespmem:$0x1C100] =	vst v63  }
0x24: {  	_ =	swait.ge [sflag:s12], $0x400  }
0x25: {  	[sflag:s12] =	ssyncset.done $0x0  }
0x26: {  	s7 =	sadd.s32 $0xA000, s11;
	[sflag:s12] =	ssyncadd.s32 $0xFFFFFC00  }
0x27: {  	[tilespmem:s14], [sflag:$0x3] =	stream.linear.gather [hbm4b:s7+s2], $0x400, $0x38;
	[tilespmem:$0x1C100] =	vst v63  }
0x28: {  	_ =	swait.ge [sflag:s12], $0x400  }
0x29: {  	[sflag:s12] =	ssyncset.done $0x0  }
0x2a: {  	[sflag:s12] =	ssyncadd.s32 $0xFFFFFC00  }
0x2b: {  	[tilespmem:s16], [sflag:$0x1] =	stream.indirect.gather [hbm4b:s3+s15], $0x80, s2, s15, $0xb8;
	[tilespmem:$0x1C100] =	vst v63  }
0x2c: {  	_ =	swait.ge [sflag:s17], $0x4000  }
0x2d: {  	[sflag:s17] =	ssyncset.done $0x0  }
0x2e: {  	[sflag:s17] =	ssyncadd.s32 $0xFFFFC000  }
0x2f: {  	[tilespmem:s18], [sflag:$0x2] =	stream.indirect.gather [hbm4b:s3+s15], $0x80, s15, s15, $0xb8;
	[tilespmem:$0x1C100] =	vst v63  }
0x30: {  	_ = 	snop  }
0x31: {  	[spmem:s1] =	stream.indirect.scatter.add.f32 [tilespmem:s16], [sflag:$0x3], $0x80, s14, s15, $0xb8;
	[tilespmem:$0x1C100] =	vst v63  }
0x32: {  	_ =	swait.ge [sflag:s12], $0x4000  }
0x33: {  	[sflag:s12] =	ssyncset.done $0x0  }
0x34: {  	[sflag:s12] =	ssyncadd.s32 $0xFFFFC000  }
0x35: {  	_ =	swait.ge [sflag:s19], $0x4000  }
0x36: {  	[sflag:s19] =	ssyncset.done $0x0  }
0x37: {  	[sflag:s19] =	ssyncadd.s32 $0xFFFFC000  }
0x38: {  	[tilespmem:s16], [sflag:$0x1] =	stream.indirect.gather [hbm4b:s3+s15], $0x80, s20, s15, $0xb8;
	[tilespmem:$0x1C100] =	vst v63  }
0x39: {  	_ = 	snop  }
0x3a: {  	[spmem:s1] =	stream.indirect.scatter.add.f32 [tilespmem:s18], [sflag:$0x3], $0x80, s21, s15, $0xb8;
	[tilespmem:$0x1C100] =	vst v63  }
0x3b: {  	_ =	swait.ge [sflag:s12], $0x4000  }
0x3c: {  	[sflag:s12] =	ssyncset.done $0x0  }
0x3d: {  	[sflag:s12] =	ssyncadd.s32 $0xFFFFC000  }
0x3e: {  	_ =	swait.ge [sflag:s17], $0x4000  }
0x3f: {  	[sflag:s17] =	ssyncset.done $0x0  }
0x40: {  	[sflag:s17] =	ssyncadd.s32 $0xFFFFC000  }
0x41: {  	[tilespmem:s18], [sflag:$0x2] =	stream.indirect.gather [hbm4b:s3+s15], $0x80, s22, s15, $0xb8;
	[tilespmem:$0x1C100] =	vst v63  }
0x42: {  	_ = 	snop  }
0x43: {  	[spmem:s1] =	stream.indirect.scatter.add.f32 [tilespmem:s16], [sflag:$0x3], $0x80, s23, s15, $0xb8;
	[tilespmem:$0x1C100] =	vst v63  }
0x44: {  	_ =	swait.ge [sflag:s12], $0x4000  }
0x45: {  	[sflag:s12] =	ssyncset.done $0x0  }
0x46: {  	[sflag:s12] =	ssyncadd.s32 $0xFFFFC000  }
0x47: {  	_ =	swait.ge [sflag:s19], $0x4000  }
0x48: {  	[sflag:s19] =	ssyncset.done $0x0  }
0x49: {  	[sflag:s19] =	ssyncadd.s32 $0xFFFFC000  }
0x4a: {  	[tilespmem:s16], [sflag:$0x1] =	stream.indirect.gather [hbm4b:s3+s15], $0x80, s24, s15, $0xb8;
	[tilespmem:$0x1C100] =	vst v63  }
0x4b: {  	_ = 	snop  }
0x4c: {  	[spmem:s1] =	stream.indirect.scatter.add.f32 [tilespmem:s18], [sflag:$0x3], $0x80, s25, s15, $0xb8;
	[tilespmem:$0x1C100] =	vst v63  }
0x4d: {  	_ =	swait.ge [sflag:s12], $0x4000  }
0x4e: {  	[sflag:s12] =	ssyncset.done $0x0  }
0x4f: {  	[sflag:s12] =	ssyncadd.s32 $0xFFFFC000  }
0x50: {  	_ =	swait.ge [sflag:s17], $0x4000  }
0x51: {  	[sflag:s17] =	ssyncset.done $0x0  }
0x52: {  	[sflag:s17] =	ssyncadd.s32 $0xFFFFC000  }
0x53: {  	[tilespmem:s18], [sflag:$0x2] =	stream.indirect.gather [hbm4b:s3+s15], $0x80, s26, s15, $0xb8;
	[tilespmem:$0x1C100] =	vst v63  }
0x54: {  	_ = 	snop  }
0x55: {  	[spmem:s1] =	stream.indirect.scatter.add.f32 [tilespmem:s16], [sflag:$0x3], $0x80, s28, s15, $0xb8;
	[tilespmem:$0x1C100] =	vst v63  }
0x56: {  	_ =	swait.ge [sflag:s12], $0x4000  }
0x57: {  	[sflag:s12] =	ssyncset.done $0x0  }
0x58: {  	[sflag:s12] =	ssyncadd.s32 $0xFFFFC000  }
0x59: {  	_ =	swait.ge [sflag:s19], $0x4000  }
0x5a: {  	[sflag:s19] =	ssyncset.done $0x0  }
0x5b: {  	[sflag:s19] =	ssyncadd.s32 $0xFFFFC000  }
0x5c: {  	[tilespmem:s16], [sflag:$0x1] =	stream.indirect.gather [hbm4b:s3+s15], $0x80, s29, s15, $0xb8;
	[tilespmem:$0x1C100] =	vst v63  }
0x5d: {  	_ = 	snop  }
0x5e: {  	[spmem:s1] =	stream.indirect.scatter.add.f32 [tilespmem:s18], [sflag:$0x3], $0x80, s30, s15, $0xb8;
	[tilespmem:$0x1C100] =	vst v63  }
0x5f: {  	_ =	swait.ge [sflag:s12], $0x4000  }
0x60: {  	[sflag:s12] =	ssyncset.done $0x0  }
0x61: {  	[sflag:s12] =	ssyncadd.s32 $0xFFFFC000  }
0x62: {  	_ =	swait.ge [sflag:s17], $0x4000  }
0x63: {  	[sflag:s17] =	ssyncset.done $0x0  }
0x64: {  	[sflag:s17] =	ssyncadd.s32 $0xFFFFC000  }
0x65: {  	[tilespmem:s18], [sflag:$0x2] =	stream.indirect.gather [hbm4b:s3+s15], $0x80, s31, s15, $0xb8;
	[tilespmem:$0x1C100] =	vst v63  }
0x66: {  	_ = 	snop  }
0x67: {  	[spmem:s1] =	stream.indirect.scatter.add.f32 [tilespmem:s16], [sflag:$0x3], $0x80, s0, s15, $0xb8;
	[tilespmem:$0x1C100] =	vst v63  }
0x68: {  	_ =	swait.ge [sflag:s12], $0x4000  }
0x69: {  	[sflag:s12] =	ssyncset.done $0x0  }
0x6a: {  	[sflag:s12] =	ssyncadd.s32 $0xFFFFC000  }
0x6b: {  	_ =	swait.ge [sflag:s19], $0x4000  }
0x6c: {  	[sflag:s19] =	ssyncset.done $0x0  }
0x6d: {  	[sflag:s19] =	ssyncadd.s32 $0xFFFFC000  }
0x6e: {  	[spmem:s1] =	stream.indirect.scatter.add.f32 [tilespmem:s18], [sflag:$0x3], $0x80, s4, s15, $0xb8;
	[tilespmem:$0x1C100] =	vst v63  }
0x6f: {  	s13 =	smov.u32 s9;
	_ =	swait.ge [sflag:s12], $0x4000  }
0x70: {  	s8 =	simm.s32 $0x100;
	s7 =	simm.s32 $0x80;
	[sflag:s12] =	ssyncset.done $0x0  }
.LBB2_2:
0x71: {  	s11 =	sadd.s32 s7, s10  }
0x72: {  	[sflag:s12] =	ssyncadd.s32 $0xFFFFC000;
	s7 =	smov.u32 s8;
	s9 =	sadd.s32 $0x80, s8  }
0x73: {  	[tilespmem:s2], [sflag:$0x3] =	stream.linear.gather [hbm4b:s11+s2], $0x400, $0x38;
	[tilespmem:$0x1C100] =	vst v63  }
0x74: {  	p1 =	sne.s32 s8, $0x480;
	_ =	swait.ge [sflag:s12], $0x400  }
0x75: {  	[sflag:s12] =	ssyncset.done $0x0  }
0x76: {  	s8 =	sadd.s32 $0xA000, s11;
	[sflag:s12] =	ssyncadd.s32 $0xFFFFFC00  }
0x77: {  	[tilespmem:s14], [sflag:$0x3] =	stream.linear.gather [hbm4b:s8+s2], $0x400, $0x38;
	[tilespmem:$0x1C100] =	vst v63  }
0x78: {  	_ =	swait.ge [sflag:s12], $0x400  }
0x79: {  	[sflag:s12] =	ssyncset.done $0x0  }
0x7a: {  	[sflag:s12] =	ssyncadd.s32 $0xFFFFFC00  }
0x7b: {  	[tilespmem:s16], [sflag:$0x1] =	stream.indirect.gather [hbm4b:s3+s15], $0x80, s2, s15, $0xb8;
	[tilespmem:$0x1C100] =	vst v63  }
0x7c: {  	_ =	swait.ge [sflag:s17], $0x4000  }
0x7d: {  	[sflag:s17] =	ssyncset.done $0x0  }
0x7e: {  	[sflag:s17] =	ssyncadd.s32 $0xFFFFC000  }
0x7f: {  	[tilespmem:s18], [sflag:$0x2] =	stream.indirect.gather [hbm4b:s3+s15], $0x80, s15, s15, $0xb8;
	[tilespmem:$0x1C100] =	vst v63  }
0x80: {  	_ = 	snop  }
0x81: {  	[spmem:s1] =	stream.indirect.scatter.add.f32 [tilespmem:s16], [sflag:$0x3], $0x80, s14, s15, $0xb8;
	[tilespmem:$0x1C100] =	vst v63  }
0x82: {  	_ =	swait.ge [sflag:s12], $0x4000  }
0x83: {  	[sflag:s12] =	ssyncset.done $0x0  }
0x84: {  	[sflag:s12] =	ssyncadd.s32 $0xFFFFC000  }
0x85: {  	_ =	swait.ge [sflag:s19], $0x4000  }
0x86: {  	[sflag:s19] =	ssyncset.done $0x0  }
0x87: {  	[sflag:s19] =	ssyncadd.s32 $0xFFFFC000  }
0x88: {  	[tilespmem:s16], [sflag:$0x1] =	stream.indirect.gather [hbm4b:s3+s15], $0x80, s20, s15, $0xb8;
	[tilespmem:$0x1C100] =	vst v63  }
0x89: {  	_ = 	snop  }
0x8a: {  	[spmem:s1] =	stream.indirect.scatter.add.f32 [tilespmem:s18], [sflag:$0x3], $0x80, s21, s15, $0xb8;
	[tilespmem:$0x1C100] =	vst v63  }
0x8b: {  	_ =	swait.ge [sflag:s12], $0x4000  }
0x8c: {  	[sflag:s12] =	ssyncset.done $0x0  }
0x8d: {  	[sflag:s12] =	ssyncadd.s32 $0xFFFFC000  }
0x8e: {  	_ =	swait.ge [sflag:s17], $0x4000  }
0x8f: {  	[sflag:s17] =	ssyncset.done $0x0  }
0x90: {  	[sflag:s17] =	ssyncadd.s32 $0xFFFFC000  }
0x91: {  	[tilespmem:s18], [sflag:$0x2] =	stream.indirect.gather [hbm4b:s3+s15], $0x80, s22, s15, $0xb8;
	[tilespmem:$0x1C100] =	vst v63  }
0x92: {  	_ = 	snop  }
0x93: {  	[spmem:s1] =	stream.indirect.scatter.add.f32 [tilespmem:s16], [sflag:$0x3], $0x80, s23, s15, $0xb8;
	[tilespmem:$0x1C100] =	vst v63  }
0x94: {  	_ =	swait.ge [sflag:s12], $0x4000  }
0x95: {  	[sflag:s12] =	ssyncset.done $0x0  }
0x96: {  	[sflag:s12] =	ssyncadd.s32 $0xFFFFC000  }
0x97: {  	_ =	swait.ge [sflag:s19], $0x4000  }
0x98: {  	[sflag:s19] =	ssyncset.done $0x0  }
0x99: {  	[sflag:s19] =	ssyncadd.s32 $0xFFFFC000  }
0x9a: {  	[tilespmem:s16], [sflag:$0x1] =	stream.indirect.gather [hbm4b:s3+s15], $0x80, s24, s15, $0xb8;
	[tilespmem:$0x1C100] =	vst v63  }
0x9b: {  	_ = 	snop  }
0x9c: {  	[spmem:s1] =	stream.indirect.scatter.add.f32 [tilespmem:s18], [sflag:$0x3], $0x80, s25, s15, $0xb8;
	[tilespmem:$0x1C100] =	vst v63  }
0x9d: {  	_ =	swait.ge [sflag:s12], $0x4000  }
0x9e: {  	[sflag:s12] =	ssyncset.done $0x0  }
0x9f: {  	[sflag:s12] =	ssyncadd.s32 $0xFFFFC000  }
0xa0: {  	_ =	swait.ge [sflag:s17], $0x4000  }
0xa1: {  	[sflag:s17] =	ssyncset.done $0x0  }
0xa2: {  	[sflag:s17] =	ssyncadd.s32 $0xFFFFC000  }
0xa3: {  	[tilespmem:s18], [sflag:$0x2] =	stream.indirect.gather [hbm4b:s3+s15], $0x80, s26, s15, $0xb8;
	[tilespmem:$0x1C100] =	vst v63  }
0xa4: {  	_ = 	snop  }
0xa5: {  	[spmem:s1] =	stream.indirect.scatter.add.f32 [tilespmem:s16], [sflag:$0x3], $0x80, s28, s15, $0xb8;
	[tilespmem:$0x1C100] =	vst v63  }
0xa6: {  	_ =	swait.ge [sflag:s12], $0x4000  }
0xa7: {  	[sflag:s12] =	ssyncset.done $0x0  }
0xa8: {  	[sflag:s12] =	ssyncadd.s32 $0xFFFFC000  }
0xa9: {  	_ =	swait.ge [sflag:s19], $0x4000  }
0xaa: {  	[sflag:s19] =	ssyncset.done $0x0  }
0xab: {  	[sflag:s19] =	ssyncadd.s32 $0xFFFFC000  }
0xac: {  	[tilespmem:s16], [sflag:$0x1] =	stream.indirect.gather [hbm4b:s3+s15], $0x80, s29, s15, $0xb8;
	[tilespmem:$0x1C100] =	vst v63  }
0xad: {  	_ = 	snop  }
0xae: {  	[spmem:s1] =	stream.indirect.scatter.add.f32 [tilespmem:s18], [sflag:$0x3], $0x80, s30, s15, $0xb8;
	[tilespmem:$0x1C100] =	vst v63  }
0xaf: {  	_ =	swait.ge [sflag:s12], $0x4000  }
0xb0: {  	[sflag:s12] =	ssyncset.done $0x0  }
0xb1: {  	[sflag:s12] =	ssyncadd.s32 $0xFFFFC000  }
0xb2: {  	_ =	swait.ge [sflag:s17], $0x4000  }
0xb3: {  	[sflag:s17] =	ssyncset.done $0x0  }
0xb4: {  	[sflag:s17] =	ssyncadd.s32 $0xFFFFC000  }
0xb5: {  	[tilespmem:s18], [sflag:$0x2] =	stream.indirect.gather [hbm4b:s3+s15], $0x80, s31, s15, $0xb8;
	[tilespmem:$0x1C100] =	vst v63  }
0xb6: {  	_ = 	snop  }
0xb7: {  	[spmem:s1] =	stream.indirect.scatter.add.f32 [tilespmem:s16], [sflag:$0x3], $0x80, s0, s15, $0xb8;
	[tilespmem:$0x1C100] =	vst v63  }
0xb8: {  	_ =	swait.ge [sflag:s12], $0x4000  }
0xb9: {  	[sflag:s12] =	ssyncset.done $0x0  }
0xba: {  	[sflag:s12] =	ssyncadd.s32 $0xFFFFC000  }
0xbb: {  	_ =	swait.ge [sflag:s19], $0x4000  }
.Ltmp0:
0xbc: {  	[sflag:s19] =	ssyncset.done $0x0;
	(pc) =	sbr.rel @p1 .LBB2_2-.Ltmp0, $4  }
0xbd: {  	[sflag:s19] =	ssyncadd.s32 $0xFFFFC000  }
0xbe: {  	[spmem:s1] =	stream.indirect.scatter.add.f32 [tilespmem:s18], [sflag:$0x3], $0x80, s4, s15, $0xb8;
	[tilespmem:$0x1C100] =	vst v63  }
0xbf: {  	_ =	swait.ge [sflag:s12], $0x4000  }
0xc0: {  	s8 =	smov.u32 s9;
	[sflag:s12] =	ssyncset.done $0x0  }
0xc1: {  	s7 =	sadd.s32 s7, s10;
	[sflag:s12] =	ssyncadd.s32 $0xFFFFC000  }
0xc2: {  	[tilespmem:s2], [sflag:$0x3] =	stream.linear.gather [hbm4b:s7+s2], $0x400, $0x38;
	[tilespmem:$0x1C100] =	vst v63  }
0xc3: {  	_ =	swait.ge [sflag:s12], $0x400  }
0xc4: {  	[sflag:s12] =	ssyncset.done $0x0  }
0xc5: {  	s7 =	sadd.s32 $0xA000, s7;
	[sflag:s12] =	ssyncadd.s32 $0xFFFFFC00  }
0xc6: {  	[tilespmem:s14], [sflag:$0x3] =	stream.linear.gather [hbm4b:s7+s2], $0x400, $0x38;
	[tilespmem:$0x1C100] =	vst v63  }
0xc7: {  	_ =	swait.ge [sflag:s12], $0x400  }
0xc8: {  	[sflag:s12] =	ssyncset.done $0x0  }
0xc9: {  	[sflag:s12] =	ssyncadd.s32 $0xFFFFFC00  }
0xca: {  	[tilespmem:s16], [sflag:$0x1] =	stream.indirect.gather [hbm4b:s3+s15], $0x80, s2, s15, $0xb8;
	[tilespmem:$0x1C100] =	vst v63  }
0xcb: {  	_ =	swait.ge [sflag:s17], $0x4000  }
0xcc: {  	[sflag:s17] =	ssyncset.done $0x0  }
0xcd: {  	[sflag:s17] =	ssyncadd.s32 $0xFFFFC000  }
0xce: {  	[tilespmem:s18], [sflag:$0x2] =	stream.indirect.gather [hbm4b:s3+s15], $0x80, s15, s15, $0xb8;
	[tilespmem:$0x1C100] =	vst v63  }
0xcf: {  	_ = 	snop  }
0xd0: {  	[spmem:s1] =	stream.indirect.scatter.add.f32 [tilespmem:s16], [sflag:$0x3], $0x80, s14, s15, $0xb8;
	[tilespmem:$0x1C100] =	vst v63  }
0xd1: {  	_ =	swait.ge [sflag:s12], $0x4000  }
0xd2: {  	[sflag:s12] =	ssyncset.done $0x0  }
0xd3: {  	[sflag:s12] =	ssyncadd.s32 $0xFFFFC000  }
0xd4: {  	_ =	swait.ge [sflag:s19], $0x4000  }
0xd5: {  	[sflag:s19] =	ssyncset.done $0x0  }
0xd6: {  	[sflag:s19] =	ssyncadd.s32 $0xFFFFC000  }
0xd7: {  	[tilespmem:s16], [sflag:$0x1] =	stream.indirect.gather [hbm4b:s3+s15], $0x80, s20, s15, $0xb8;
	[tilespmem:$0x1C100] =	vst v63  }
0xd8: {  	_ = 	snop  }
0xd9: {  	[spmem:s1] =	stream.indirect.scatter.add.f32 [tilespmem:s18], [sflag:$0x3], $0x80, s21, s15, $0xb8;
	[tilespmem:$0x1C100] =	vst v63  }
0xda: {  	_ =	swait.ge [sflag:s12], $0x4000  }
0xdb: {  	[sflag:s12] =	ssyncset.done $0x0  }
0xdc: {  	[sflag:s12] =	ssyncadd.s32 $0xFFFFC000  }
0xdd: {  	_ =	swait.ge [sflag:s17], $0x4000  }
0xde: {  	[sflag:s17] =	ssyncset.done $0x0  }
0xdf: {  	[sflag:s17] =	ssyncadd.s32 $0xFFFFC000  }
0xe0: {  	[tilespmem:s18], [sflag:$0x2] =	stream.indirect.gather [hbm4b:s3+s15], $0x80, s22, s15, $0xb8;
	[tilespmem:$0x1C100] =	vst v63  }
0xe1: {  	_ = 	snop  }
0xe2: {  	[spmem:s1] =	stream.indirect.scatter.add.f32 [tilespmem:s16], [sflag:$0x3], $0x80, s23, s15, $0xb8;
	[tilespmem:$0x1C100] =	vst v63  }
0xe3: {  	_ =	swait.ge [sflag:s12], $0x4000  }
0xe4: {  	[sflag:s12] =	ssyncset.done $0x0  }
0xe5: {  	[sflag:s12] =	ssyncadd.s32 $0xFFFFC000  }
0xe6: {  	_ =	swait.ge [sflag:s19], $0x4000  }
0xe7: {  	[sflag:s19] =	ssyncset.done $0x0  }
0xe8: {  	[sflag:s19] =	ssyncadd.s32 $0xFFFFC000  }
0xe9: {  	[tilespmem:s16], [sflag:$0x1] =	stream.indirect.gather [hbm4b:s3+s15], $0x80, s24, s15, $0xb8;
	[tilespmem:$0x1C100] =	vst v63  }
0xea: {  	_ = 	snop  }
0xeb: {  	[spmem:s1] =	stream.indirect.scatter.add.f32 [tilespmem:s18], [sflag:$0x3], $0x80, s25, s15, $0xb8;
	[tilespmem:$0x1C100] =	vst v63  }
0xec: {  	_ =	swait.ge [sflag:s12], $0x4000  }
0xed: {  	[sflag:s12] =	ssyncset.done $0x0  }
0xee: {  	[sflag:s12] =	ssyncadd.s32 $0xFFFFC000  }
0xef: {  	_ =	swait.ge [sflag:s17], $0x4000  }
0xf0: {  	[sflag:s17] =	ssyncset.done $0x0  }
0xf1: {  	[sflag:s17] =	ssyncadd.s32 $0xFFFFC000  }
0xf2: {  	[tilespmem:s18], [sflag:$0x2] =	stream.indirect.gather [hbm4b:s3+s15], $0x80, s26, s15, $0xb8;
	[tilespmem:$0x1C100] =	vst v63  }
0xf3: {  	_ = 	snop  }
0xf4: {  	[spmem:s1] =	stream.indirect.scatter.add.f32 [tilespmem:s16], [sflag:$0x3], $0x80, s28, s15, $0xb8;
	[tilespmem:$0x1C100] =	vst v63  }
0xf5: {  	_ =	swait.ge [sflag:s12], $0x4000  }
0xf6: {  	[sflag:s12] =	ssyncset.done $0x0  }
0xf7: {  	[sflag:s12] =	ssyncadd.s32 $0xFFFFC000  }
0xf8: {  	_ =	swait.ge [sflag:s19], $0x4000  }
0xf9: {  	[sflag:s19] =	ssyncset.done $0x0  }
0xfa: {  	[sflag:s19] =	ssyncadd.s32 $0xFFFFC000  }
0xfb: {  	[tilespmem:s16], [sflag:$0x1] =	stream.indirect.gather [hbm4b:s3+s15], $0x80, s29, s15, $0xb8;
	[tilespmem:$0x1C100] =	vst v63  }
0xfc: {  	_ = 	snop  }
0xfd: {  	[spmem:s1] =	stream.indirect.scatter.add.f32 [tilespmem:s18], [sflag:$0x3], $0x80, s30, s15, $0xb8;
	[tilespmem:$0x1C100] =	vst v63  }
0xfe: {  	_ =	swait.ge [sflag:s12], $0x4000  }
0xff: {  	[sflag:s12] =	ssyncset.done $0x0  }
0x100: {  	[sflag:s12] =	ssyncadd.s32 $0xFFFFC000  }
0x101: {  	_ =	swait.ge [sflag:s17], $0x4000  }
0x102: {  	[sflag:s17] =	ssyncset.done $0x0  }
0x103: {  	[sflag:s17] =	ssyncadd.s32 $0xFFFFC000  }
0x104: {  	[tilespmem:s18], [sflag:$0x2] =	stream.indirect.gather [hbm4b:s3+s15], $0x80, s31, s15, $0xb8;
	[tilespmem:$0x1C100] =	vst v63  }
0x105: {  	_ = 	snop  }
0x106: {  	[spmem:s1] =	stream.indirect.scatter.add.f32 [tilespmem:s16], [sflag:$0x3], $0x80, s0, s15, $0xb8;
	[tilespmem:$0x1C100] =	vst v63  }
0x107: {  	_ =	swait.ge [sflag:s12], $0x4000  }
0x108: {  	[sflag:s12] =	ssyncset.done $0x0  }
0x109: {  	[sflag:s12] =	ssyncadd.s32 $0xFFFFC000  }
0x10a: {  	_ =	swait.ge [sflag:s19], $0x4000  }
0x10b: {  	[sflag:s19] =	ssyncset.done $0x0  }
0x10c: {  	[sflag:s19] =	ssyncadd.s32 $0xFFFFC000  }
0x10d: {  	[spmem:s1] =	stream.indirect.scatter.add.f32 [tilespmem:s18], [sflag:$0x3], $0x80, s4, s15, $0xb8;
	[tilespmem:$0x1C100] =	vst v63  }
0x10e: {  	_ =	swait.ge [sflag:s12], $0x4000  }
0x10f: {  	[sflag:s12] =	ssyncset.done $0x0  }
0x110: {  	[sflag:s12] =	ssyncadd.s32 $0xFFFFC000  }
0x111: {  	[bflag:$0x0] =	sbarrier.arrive $0xFFFF  }
0x112: {  	s11 =	rddreg [dreg:$0x5]  }
0x113: {  	[hbm:s11], [sflag:s5] =	dma.local [spmem:s13], $0x2700  }
0x114: {  	_ =	swait.ge [sflag:s12], $0x2700  }
0x115: {  	[sflag:s12] =	ssyncset.done $0x0;
	s7 =	rddreg [dreg:$0x6]  }
0x116: {  	s11 =	rddreg [dreg:$0x8];
	[sflag:s12] =	ssyncadd.s32 $0xFFFFD900  }
0x117: {  	[hbm:s7], [sflag:s5] =	dma.local @!p0 [spmem:s11], $0x100  }
0x118: {  	s7 =	simm.s32 @!p0 $0x3  }
0x119: {  	_ =	swait.ge @!p0 [sflag:s7], $0x100  }
0x11a: {  	s6 =	sadd.s32 $0x1, s6;
	s8 =	rddreg [dreg:$0x7]  }
0x11b: {  	p1 =	sne.s32 s6, s8  }
.Ltmp1:
0x11c: {  	_ = 	snop;
	(pc) =	sbr.rel @p1 .LBB2_1-.Ltmp1, $3  }
0x11d: {  	_ =	sdelay $0x1  }
0x11e: {  	[sflag:s7] =	ssyncset.done @!p0 $0x0  }
0x11f: {  	s9 =	smov.u32 s13;
	[sflag:s7] =	ssyncadd.s32 @!p0 $0xFFFFFF00  }
0x120: {  	_ =	sfence.sel $0x180000  }
0x121: {  	[bflag:$0x0] =	sbarrier.arrive $0xFFFF  }
0x122: {  	_ =	strace $0x9000004D  }
0x123: {  	[bflag:$0x2] =	sbarrier.arrive $0xFFFF  }
0x124: {  	s0 =	rddreg [dreg:$0x2]  }
0x125: {  	s0 =	sadd.s32 @!p0 $0x100000, s0  }
0x126: {  	[sflag:s0] =	ssyncadd.tile.s32 @!p0 $0x1;
	_ =	shalt  }
.Lfunc_end2:
_tile_overlayer_lowered:
.L_overlay_start_2:
0x127: {  	(tag) =	ssettag $0x2  }
0x128: {  	s0 =	rddreg [dreg:$0x0];
	s2 =	stileid.u32  }
0x129: {  	s1 =	rddreg [dreg:$0x1];
	p0 =	sne.s32 s2, $0x0  }
0x12a: {  	s3 =	rddreg [dreg:$0x2];
	[bflag:$0x3] =	sbarrier.arrive $0xFFFF;
	s2 =	simm.s32 @!p0 $0x1C03  }
0x12b: {  	[timem:s3], [sflag:s2] =	dma.local @!p0 [hbm:s0], s1  }
0x12c: {  	s0 =	simm.s32 @!p0 $0x3  }
0x12d: {  	_ =	swait.ge @!p0 [sflag:s0], s1  }
0x12e: {  	s1 =	ssub.s32 @!p0 $0x0, s1;
	[sflag:s0] =	ssyncset.done @!p0 $0x0  }
0x12f: {  	[sflag:s0] =	ssyncadd.s32 @!p0 s1  }
0x130: {  	[bflag:$0x3] =	sbarrier.arrive $0xFFFF  }
0x131: {  	_ =	shalt  }

// kernel: kernel.20.cloned.1.call-start
scs
__scs_entry_jumppad:
0x0: {  	(pc) =	sbr.rel $0x88, $3  }
0x1: {  	(tag) =	ssettag $0x0;
	lr =	simm.s32 $0x1  }
0x2: {  	[smem:$0x3F8C] =	sst lr;
	_ =	strace $0xD0000000  }
0x3: {  	_ = 	snop  }
0x4: {  	_ = 	snop  }
0x5: {  	_ = 	snop  }
0x6: {  	_ = 	snop  }
0x7: {  	_ = 	snop  }
__scs_overlays_trampoline_lowered:
0x8: {  	[smem:$0x3F9B] =	sst s0  }
0x9: {  	[smem:$0x3F9C] =	sst s1  }
0xa: {  	[smem:$0x3F9D] =	sst s2  }
0xb: {  	[smem:$0x3F9E] =	sst s3  }
0xc: {  	[smem:$0x3F9F] =	sst s4  }
0xd: {  	[smem:$0x3FA0] =	sst s5  }
0xe: {  	[smem:$0x3FA1] =	sst s6  }
0xf: {  	[smem:$0x3FA2] =	sst s7  }
0x10: {  	[smem:$0x3FA3] =	sst s8  }
0x11: {  	[smem:$0x3FA4] =	sst s9;
	s0 =	simm.s32 @!p0 $0x0  }
0x12: {  	s1 =	sld [smem:$0x3F8A];
	s0 =	simm.s32 @p0 $0x1  }
0x13: {  	[smem:$0x3FA5] =	sst s0;
	s0 =	simm.s32 @!p1 $0x0  }
0x14: {  	s2 =	sld [smem:$0x3F89];
	s0 =	simm.s32 @p1 $0x1  }
0x15: {  	[smem:$0x3FA6] =	sst s0;
	s0 =	simm.s32 @!p2 $0x0  }
0x16: {  	s3 =	sld [smem:$0x3FDB];
	s0 =	simm.s32 @p2 $0x1  }
0x17: {  	s4 =	simm.s32 $0x1BF5;
	[smem:$0x3FA8] =	sst s0  }
0x18: {  	s0 =	sld [smem:$0x3F8B];
	_ =	swait.ge [sflag:s4], $0x0  }
0x19: {  	s7 =	sld [smem:$0x3F8C]  }
0x1a: {  	s8 =	sadd.s32 $0xFFFFE003, lr  }
0x1b: {  	s9 =	sadd.s32 $0xFFFFFEF7, lr;
	s5 =	simm.s32 $0xFFFFFFFF;
	p2 =	slt.u32 s8, $0xFFFFF086  }
0x1c: {  	p1 =	slt.u32 s9, $0xF7A;
	s5 =	simm.s32 @!p2 $0x0  }
0x1d: {  	s5 =	simm.s32 @p1 $0x1;
	p0 =	seq.s32 s7, s2  }
0x1e: {  	s7 =	smul.u32 @!p0 $0xF7A, s2;
	p2 =	seq.s32 @!p0 s5, $0x0  }
0x1f: {  	s9 =	smul.u32 $0xF7A, s1;
	s8 =	simm.s32 @!p0 $0x1BF5;
	p2 =	por !p2, p0  }
0x20: {  	[sflag:s8] =	ssyncset.s32 @!p0 $0xFFFFF086;
	s6 =	sadd.s32 @!p0 s3, s7;
	s7 =	simm.s32 @!p0 $0x108  }
0x21: {  	s3 =	sadd.s32 s3, s9;
	s6 =	sadd.s32 @!p0 $0x88, s6;
	s7 =	simm.s32 @p2 $0x1082  }
0x22: {  	[simem:s7], [sflag:s8] =	dma.local @!p0 [hbm:s6], $0xF7A  }
0x23: {  	s9 =	sor.u32 $0xD0000000, s2;
	s6 =	simm.s32 $0x108;
	_ =	swait.ge @!p0 [sflag:s8], $0x0  }
0x24: {  	s3 =	sadd.s32 $0x88, s3;
	s6 =	simm.s32 @!p1 $0x1082;
	[sflag:s4] =	ssyncset.s32 $0xFFFFF086  }
0x25: {  	[simem:s6], [sflag:s4] =	dma.local [hbm:s3], $0xF7A  }
0x26: {  	[smem:$0x3F8C] =	sst s1;
	(tag) =	ssettag s2;
	_ =	strace s9  }
0x27: {  	s1 =	sld [smem:$0x3F9C]  }
0x28: {  	s2 =	sld [smem:$0x3F9D]  }
0x29: {  	s4 =	sld [smem:$0x3F9F]  }
0x2a: {  	p0 =	seq.s32 s5, $0x0;
	s5 =	sld [smem:$0x3FA0]  }
0x2b: {  	s6 =	sld [smem:$0x3FA1]  }
0x2c: {  	s7 =	sld [smem:$0x3FA2]  }
0x2d: {  	s3 =	simm.s32 $0x108;
	s8 =	sld [smem:$0x3FA3]  }
0x2e: {  	s3 =	simm.s32 @!p0 $0x1082;
	s9 =	sld [smem:$0x3FA4]  }
0x2f: {  	lr =	sadd.s32 s0, s3;
	s0 =	sld [smem:$0x3F9B]  }
0x30: {  	s3 =	sld [smem:$0x3F9E]  }
0x31: {  	[smem:$0x3FA7] =	sst s10  }
0x32: {  	s10 =	sld [smem:$0x3FA5];
	_ =	sdelay $0x3  }
0x33: {  	p0 =	seq.s32 s10, $0x1;
	s10 =	sld [smem:$0x3FA7];
	_ =	sdelay $0x3  }
0x34: {  	[smem:$0x3FA7] =	sst s10  }
0x35: {  	s10 =	sld [smem:$0x3FA6];
	_ =	sdelay $0x3  }
0x36: {  	p1 =	seq.s32 s10, $0x1;
	s10 =	sld [smem:$0x3FA7];
	_ =	sdelay $0x3  }
0x37: {  	[smem:$0x3FA7] =	sst s10  }
0x38: {  	s10 =	sld [smem:$0x3FA8]  }
0x39: {  	_ = 	snop;
	(pc) =	sbr.ind lr, $3  }
0x3a: {  	_ = 	snop  }
0x3b: {  	_ = 	snop  }
0x3c: {  	p2 =	seq.s32 s10, $0x1;
	s10 =	sld [smem:$0x3FA7]  }
0x3d: {  	_ =	shalt  }
0x3e: {  	_ =	shalt  }
0x3f: {  	_ =	shalt  }
0x40: {  	_ =	shalt  }
0x41: {  	_ =	shalt  }
0x42: {  	_ =	shalt  }
0x43: {  	_ =	shalt  }
0x44: {  	_ =	shalt  }
0x45: {  	_ =	shalt  }
0x46: {  	_ =	shalt  }
0x47: {  	_ =	shalt  }
0x48: {  	_ =	shalt  }
0x49: {  	_ =	shalt  }
0x4a: {  	_ =	shalt  }
0x4b: {  	_ =	shalt  }
0x4c: {  	_ =	shalt  }
0x4d: {  	_ =	shalt  }
0x4e: {  	_ =	shalt  }
0x4f: {  	_ =	shalt  }
0x50: {  	_ =	shalt  }
0x51: {  	_ =	shalt  }
0x52: {  	_ =	shalt  }
0x53: {  	_ =	shalt  }
0x54: {  	_ =	shalt  }
0x55: {  	_ =	shalt  }
0x56: {  	_ =	shalt  }
0x57: {  	_ =	shalt  }
0x58: {  	_ =	shalt  }
0x59: {  	_ =	shalt  }
0x5a: {  	_ =	shalt  }
0x5b: {  	_ =	shalt  }
0x5c: {  	_ =	shalt  }
0x5d: {  	_ =	shalt  }
0x5e: {  	_ =	shalt  }
0x5f: {  	_ =	shalt  }
0x60: {  	_ =	shalt  }
0x61: {  	_ =	shalt  }
0x62: {  	_ =	shalt  }
0x63: {  	_ =	shalt  }
0x64: {  	_ =	shalt  }
0x65: {  	_ =	shalt  }
0x66: {  	_ =	shalt  }
0x67: {  	_ =	shalt  }
0x68: {  	_ =	shalt  }
0x69: {  	_ =	shalt  }
0x6a: {  	_ =	shalt  }
0x6b: {  	_ =	shalt  }
0x6c: {  	_ =	shalt  }
0x6d: {  	_ =	shalt  }
0x6e: {  	_ =	shalt  }
0x6f: {  	_ =	shalt  }
0x70: {  	_ =	shalt  }
0x71: {  	_ =	shalt  }
0x72: {  	_ =	shalt  }
0x73: {  	_ =	shalt  }
0x74: {  	_ =	shalt  }
0x75: {  	_ =	shalt  }
0x76: {  	_ =	shalt  }
0x77: {  	_ =	shalt  }
0x78: {  	_ =	shalt  }
0x79: {  	_ =	shalt  }
0x7a: {  	_ =	shalt  }
0x7b: {  	_ =	shalt  }
0x7c: {  	_ =	shalt  }
0x7d: {  	_ =	shalt  }
0x7e: {  	_ =	shalt  }
0x7f: {  	_ =	shalt  }
0x80: {  	_ =	shalt  }
0x81: {  	_ =	shalt  }
0x82: {  	_ =	shalt  }
0x83: {  	_ =	shalt  }
0x84: {  	_ =	shalt  }
0x85: {  	_ =	shalt  }
0x86: {  	_ =	shalt  }
0x87: {  	_ =	shalt  }
.Lfunc_end0:
.L_simem_size_0:
called_computation.3_lowered:
.L_overlay_start_0:
0x88: {  	s2 =	sld [smem:$0x3FD9]  }
0x89: {  	s3 =	sld [smem:$0x3FFE];
	_ =	sdelay $0x1  }
0x8a: {  	s1 =	srdreg.scid  }
0x8b: {  	s0 =	sand.u32 $0x1, s1  }
0x8c: {  	s16 =	sshll.u32 s0, $0xA;
	s2 =	sadd.s32 s3, s2  }
0x8d: {  	s2 =	sadd.s32 s2, s16  }
0x8e: {  	[smem:$0x3FB3] =	sst s2  }
0x8f: {  	_ = 	snop  }
0x90: {  	(tm) =	ssettm $0x1  }
0x91: {  	s17 =	sld [smem:$0x3FFB];
	_ =	sdelay $0x3  }
0x92: {  	_ =	strace s17  }
0x93: {  	s2 =	sld [smem:$0x3FFC];
	_ =	sdelay $0x3  }
0x94: {  	_ =	strace s2  }
0x95: {  	s2 =	sld [smem:$0x3FFD];
	_ =	sdelay $0x3  }
0x96: {  	_ =	strace s2  }
0x97: {  	_ =	strace $0x8FFFFFFF  }
0x98: {  	s18 =	sld [smem:$0x3FDB];
	_ =	sdelay $0x1  }
0x99: {  	s19 =	simm.s32 $_scs_section_size  }
0x9a: {  	s4 =	simm.s32 $_size__tile_overlayer_lowered;
	s5 =	simm.s32 $_tile_overlayer_lowered  }
0x9b: {  	s22 =	simm.s32 $0x1BFF;
	s21 =	sshll.u32 s5, $0x1;
	s2 =	sadd.s32 s19, s18  }
0x9c: {  	s6 =	simm.s32 $0x0;
	s20 =	sshll.u32 s4, $0x1;
	s4 =	sadd.s32 s21, s2  }
0x9d: {  	[timem:s6], [sflag:s22] =	dma.local [hbm:s4], s20  }
0x9e: {  	_ =	swait.ge [sflag:s22], s20  }
0x9f: {  	s3 =	ssub.s32 $0x0, s20;
	[sflag:s22] =	ssyncset.done $0x0  }
0xa0: {  	[sflag:s22] =	ssyncadd.s32 s3;
	_ =	sdelay $0x1  }
0xa1: {  	s23 =	simm.s32 $0x1B8B  }
0xa2: {  	_ =	swait.ge [sflag:s23], $0x1  }
0xa3: {  	[sflag:s23] =	ssyncset.done $0x0  }
0xa4: {  	s25 =	simm.s32 $0x1B8E;
	s24 =	sld [smem:$0x3FFE];
	[sflag:s23] =	ssyncadd.s32 $0xFFFFFFFF  }
0xa5: {  	s26 =	simm.s32 $execute0_lowered;
	[smem:$0x3FD2] =	sst s25  }
0xa6: {  	s4 =	sshll.u32 s26, $0x1;
	_ =	strace $0x8000004F;
	[dreg:$0x1] =	wrdreg $0xFFFFFFFF  }
0xa7: {  	s28 =	simm.s32 $_size_execute0_lowered;
	s2 =	sadd.s32 s2, s4;
	[dreg:$0x0] =	wrdreg $0x0  }
0xa8: {  	s4 =	sshll.u32 s28, $0x1;
	[dreg:$0x2] =	wrdreg s2  }
0xa9: {  	[dreg:$0x3] =	wrdreg s4  }
0xaa: {  	[dreg:$0x4] =	wrdreg $0xC0  }
0xab: {  	_ =	task [dreg:s6], $0x5FFFF  }
0xac: {  	[dreg:$0x1] =	wrdreg $0xFFFFFFFF  }
0xad: {  	[dreg:$0x0] =	wrdreg $0x60  }
0xae: {  	[dreg:$0x2] =	wrdreg s24  }
0xaf: {  	[dreg:$0x3] =	wrdreg $0x88000  }
0xb0: {  	[dreg:$0x4] =	wrdreg $0x9  }
0xb1: {  	_ =	task.clear_ibuf [dreg:s6], $0x5FFFF;
	_ =	strace $0x9000004F  }
0xb2: {  	s29 =	simm.s32 $0x9;
	_ =	strace $0x80000051  }
0xb3: {  	_ =	swait.ge [sflag:s29], $0x1  }
0xb4: {  	[sflag:s29] =	ssyncadd.s32 $0xFFFFFFFF  }
0xb5: {  	_ =	strace $0x90000051  }
0xb6: {  	_ =	sfence  }
0xb7: {  	s30 =	sld [smem:$0x0];
	_ =	sdelay $0x2  }
0xb8: {  	s31 =	sshll.u32 s1, $0xD;
	s1 =	sshrl.u32 s1, $0x2  }
0xb9: {  	s3 =	sand.u32 $0x4000, s31;
	s1 =	sadd.s32 s1, s30  }
0xba: {  	s0 =	sor.u32 s3, s0;
	s1 =	sshll.u32 s1, $0x11  }
0xbb: {  	s0 =	sor.u32 s1, s0  }
0xbc: {  	s0 =	sadd.s32 $0x8F2B, s0  }
0xbd: {  	[sflag:s0] =	ssyncadd.remote.s32 $0x1  }
0xbe: {  	_ =	sfence.sel $0xFFFF  }
0xbf: {  	[dreg:$0x0] =	wrdreg $0xFFFFFFFF;
	(pc) =	sbr.abs _section_cstart, $3  }
0xc0: {  	[dreg:$0x1] =	wrdreg $0xFFFFFFFF  }
0xc1: {  	_ =	task.clear_ibuf [dreg:s6], $0x2FFFF;
	_ =	strace $0x9FFFFFFF  }
0xc2: {  	(tm) =	ssettm $0x7FFFFFFF  }
0xc3: {  	_ =	shalt  }
tec
execute0_lowered:
.L_overlay_start_1:
0x0: {  	(tag) =	ssettag $0x1  }
0x1: {  	s0 =	srdreg.scid;
	s4 =	rddreg [dreg:$0x0]  }
0x2: {  	s6 =	stileid.u32;
	s1 =	rddreg [dreg:$0x1]  }
0x3: {  	s2 =	simm.s32 $0x0;
	s14 =	simm.s32 $0x400;
	s15 =	simm.s32 $0x80  }
0x4: {  	s16 =	simm.s32 $0x800;
	s17 =	simm.s32 $0x1;
	s18 =	simm.s32 $0x4800  }
0x5: {  	s19 =	simm.s32 $0x2;
	s20 =	simm.s32 $0x100;
	s21 =	simm.s32 $0x480  }
0x6: {  	s28 =	simm.s32 $0x600;
	s29 =	simm.s32 $0x300;
	s30 =	simm.s32 $0x680  }
0x7: {  	s31 =	simm.s32 $0x380;
	s0 =	sand.u32 $0x1, s0;
	s5 =	smul.u32 $0x50, s6  }
0x8: {  	[smem:$0x7FF] =	sst s2;
	s8 =	smul.u32 $0x4E000, s6;
	s9 =	sadd.s32 $0x3FE00, s4  }
0x9: {  	s11 =	smul.u32 $0x13800, s6;
	s12 =	sshll.u32 s6, $0x6;
	s13 =	sadd.s32 $0x138000, s1  }
0xa: {  	p0 =	sne.s32 s6, $0x0;
	s6 =	simm.s32 $0x0;
	s3 =	smul.u32 $0x500, s0  }
0xb: {  	_ =	strace $0x80000050;
	s22 =	ssub.s32 $0x2, s0;
	s0 =	smul.u32 $0x138800, s0  }
0xc: {  	s10 =	sshrl.u32 s22, $0x1;
	s23 =	sshrl.u32 s8, $0x2;
	s24 =	sshrl.u32 s11, $0x3  }
0xd: {  	s5 =	sadd.s32 s5, s3;
	s3 =	sadd.s32 $0x18C00, s4;
	s10 =	ssub.s32 s22, s10  }
0xe: {  	s8 =	sadd.s32 s23, s1;
	s11 =	sadd.s32 s11, s0;
	s0 =	sshrl.u32 s0, $0x3  }
0xf: {  	s22 =	simm.s32 $0x180;
	s23 =	simm.s32 $0x500;
	s5 =	sshll.u32 s5, $0x4  }
0x10: {  	s11 =	sshrl.u32 s11, $0x3;
	s0 =	sadd.s32 s9, s0;
	s26 =	smax.u32 s10, $0x1  }
0x11: {  	s7 =	sadd.s32 s5, s4;
	s5 =	sadd.s32 s3, s24;
	[dreg:$0x7] =	wrdreg s26  }
0x12: {  	s4 =	sadd.s32 $0x3FC00, s4;
	s25 =	sadd.s32 s9, s11;
	[dreg:$0x3] =	wrdreg s5  }
0x13: {  	s0 =	sadd.s32 $0x27000, s0;
	s9 =	sshrl.u32 s8, $0x3;
	[dreg:$0x4] =	wrdreg s4  }
0x14: {  	s11 =	sshrl.u32 @!p0 s13, $0x3;
	s24 =	simm.s32 $0x200;
	[dreg:$0x5] =	wrdreg s25  }
0x15: {  	s26 =	simm.s32 $0x280;
	s5 =	sor.u32 $0x1C03, s12;
	[dreg:$0x6] =	wrdreg s0  }
0x16: {  	s10 =	sadd.s32 $0x4C00, s7;
	s12 =	simm.s32 $0x3;
	s25 =	simm.s32 $0x580  }
0x17: {  	s0 =	simm.s32 $0x700;
	s4 =	simm.s32 $0x780;
	[dreg:$0x8] =	wrdreg s11  }
.LBB2_1:
0x18: {  	s7 =	rddreg [dreg:$0x3]  }
0x19: {  	[spmem:s9], [sflag:s5] =	dma.local [hbm:s7], $0x2700  }
0x1a: {  	_ =	swait.ge [sflag:s12], $0x2700  }
0x1b: {  	[sflag:s12] =	ssyncset.done $0x0  }
0x1c: {  	s7 =	rddreg [dreg:$0x4];
	[sflag:s12] =	ssyncadd.s32 $0xFFFFD900  }
0x1d: {  	[spmem:s11], [sflag:s5] =	dma.local @!p0 [hbm:s7], $0x100  }
0x1e: {  	s7 =	simm.s32 @!p0 $0x3  }
0x1f: {  	_ =	swait.ge @!p0 [sflag:s7], $0x100  }
0x20: {  	[sflag:s7] =	ssyncset.done @!p0 $0x0  }
0x21: {  	[sflag:s7] =	ssyncadd.s32 @!p0 $0xFFFFFF00  }
0x22: {  	s11 =	sadd.s32 $0x0, s10;
	[bflag:$0x0] =	sbarrier.arrive $0xFFFF  }
0x23: {  	[tilespmem:s2], [sflag:$0x3] =	stream.linear.gather [hbm4b:s11+s2], $0x400, $0x38;
	[tilespmem:$0x1C100] =	vst v63  }
0x24: {  	_ =	swait.ge [sflag:s12], $0x400  }
0x25: {  	[sflag:s12] =	ssyncset.done $0x0  }
0x26: {  	s7 =	sadd.s32 $0xA000, s11;
	[sflag:s12] =	ssyncadd.s32 $0xFFFFFC00  }
0x27: {  	[tilespmem:s14], [sflag:$0x3] =	stream.linear.gather [hbm4b:s7+s2], $0x400, $0x38;
	[tilespmem:$0x1C100] =	vst v63  }
0x28: {  	_ =	swait.ge [sflag:s12], $0x400  }
0x29: {  	[sflag:s12] =	ssyncset.done $0x0  }
0x2a: {  	[sflag:s12] =	ssyncadd.s32 $0xFFFFFC00  }
0x2b: {  	[tilespmem:s16], [sflag:$0x1] =	stream.indirect.gather [hbm4b:s3+s15], $0x80, s2, s15, $0xb8;
	[tilespmem:$0x1C100] =	vst v63  }
0x2c: {  	_ =	swait.ge [sflag:s17], $0x4000  }
0x2d: {  	[sflag:s17] =	ssyncset.done $0x0  }
0x2e: {  	[sflag:s17] =	ssyncadd.s32 $0xFFFFC000  }
0x2f: {  	[tilespmem:s18], [sflag:$0x2] =	stream.indirect.gather [hbm4b:s3+s15], $0x80, s15, s15, $0xb8;
	[tilespmem:$0x1C100] =	vst v63  }
0x30: {  	_ = 	snop  }
0x31: {  	[spmem:s1] =	stream.indirect.scatter.add.f32 [tilespmem:s16], [sflag:$0x3], $0x80, s14, s15, $0xb8;
	[tilespmem:$0x1C100] =	vst v63  }
0x32: {  	_ =	swait.ge [sflag:s12], $0x4000  }
0x33: {  	[sflag:s12] =	ssyncset.done $0x0  }
0x34: {  	[sflag:s12] =	ssyncadd.s32 $0xFFFFC000  }
0x35: {  	_ =	swait.ge [sflag:s19], $0x4000  }
0x36: {  	[sflag:s19] =	ssyncset.done $0x0  }
0x37: {  	[sflag:s19] =	ssyncadd.s32 $0xFFFFC000  }
0x38: {  	[tilespmem:s16], [sflag:$0x1] =	stream.indirect.gather [hbm4b:s3+s15], $0x80, s20, s15, $0xb8;
	[tilespmem:$0x1C100] =	vst v63  }
0x39: {  	_ = 	snop  }
0x3a: {  	[spmem:s1] =	stream.indirect.scatter.add.f32 [tilespmem:s18], [sflag:$0x3], $0x80, s21, s15, $0xb8;
	[tilespmem:$0x1C100] =	vst v63  }
0x3b: {  	_ =	swait.ge [sflag:s12], $0x4000  }
0x3c: {  	[sflag:s12] =	ssyncset.done $0x0  }
0x3d: {  	[sflag:s12] =	ssyncadd.s32 $0xFFFFC000  }
0x3e: {  	_ =	swait.ge [sflag:s17], $0x4000  }
0x3f: {  	[sflag:s17] =	ssyncset.done $0x0  }
0x40: {  	[sflag:s17] =	ssyncadd.s32 $0xFFFFC000  }
0x41: {  	[tilespmem:s18], [sflag:$0x2] =	stream.indirect.gather [hbm4b:s3+s15], $0x80, s22, s15, $0xb8;
	[tilespmem:$0x1C100] =	vst v63  }
0x42: {  	_ = 	snop  }
0x43: {  	[spmem:s1] =	stream.indirect.scatter.add.f32 [tilespmem:s16], [sflag:$0x3], $0x80, s23, s15, $0xb8;
	[tilespmem:$0x1C100] =	vst v63  }
0x44: {  	_ =	swait.ge [sflag:s12], $0x4000  }
0x45: {  	[sflag:s12] =	ssyncset.done $0x0  }
0x46: {  	[sflag:s12] =	ssyncadd.s32 $0xFFFFC000  }
0x47: {  	_ =	swait.ge [sflag:s19], $0x4000  }
0x48: {  	[sflag:s19] =	ssyncset.done $0x0  }
0x49: {  	[sflag:s19] =	ssyncadd.s32 $0xFFFFC000  }
0x4a: {  	[tilespmem:s16], [sflag:$0x1] =	stream.indirect.gather [hbm4b:s3+s15], $0x80, s24, s15, $0xb8;
	[tilespmem:$0x1C100] =	vst v63  }
0x4b: {  	_ = 	snop  }
0x4c: {  	[spmem:s1] =	stream.indirect.scatter.add.f32 [tilespmem:s18], [sflag:$0x3], $0x80, s25, s15, $0xb8;
	[tilespmem:$0x1C100] =	vst v63  }
0x4d: {  	_ =	swait.ge [sflag:s12], $0x4000  }
0x4e: {  	[sflag:s12] =	ssyncset.done $0x0  }
0x4f: {  	[sflag:s12] =	ssyncadd.s32 $0xFFFFC000  }
0x50: {  	_ =	swait.ge [sflag:s17], $0x4000  }
0x51: {  	[sflag:s17] =	ssyncset.done $0x0  }
0x52: {  	[sflag:s17] =	ssyncadd.s32 $0xFFFFC000  }
0x53: {  	[tilespmem:s18], [sflag:$0x2] =	stream.indirect.gather [hbm4b:s3+s15], $0x80, s26, s15, $0xb8;
	[tilespmem:$0x1C100] =	vst v63  }
0x54: {  	_ = 	snop  }
0x55: {  	[spmem:s1] =	stream.indirect.scatter.add.f32 [tilespmem:s16], [sflag:$0x3], $0x80, s28, s15, $0xb8;
	[tilespmem:$0x1C100] =	vst v63  }
0x56: {  	_ =	swait.ge [sflag:s12], $0x4000  }
0x57: {  	[sflag:s12] =	ssyncset.done $0x0  }
0x58: {  	[sflag:s12] =	ssyncadd.s32 $0xFFFFC000  }
0x59: {  	_ =	swait.ge [sflag:s19], $0x4000  }
0x5a: {  	[sflag:s19] =	ssyncset.done $0x0  }
0x5b: {  	[sflag:s19] =	ssyncadd.s32 $0xFFFFC000  }
0x5c: {  	[tilespmem:s16], [sflag:$0x1] =	stream.indirect.gather [hbm4b:s3+s15], $0x80, s29, s15, $0xb8;
	[tilespmem:$0x1C100] =	vst v63  }
0x5d: {  	_ = 	snop  }
0x5e: {  	[spmem:s1] =	stream.indirect.scatter.add.f32 [tilespmem:s18], [sflag:$0x3], $0x80, s30, s15, $0xb8;
	[tilespmem:$0x1C100] =	vst v63  }
0x5f: {  	_ =	swait.ge [sflag:s12], $0x4000  }
0x60: {  	[sflag:s12] =	ssyncset.done $0x0  }
0x61: {  	[sflag:s12] =	ssyncadd.s32 $0xFFFFC000  }
0x62: {  	_ =	swait.ge [sflag:s17], $0x4000  }
0x63: {  	[sflag:s17] =	ssyncset.done $0x0  }
0x64: {  	[sflag:s17] =	ssyncadd.s32 $0xFFFFC000  }
0x65: {  	[tilespmem:s18], [sflag:$0x2] =	stream.indirect.gather [hbm4b:s3+s15], $0x80, s31, s15, $0xb8;
	[tilespmem:$0x1C100] =	vst v63  }
0x66: {  	_ = 	snop  }
0x67: {  	[spmem:s1] =	stream.indirect.scatter.add.f32 [tilespmem:s16], [sflag:$0x3], $0x80, s0, s15, $0xb8;
	[tilespmem:$0x1C100] =	vst v63  }
0x68: {  	_ =	swait.ge [sflag:s12], $0x4000  }
0x69: {  	[sflag:s12] =	ssyncset.done $0x0  }
0x6a: {  	[sflag:s12] =	ssyncadd.s32 $0xFFFFC000  }
0x6b: {  	_ =	swait.ge [sflag:s19], $0x4000  }
0x6c: {  	[sflag:s19] =	ssyncset.done $0x0  }
0x6d: {  	[sflag:s19] =	ssyncadd.s32 $0xFFFFC000  }
0x6e: {  	[spmem:s1] =	stream.indirect.scatter.add.f32 [tilespmem:s18], [sflag:$0x3], $0x80, s4, s15, $0xb8;
	[tilespmem:$0x1C100] =	vst v63  }
0x6f: {  	s13 =	smov.u32 s9;
	_ =	swait.ge [sflag:s12], $0x4000  }
0x70: {  	s8 =	simm.s32 $0x100;
	s7 =	simm.s32 $0x80;
	[sflag:s12] =	ssyncset.done $0x0  }
.LBB2_2:
0x71: {  	s11 =	sadd.s32 s7, s10  }
0x72: {  	[sflag:s12] =	ssyncadd.s32 $0xFFFFC000;
	s7 =	smov.u32 s8;
	s9 =	sadd.s32 $0x80, s8  }
0x73: {  	[tilespmem:s2], [sflag:$0x3] =	stream.linear.gather [hbm4b:s11+s2], $0x400, $0x38;
	[tilespmem:$0x1C100] =	vst v63  }
0x74: {  	p1 =	sne.s32 s8, $0x480;
	_ =	swait.ge [sflag:s12], $0x400  }
0x75: {  	[sflag:s12] =	ssyncset.done $0x0  }
0x76: {  	s8 =	sadd.s32 $0xA000, s11;
	[sflag:s12] =	ssyncadd.s32 $0xFFFFFC00  }
0x77: {  	[tilespmem:s14], [sflag:$0x3] =	stream.linear.gather [hbm4b:s8+s2], $0x400, $0x38;
	[tilespmem:$0x1C100] =	vst v63  }
0x78: {  	_ =	swait.ge [sflag:s12], $0x400  }
0x79: {  	[sflag:s12] =	ssyncset.done $0x0  }
0x7a: {  	[sflag:s12] =	ssyncadd.s32 $0xFFFFFC00  }
0x7b: {  	[tilespmem:s16], [sflag:$0x1] =	stream.indirect.gather [hbm4b:s3+s15], $0x80, s2, s15, $0xb8;
	[tilespmem:$0x1C100] =	vst v63  }
0x7c: {  	_ =	swait.ge [sflag:s17], $0x4000  }
0x7d: {  	[sflag:s17] =	ssyncset.done $0x0  }
0x7e: {  	[sflag:s17] =	ssyncadd.s32 $0xFFFFC000  }
0x7f: {  	[tilespmem:s18], [sflag:$0x2] =	stream.indirect.gather [hbm4b:s3+s15], $0x80, s15, s15, $0xb8;
	[tilespmem:$0x1C100] =	vst v63  }
0x80: {  	_ = 	snop  }
0x81: {  	[spmem:s1] =	stream.indirect.scatter.add.f32 [tilespmem:s16], [sflag:$0x3], $0x80, s14, s15, $0xb8;
	[tilespmem:$0x1C100] =	vst v63  }
0x82: {  	_ =	swait.ge [sflag:s12], $0x4000  }
0x83: {  	[sflag:s12] =	ssyncset.done $0x0  }
0x84: {  	[sflag:s12] =	ssyncadd.s32 $0xFFFFC000  }
0x85: {  	_ =	swait.ge [sflag:s19], $0x4000  }
0x86: {  	[sflag:s19] =	ssyncset.done $0x0  }
0x87: {  	[sflag:s19] =	ssyncadd.s32 $0xFFFFC000  }
0x88: {  	[tilespmem:s16], [sflag:$0x1] =	stream.indirect.gather [hbm4b:s3+s15], $0x80, s20, s15, $0xb8;
	[tilespmem:$0x1C100] =	vst v63  }
0x89: {  	_ = 	snop  }
0x8a: {  	[spmem:s1] =	stream.indirect.scatter.add.f32 [tilespmem:s18], [sflag:$0x3], $0x80, s21, s15, $0xb8;
	[tilespmem:$0x1C100] =	vst v63  }
0x8b: {  	_ =	swait.ge [sflag:s12], $0x4000  }
0x8c: {  	[sflag:s12] =	ssyncset.done $0x0  }
0x8d: {  	[sflag:s12] =	ssyncadd.s32 $0xFFFFC000  }
0x8e: {  	_ =	swait.ge [sflag:s17], $0x4000  }
0x8f: {  	[sflag:s17] =	ssyncset.done $0x0  }
0x90: {  	[sflag:s17] =	ssyncadd.s32 $0xFFFFC000  }
0x91: {  	[tilespmem:s18], [sflag:$0x2] =	stream.indirect.gather [hbm4b:s3+s15], $0x80, s22, s15, $0xb8;
	[tilespmem:$0x1C100] =	vst v63  }
0x92: {  	_ = 	snop  }
0x93: {  	[spmem:s1] =	stream.indirect.scatter.add.f32 [tilespmem:s16], [sflag:$0x3], $0x80, s23, s15, $0xb8;
	[tilespmem:$0x1C100] =	vst v63  }
0x94: {  	_ =	swait.ge [sflag:s12], $0x4000  }
0x95: {  	[sflag:s12] =	ssyncset.done $0x0  }
0x96: {  	[sflag:s12] =	ssyncadd.s32 $0xFFFFC000  }
0x97: {  	_ =	swait.ge [sflag:s19], $0x4000  }
0x98: {  	[sflag:s19] =	ssyncset.done $0x0  }
0x99: {  	[sflag:s19] =	ssyncadd.s32 $0xFFFFC000  }
0x9a: {  	[tilespmem:s16], [sflag:$0x1] =	stream.indirect.gather [hbm4b:s3+s15], $0x80, s24, s15, $0xb8;
	[tilespmem:$0x1C100] =	vst v63  }
0x9b: {  	_ = 	snop  }
0x9c: {  	[spmem:s1] =	stream.indirect.scatter.add.f32 [tilespmem:s18], [sflag:$0x3], $0x80, s25, s15, $0xb8;
	[tilespmem:$0x1C100] =	vst v63  }
0x9d: {  	_ =	swait.ge [sflag:s12], $0x4000  }
0x9e: {  	[sflag:s12] =	ssyncset.done $0x0  }
0x9f: {  	[sflag:s12] =	ssyncadd.s32 $0xFFFFC000  }
0xa0: {  	_ =	swait.ge [sflag:s17], $0x4000  }
0xa1: {  	[sflag:s17] =	ssyncset.done $0x0  }
0xa2: {  	[sflag:s17] =	ssyncadd.s32 $0xFFFFC000  }
0xa3: {  	[tilespmem:s18], [sflag:$0x2] =	stream.indirect.gather [hbm4b:s3+s15], $0x80, s26, s15, $0xb8;
	[tilespmem:$0x1C100] =	vst v63  }
0xa4: {  	_ = 	snop  }
0xa5: {  	[spmem:s1] =	stream.indirect.scatter.add.f32 [tilespmem:s16], [sflag:$0x3], $0x80, s28, s15, $0xb8;
	[tilespmem:$0x1C100] =	vst v63  }
0xa6: {  	_ =	swait.ge [sflag:s12], $0x4000  }
0xa7: {  	[sflag:s12] =	ssyncset.done $0x0  }
0xa8: {  	[sflag:s12] =	ssyncadd.s32 $0xFFFFC000  }
0xa9: {  	_ =	swait.ge [sflag:s19], $0x4000  }
0xaa: {  	[sflag:s19] =	ssyncset.done $0x0  }
0xab: {  	[sflag:s19] =	ssyncadd.s32 $0xFFFFC000  }
0xac: {  	[tilespmem:s16], [sflag:$0x1] =	stream.indirect.gather [hbm4b:s3+s15], $0x80, s29, s15, $0xb8;
	[tilespmem:$0x1C100] =	vst v63  }
0xad: {  	_ = 	snop  }
0xae: {  	[spmem:s1] =	stream.indirect.scatter.add.f32 [tilespmem:s18], [sflag:$0x3], $0x80, s30, s15, $0xb8;
	[tilespmem:$0x1C100] =	vst v63  }
0xaf: {  	_ =	swait.ge [sflag:s12], $0x4000  }
0xb0: {  	[sflag:s12] =	ssyncset.done $0x0  }
0xb1: {  	[sflag:s12] =	ssyncadd.s32 $0xFFFFC000  }
0xb2: {  	_ =	swait.ge [sflag:s17], $0x4000  }
0xb3: {  	[sflag:s17] =	ssyncset.done $0x0  }
0xb4: {  	[sflag:s17] =	ssyncadd.s32 $0xFFFFC000  }
0xb5: {  	[tilespmem:s18], [sflag:$0x2] =	stream.indirect.gather [hbm4b:s3+s15], $0x80, s31, s15, $0xb8;
	[tilespmem:$0x1C100] =	vst v63  }
0xb6: {  	_ = 	snop  }
0xb7: {  	[spmem:s1] =	stream.indirect.scatter.add.f32 [tilespmem:s16], [sflag:$0x3], $0x80, s0, s15, $0xb8;
	[tilespmem:$0x1C100] =	vst v63  }
0xb8: {  	_ =	swait.ge [sflag:s12], $0x4000  }
0xb9: {  	[sflag:s12] =	ssyncset.done $0x0  }
0xba: {  	[sflag:s12] =	ssyncadd.s32 $0xFFFFC000  }
0xbb: {  	_ =	swait.ge [sflag:s19], $0x4000  }
.Ltmp0:
0xbc: {  	[sflag:s19] =	ssyncset.done $0x0;
	(pc) =	sbr.rel @p1 .LBB2_2-.Ltmp0, $4  }
0xbd: {  	[sflag:s19] =	ssyncadd.s32 $0xFFFFC000  }
0xbe: {  	[spmem:s1] =	stream.indirect.scatter.add.f32 [tilespmem:s18], [sflag:$0x3], $0x80, s4, s15, $0xb8;
	[tilespmem:$0x1C100] =	vst v63  }
0xbf: {  	_ =	swait.ge [sflag:s12], $0x4000  }
0xc0: {  	s8 =	smov.u32 s9;
	[sflag:s12] =	ssyncset.done $0x0  }
0xc1: {  	s7 =	sadd.s32 s7, s10;
	[sflag:s12] =	ssyncadd.s32 $0xFFFFC000  }
0xc2: {  	[tilespmem:s2], [sflag:$0x3] =	stream.linear.gather [hbm4b:s7+s2], $0x400, $0x38;
	[tilespmem:$0x1C100] =	vst v63  }
0xc3: {  	_ =	swait.ge [sflag:s12], $0x400  }
0xc4: {  	[sflag:s12] =	ssyncset.done $0x0  }
0xc5: {  	s7 =	sadd.s32 $0xA000, s7;
	[sflag:s12] =	ssyncadd.s32 $0xFFFFFC00  }
0xc6: {  	[tilespmem:s14], [sflag:$0x3] =	stream.linear.gather [hbm4b:s7+s2], $0x400, $0x38;
	[tilespmem:$0x1C100] =	vst v63  }
0xc7: {  	_ =	swait.ge [sflag:s12], $0x400  }
0xc8: {  	[sflag:s12] =	ssyncset.done $0x0  }
0xc9: {  	[sflag:s12] =	ssyncadd.s32 $0xFFFFFC00  }
0xca: {  	[tilespmem:s16], [sflag:$0x1] =	stream.indirect.gather [hbm4b:s3+s15], $0x80, s2, s15, $0xb8;
	[tilespmem:$0x1C100] =	vst v63  }
0xcb: {  	_ =	swait.ge [sflag:s17], $0x4000  }
0xcc: {  	[sflag:s17] =	ssyncset.done $0x0  }
0xcd: {  	[sflag:s17] =	ssyncadd.s32 $0xFFFFC000  }
0xce: {  	[tilespmem:s18], [sflag:$0x2] =	stream.indirect.gather [hbm4b:s3+s15], $0x80, s15, s15, $0xb8;
	[tilespmem:$0x1C100] =	vst v63  }
0xcf: {  	_ = 	snop  }
0xd0: {  	[spmem:s1] =	stream.indirect.scatter.add.f32 [tilespmem:s16], [sflag:$0x3], $0x80, s14, s15, $0xb8;
	[tilespmem:$0x1C100] =	vst v63  }
0xd1: {  	_ =	swait.ge [sflag:s12], $0x4000  }
0xd2: {  	[sflag:s12] =	ssyncset.done $0x0  }
0xd3: {  	[sflag:s12] =	ssyncadd.s32 $0xFFFFC000  }
0xd4: {  	_ =	swait.ge [sflag:s19], $0x4000  }
0xd5: {  	[sflag:s19] =	ssyncset.done $0x0  }
0xd6: {  	[sflag:s19] =	ssyncadd.s32 $0xFFFFC000  }
0xd7: {  	[tilespmem:s16], [sflag:$0x1] =	stream.indirect.gather [hbm4b:s3+s15], $0x80, s20, s15, $0xb8;
	[tilespmem:$0x1C100] =	vst v63  }
0xd8: {  	_ = 	snop  }
0xd9: {  	[spmem:s1] =	stream.indirect.scatter.add.f32 [tilespmem:s18], [sflag:$0x3], $0x80, s21, s15, $0xb8;
	[tilespmem:$0x1C100] =	vst v63  }
0xda: {  	_ =	swait.ge [sflag:s12], $0x4000  }
0xdb: {  	[sflag:s12] =	ssyncset.done $0x0  }
0xdc: {  	[sflag:s12] =	ssyncadd.s32 $0xFFFFC000  }
0xdd: {  	_ =	swait.ge [sflag:s17], $0x4000  }
0xde: {  	[sflag:s17] =	ssyncset.done $0x0  }
0xdf: {  	[sflag:s17] =	ssyncadd.s32 $0xFFFFC000  }
0xe0: {  	[tilespmem:s18], [sflag:$0x2] =	stream.indirect.gather [hbm4b:s3+s15], $0x80, s22, s15, $0xb8;
	[tilespmem:$0x1C100] =	vst v63  }
0xe1: {  	_ = 	snop  }
0xe2: {  	[spmem:s1] =	stream.indirect.scatter.add.f32 [tilespmem:s16], [sflag:$0x3], $0x80, s23, s15, $0xb8;
	[tilespmem:$0x1C100] =	vst v63  }
0xe3: {  	_ =	swait.ge [sflag:s12], $0x4000  }
0xe4: {  	[sflag:s12] =	ssyncset.done $0x0  }
0xe5: {  	[sflag:s12] =	ssyncadd.s32 $0xFFFFC000  }
0xe6: {  	_ =	swait.ge [sflag:s19], $0x4000  }
0xe7: {  	[sflag:s19] =	ssyncset.done $0x0  }
0xe8: {  	[sflag:s19] =	ssyncadd.s32 $0xFFFFC000  }
0xe9: {  	[tilespmem:s16], [sflag:$0x1] =	stream.indirect.gather [hbm4b:s3+s15], $0x80, s24, s15, $0xb8;
	[tilespmem:$0x1C100] =	vst v63  }
0xea: {  	_ = 	snop  }
0xeb: {  	[spmem:s1] =	stream.indirect.scatter.add.f32 [tilespmem:s18], [sflag:$0x3], $0x80, s25, s15, $0xb8;
	[tilespmem:$0x1C100] =	vst v63  }
0xec: {  	_ =	swait.ge [sflag:s12], $0x4000  }
0xed: {  	[sflag:s12] =	ssyncset.done $0x0  }
0xee: {  	[sflag:s12] =	ssyncadd.s32 $0xFFFFC000  }
0xef: {  	_ =	swait.ge [sflag:s17], $0x4000  }
0xf0: {  	[sflag:s17] =	ssyncset.done $0x0  }
0xf1: {  	[sflag:s17] =	ssyncadd.s32 $0xFFFFC000  }
0xf2: {  	[tilespmem:s18], [sflag:$0x2] =	stream.indirect.gather [hbm4b:s3+s15], $0x80, s26, s15, $0xb8;
	[tilespmem:$0x1C100] =	vst v63  }
0xf3: {  	_ = 	snop  }
0xf4: {  	[spmem:s1] =	stream.indirect.scatter.add.f32 [tilespmem:s16], [sflag:$0x3], $0x80, s28, s15, $0xb8;
	[tilespmem:$0x1C100] =	vst v63  }
0xf5: {  	_ =	swait.ge [sflag:s12], $0x4000  }
0xf6: {  	[sflag:s12] =	ssyncset.done $0x0  }
0xf7: {  	[sflag:s12] =	ssyncadd.s32 $0xFFFFC000  }
0xf8: {  	_ =	swait.ge [sflag:s19], $0x4000  }
0xf9: {  	[sflag:s19] =	ssyncset.done $0x0  }
0xfa: {  	[sflag:s19] =	ssyncadd.s32 $0xFFFFC000  }
0xfb: {  	[tilespmem:s16], [sflag:$0x1] =	stream.indirect.gather [hbm4b:s3+s15], $0x80, s29, s15, $0xb8;
	[tilespmem:$0x1C100] =	vst v63  }
0xfc: {  	_ = 	snop  }
0xfd: {  	[spmem:s1] =	stream.indirect.scatter.add.f32 [tilespmem:s18], [sflag:$0x3], $0x80, s30, s15, $0xb8;
	[tilespmem:$0x1C100] =	vst v63  }
0xfe: {  	_ =	swait.ge [sflag:s12], $0x4000  }
0xff: {  	[sflag:s12] =	ssyncset.done $0x0  }
0x100: {  	[sflag:s12] =	ssyncadd.s32 $0xFFFFC000  }
0x101: {  	_ =	swait.ge [sflag:s17], $0x4000  }
0x102: {  	[sflag:s17] =	ssyncset.done $0x0  }
0x103: {  	[sflag:s17] =	ssyncadd.s32 $0xFFFFC000  }
0x104: {  	[tilespmem:s18], [sflag:$0x2] =	stream.indirect.gather [hbm4b:s3+s15], $0x80, s31, s15, $0xb8;
	[tilespmem:$0x1C100] =	vst v63  }
0x105: {  	_ = 	snop  }
0x106: {  	[spmem:s1] =	stream.indirect.scatter.add.f32 [tilespmem:s16], [sflag:$0x3], $0x80, s0, s15, $0xb8;
	[tilespmem:$0x1C100] =	vst v63  }
0x107: {  	_ =	swait.ge [sflag:s12], $0x4000  }
0x108: {  	[sflag:s12] =	ssyncset.done $0x0  }
0x109: {  	[sflag:s12] =	ssyncadd.s32 $0xFFFFC000  }
0x10a: {  	_ =	swait.ge [sflag:s19], $0x4000  }
0x10b: {  	[sflag:s19] =	ssyncset.done $0x0  }
0x10c: {  	[sflag:s19] =	ssyncadd.s32 $0xFFFFC000  }
0x10d: {  	[spmem:s1] =	stream.indirect.scatter.add.f32 [tilespmem:s18], [sflag:$0x3], $0x80, s4, s15, $0xb8;
	[tilespmem:$0x1C100] =	vst v63  }
0x10e: {  	_ =	swait.ge [sflag:s12], $0x4000  }
0x10f: {  	[sflag:s12] =	ssyncset.done $0x0  }
0x110: {  	[sflag:s12] =	ssyncadd.s32 $0xFFFFC000  }
0x111: {  	[bflag:$0x0] =	sbarrier.arrive $0xFFFF  }
0x112: {  	s11 =	rddreg [dreg:$0x5]  }
0x113: {  	[hbm:s11], [sflag:s5] =	dma.local [spmem:s13], $0x2700  }
0x114: {  	_ =	swait.ge [sflag:s12], $0x2700  }
0x115: {  	[sflag:s12] =	ssyncset.done $0x0;
	s7 =	rddreg [dreg:$0x6]  }
0x116: {  	s11 =	rddreg [dreg:$0x8];
	[sflag:s12] =	ssyncadd.s32 $0xFFFFD900  }
0x117: {  	[hbm:s7], [sflag:s5] =	dma.local @!p0 [spmem:s11], $0x100  }
0x118: {  	s7 =	simm.s32 @!p0 $0x3  }
0x119: {  	_ =	swait.ge @!p0 [sflag:s7], $0x100  }
0x11a: {  	s6 =	sadd.s32 $0x1, s6;
	s8 =	rddreg [dreg:$0x7]  }
0x11b: {  	p1 =	sne.s32 s6, s8  }
.Ltmp1:
0x11c: {  	_ = 	snop;
	(pc) =	sbr.rel @p1 .LBB2_1-.Ltmp1, $3  }
0x11d: {  	_ =	sdelay $0x1  }
0x11e: {  	[sflag:s7] =	ssyncset.done @!p0 $0x0  }
0x11f: {  	s9 =	smov.u32 s13;
	[sflag:s7] =	ssyncadd.s32 @!p0 $0xFFFFFF00  }
0x120: {  	_ =	sfence.sel $0x180000  }
0x121: {  	[bflag:$0x0] =	sbarrier.arrive $0xFFFF  }
0x122: {  	_ =	strace $0x90000050  }
0x123: {  	[bflag:$0x2] =	sbarrier.arrive $0xFFFF  }
0x124: {  	s0 =	rddreg [dreg:$0x2]  }
0x125: {  	s0 =	sadd.s32 @!p0 $0x100000, s0  }
0x126: {  	[sflag:s0] =	ssyncadd.tile.s32 @!p0 $0x1;
	_ =	shalt  }
.Lfunc_end2:
_tile_overlayer_lowered:
.L_overlay_start_2:
0x127: {  	(tag) =	ssettag $0x2  }
0x128: {  	s0 =	rddreg [dreg:$0x0];
	s2 =	stileid.u32  }
0x129: {  	s1 =	rddreg [dreg:$0x1];
	p0 =	sne.s32 s2, $0x0  }
0x12a: {  	s3 =	rddreg [dreg:$0x2];
	[bflag:$0x3] =	sbarrier.arrive $0xFFFF;
	s2 =	simm.s32 @!p0 $0x1C03  }
0x12b: {  	[timem:s3], [sflag:s2] =	dma.local @!p0 [hbm:s0], s1  }
0x12c: {  	s0 =	simm.s32 @!p0 $0x3  }
0x12d: {  	_ =	swait.ge @!p0 [sflag:s0], s1  }
0x12e: {  	s1 =	ssub.s32 @!p0 $0x0, s1;
	[sflag:s0] =	ssyncset.done @!p0 $0x0  }
0x12f: {  	[sflag:s0] =	ssyncadd.s32 @!p0 s1  }
0x130: {  	[bflag:$0x3] =	sbarrier.arrive $0xFFFF  }
0x131: {  	_ =	shalt  }

</sc_bundles>
